<compile_context>
chip_gen: v7x
topology: tpu7x:2x2x1
jax: 0.10.2.dev20260603
libtpu: 0.0.44.dev20260713+nightly
codegen_flags: <defaults>
</compile_context>

<pallas_src>
import functools

import numpy as np
import jax
import jax.numpy as jnp
from jax import lax
from jax.experimental import pallas as pl
from jax.experimental.pallas import tpu as pltpu
from jax.experimental.pallas import tpu_sc as plsc

jax.config.update("jax_enable_x64", True)

G = 256
NW = 32
ROWS_W = G // NW
NODES_W = ROWS_W * G
EPR = 4 * (G - 1) + 1
E_W = ROWS_W * EPR
A_W = ROWS_W * 2 * (G - 1)
N_EDGES = (G - 1) * EPR + (G - 1)
N_TRIS = 2 * (G - 1) * (G - 1)
PIXW = 1024 * 3


def _build_constants():
    r = np.arange(G - 1)
    c = np.arange(G - 1)
    rr, cc = np.meshgrid(r, c, indexing="ij")
    n = rr * G + cc
    e4 = np.stack([
        np.stack([n, n + 1], -1),
        np.stack([n, n + G + 1], -1),
        np.stack([n, n + G], -1),
        np.stack([n + 1, n + G], -1),
    ], axis=2)
    last_col = np.stack([r * G + (G - 1), r * G + (G - 1) + G], -1).reshape(G - 1, 1, 2)
    rows = np.concatenate([e4.reshape(G - 1, -1, 2), last_col], axis=1)
    lastrow_n = (G - 1) * G + c
    last = np.stack([lastrow_n, lastrow_n + 1], -1)
    ei = np.concatenate([rows.reshape(-1, 2), last], axis=0).T.astype(np.int64)

    t0 = np.stack([n, n + 1, n + G + 1], axis=-1)
    t1 = np.stack([n, n + G + 1, n + G], axis=-1)
    tri = np.stack([t0, t1], axis=2).reshape(-1, 3).T.astype(np.int64)

    ra = np.arange(G)[:, None] * np.ones((1, G), np.int64)
    ca = np.ones((G, 1), np.int64) * np.arange(G)[None, :]
    specs = [
        (ra, 4 * ca, ca < G - 1),
        (ra, 4 * ca - 4, ca > 0),
        (ra, 4 * ca + 2, ra < G - 1),
        (ra - 1, 4 * ca + 2, ra > 0),
        (ra, 4 * ca + 1, (ra < G - 1) & (ca < G - 1)),
        (ra - 1, 4 * ca - 3, (ra > 0) & (ca > 0)),
        (ra, 4 * ca - 1, (ra < G - 1) & (ca > 0)),
        (ra - 1, 4 * ca + 3, (ra > 0) & (ca < G - 1)),
    ]
    base_row = 8 * (ra // 8) - 1
    pad = ((ra % 8) + 1) * 1024 + 1023
    inc = np.zeros((8, G, G), np.int64)
    deg = np.zeros((G, G), np.int64)
    for s, (er, off, ok) in enumerate(specs):
        lid = (er - base_row) * 1024 + off
        inc[s] = np.where(ok, lid, pad)
        deg += ok
    invdeg = (1.0 / deg).astype(np.float32)
    return ei, tri, inc.reshape(-1).astype(np.int32), invdeg.reshape(-1)


_EI_NP, _TRI_NP, _INC_NP, _INVDEG_NP = _build_constants()


def _rsqrt(q):
    i = plsc.bitcast(q, jnp.int32)
    i = jnp.int32(0x5F3759DF) - (i >> 1)
    r = plsc.bitcast(i, jnp.float32)
    hq = 0.5 * q
    r = r * (1.5 - hq * r * r)
    r = r * (1.5 - hq * r * r)
    return r


_mesh = plsc.VectorSubcoreMesh(core_axis_name="c", subcore_axis_name="s")


@functools.partial(
    pl.kernel,
    mesh=_mesh,
    compiler_params=pltpu.CompilerParams(needs_layout_passes=False),
    out_type=[
        jax.ShapeDtypeStruct((G * G * 3,), jnp.float32),
        jax.ShapeDtypeStruct((G * G * 3,), jnp.float32),
        jax.ShapeDtypeStruct((G * G,), jnp.float32),
        jax.ShapeDtypeStruct((NW * E_W,), jnp.float32),
        jax.ShapeDtypeStruct((NW * A_W,), jnp.float32),
    ],
    scratch_types=[
        pltpu.VMEM((2560,), jnp.int32),
        pltpu.VMEM((10 * PIXW,), jnp.float32),
        pltpu.VMEM((9216,), jnp.float32),
        pltpu.VMEM((E_W,), jnp.float32),
        pltpu.VMEM((A_W,), jnp.float32),
        pltpu.VMEM((16384,), jnp.int32),
        pltpu.VMEM((NODES_W,), jnp.float32),
        pltpu.VMEM((NODES_W,), jnp.float32),
        pltpu.VMEM((3 * NODES_W,), jnp.float32),
        pltpu.SemaphoreType.DMA,
    ],
)
def _sc_graph(points, norms, vp, inc, invdeg,
              edp_out, edn_out, radii_out, lens_out, areas_out,
              idx_f, slab, lpad, lens_st, areas_st,
              inc_v, invdeg_v, radii_st, ed_st, sem):
    i32 = jnp.int32
    wid = lax.axis_index("s") * 2 + lax.axis_index("c")
    iota = lax.iota(jnp.int32, 16)
    big = i32(1 << 30)

    pltpu.sync_copy(vp.at[pl.ds(NODES_W * wid, 2560)], idx_f)

    def row_id(l):
        vec = idx_f[pl.ds(i32(256 * l), 16)]
        return jnp.min(jnp.where(iota == 0, vec, big)) >> 10

    def pull_rows(src, rows):
        hs = []
        for l in rows:
            rid = row_id(l)
            hs.append(pltpu.async_copy(
                src.at[pl.ds(rid * PIXW, PIXW)],
                slab.at[pl.ds(i32(PIXW * l), PIXW)], sem))
        for h in hs:
            h.wait()

    pull_rows(points, range(10))

    for s in range(8):
        pltpu.sync_copy(inc.at[pl.ds(65536 * s + NODES_W * wid, 2048)],
                        inc_v.at[pl.ds(i32(2048 * s), 2048)])
    pltpu.sync_copy(invdeg.at[pl.ds(NODES_W * wid, NODES_W)], invdeg_v)

    def ldp(nidx):
        nf = plsc.load_gather(idx_f, [nidx])
        li = PIXW * (nidx >> 8) + 3 * (nf & i32(1023))
        return (plsc.load_gather(slab, [li]),
                plsc.load_gather(slab, [li + 1]),
                plsc.load_gather(slab, [li + 2]))

    def ed_pass(out_ref):
        def ebody(m, carry):
            n = 256 + 16 * m + iota
            x, y, z = ldp(n)
            o = 3 * (16 * m + iota)
            plsc.store_scatter(ed_st, [o], x)
            plsc.store_scatter(ed_st, [o + 1], y)
            plsc.store_scatter(ed_st, [o + 2], z)
            return carry
        lax.fori_loop(i32(0), i32(NODES_W // 16), ebody, i32(0))
        pltpu.sync_copy(ed_st, out_ref.at[pl.ds(3 * NODES_W * wid, 3 * NODES_W)])

    ed_pass(edp_out)

    def dist2(ax, ay, az, bx, by, bz):
        dx = bx - ax
        dy = by - ay
        dz = bz - az
        return dx * dx + dy * dy + dz * dz, (dx, dy, dz)

    def body(it, carry):
        l = lax.div(it, i32(16))
        k = lax.rem(it, i32(16))
        r_glob = 8 * wid - 1 + l
        base = 256 * l + 16 * k
        cvec = 16 * k + iota
        ax, ay, az = ldp(base + iota)
        bx, by, bz = ldp(base + 1 + iota)
        cx, cy, cz = ldp(jnp.minimum(base + 257 + iota, 2559))
        dx_, dy_, dz_ = ldp(base + 256 + iota)

        q0, dAB = dist2(ax, ay, az, bx, by, bz)
        q1, dAC = dist2(ax, ay, az, cx, cy, cz)
        q2, dAD = dist2(ax, ay, az, dx_, dy_, dz_)
        q3, _ = dist2(bx, by, bz, dx_, dy_, dz_)
        Ls = [q * _rsqrt(q) for q in (q0, q1, q2, q3)]

        not_lastcol = cvec < G - 1
        row_ok = jnp.broadcast_to(r_glob < G - 1, (16,))
        is_last = jnp.broadcast_to(r_glob == G - 1, (16,))
        lpos = jnp.broadcast_to(l > 0, (16,))
        valids = [not_lastcol, row_ok & not_lastcol, row_ok, row_ok & not_lastcol]

        for t in range(4):
            plsc.store_scatter(lpad, [1024 * l + 4 * cvec + t],
                               jnp.where(valids[t], Ls[t], 0.0))
            if t == 0:
                off = jnp.where(is_last, cvec, 4 * cvec)
                m = not_lastcol & lpos
            else:
                off = jnp.where(cvec == G - 1, 1020, 4 * cvec + t)
                m = valids[t] & lpos
            sidx = jnp.clip(EPR * (l - 1) + off, 0, E_W - 1)
            plsc.store_scatter(lens_st, [sidx], Ls[t], mask=m)

        am = not_lastcol & row_ok & lpos
        ux, uy, uz = dAB
        vx, vy, vz = dAC
        wx, wy, wz = dAD
        cr0x = uy * vz - uz * vy
        cr0y = uz * vx - ux * vz
        cr0z = ux * vy - uy * vx
        cr1x = vy * wz - vz * wy
        cr1y = vz * wx - vx * wz
        cr1z = vx * wy - vy * wx
        qa0 = cr0x * cr0x + cr0y * cr0y + cr0z * cr0z + 1e-13
        qa1 = cr1x * cr1x + cr1y * cr1y + cr1z * cr1z + 1e-13
        a0 = 0.5 * qa0 * _rsqrt(qa0)
        a1 = 0.5 * qa1 * _rsqrt(qa1)
        abase = jnp.clip(510 * (l - 1) + 2 * cvec, 0, A_W - 2)
        plsc.store_scatter(areas_st, [abase], a0, mask=am)
        plsc.store_scatter(areas_st, [abase + 1], a1, mask=am)
        return carry

    lax.fori_loop(i32(0), i32(9 * 16), body, i32(0))

    pull_rows(norms, range(1, 9))
    ed_pass(edn_out)

    def rbody(m, carry):
        base = 16 * m
        acc = plsc.load_gather(lpad, [inc_v[pl.ds(base, 16)]])
        for s in range(1, 8):
            acc = acc + plsc.load_gather(lpad, [inc_v[pl.ds(2048 * s + base, 16)]])
        radii_st[pl.ds(base, 16)] = acc * invdeg_v[pl.ds(base, 16)]
        return carry

    lax.fori_loop(i32(0), i32(NODES_W // 16), rbody, i32(0))

    pltpu.sync_copy(radii_st, radii_out.at[pl.ds(NODES_W * wid, NODES_W)])
    pltpu.sync_copy(lens_st, lens_out.at[pl.ds(E_W * wid, E_W)])
    pltpu.sync_copy(areas_st, areas_out.at[pl.ds(A_W * wid, A_W)])


def kernel(points, norms, valid, index_map):
    del valid
    vp = index_map[0:4 * (G - 1) + 1:4, 0:4 * (G - 1) + 1:4]
    vp = vp.reshape(-1).astype(jnp.int32)
    vp_pad = jnp.concatenate([vp[:G], vp, vp[-G:]])
    edp, edn, radii, lens_p, areas_p = _sc_graph(
        points.reshape(-1), norms.reshape(-1), vp_pad,
        jnp.asarray(_INC_NP), jnp.asarray(_INVDEG_NP))
    return (edp.reshape(G * G, 3), edn.reshape(G * G, 3), radii,
            jnp.asarray(_EI_NP), lens_p[:N_EDGES],
            jnp.asarray(_TRI_NP), areas_p[:N_TRIS])

# --- scband reference (transcript-rebuilt; emitter-appended) ---
"""Pipeline reference for scband-direct-deform-graph-62466004353148 (READ-ONLY COPY).

The authoritative reference and input builder live on the scoring server;
editing this copy changes nothing except your own understanding.
"""

import jax, jax.numpy as jnp
import numpy as np

jax.config.update("jax_enable_x64", True)

H = 1024
W = 1024
MESH_STEP = 4


def init_graph(valid, step=1):
    h, w = valid.shape
    u = np.arange(0, w - 1, step)
    v = np.arange(0, h - 1, step)
    u, v = np.meshgrid(u, v, indexing='xy')
    anchor_valid = valid[v, u]
    u = u[anchor_valid]
    v = v[anchor_valid]
    index_map = -np.ones((h, w), dtype=np.int64)
    index_map[v, u] = np.arange(u.shape[0], dtype=np.int64)
    edges = np.tile(np.stack([u, v], axis=1).reshape(-1, 1, 1, 2), (1, 4, 2, 1))
    edges[:, 0, 1, 0] += step
    edges[:, 1, 1, 0] += step
    edges[:, 1, 1, 1] += step
    edges[:, 2, 1, 1] += step
    edges[:, 3, 0, 0] += step
    edges[:, 3, 1, 1] += step
    faces = np.concatenate([
        np.tile(np.stack([u, v], axis=1).reshape(-1, 1, 1, 2), (1, 2, 1, 1)),
        np.stack([edges[:, 0:2, 1, :], edges[:, 1:3, 1, :]], axis=1),
    ], axis=2)
    valid_p = np.pad(valid, ((0, step), (0, step)), constant_values=False)
    edge_keep = ~np.any(~valid_p[edges[..., 1], edges[..., 0]], axis=2)
    edges = edges[edge_keep]
    edges = index_map[edges[..., 1], edges[..., 0]]
    edges = edges[~np.any(edges < 0, axis=1)]
    face_keep = ~np.any(~valid_p[faces[..., 1], faces[..., 0]], axis=2)
    faces = faces[face_keep]
    faces = index_map[faces[..., 1], faces[..., 0]]
    faces = faces[~np.any(faces < 0, axis=1)]
    return index_map >= 0, edges.T, faces.T


def setup_inputs(seed: int = 0):
    key = jax.random.key(seed)
    k1, k2 = jax.random.split(key)
    points = jax.random.normal(k1, (H * W, 3), dtype=jnp.float32)
    norms = jax.random.normal(k2, (H * W, 3), dtype=jnp.float32)
    valid = jnp.ones((H * W,), dtype=bool)
    index_map = jnp.arange(H * W, dtype=jnp.int64).reshape(H, W)
    return {"points": points, "norms": norms, "valid": valid, "index_map": index_map}


def reference(points, norms, valid, index_map):
    # grid_mesh path of DirectDeformGraph.forward / init_ED_nodes
    val_mask, edge_index, triangles = init_graph(np.ones(index_map.shape, dtype=bool), step=MESH_STEP)
    edge_index = jnp.asarray(edge_index)
    triangles = jnp.asarray(triangles)
    val_points = index_map[val_mask]
    ED_points = points[val_points]
    ED_norms = norms[val_points]
    num = ED_points.shape[0]
    edges_lens = jnp.linalg.norm(ED_points[edge_index[0]] - ED_points[edge_index[1]], axis=1)
    # radii[k] = mean length of edges touching node k (vectorized, exact since no self-loops)
    deg = jnp.zeros((num,), jnp.float32).at[edge_index[0]].add(1.0).at[edge_index[1]].add(1.0)
    lsum = jnp.zeros((num,), jnp.float32).at[edge_index[0]].add(edges_lens).at[edge_index[1]].add(edges_lens)
    radii = jnp.where(deg > 0, lsum / jnp.maximum(deg, 1.0), jnp.nan)
    invalid = jnp.isnan(radii)
    radii = jnp.where(invalid, jnp.nanmean(radii), radii)
    tri_c = jnp.cross(ED_points[triangles[1]] - ED_points[triangles[0]],
                      ED_points[triangles[2]] - ED_points[triangles[0]], axis=1)
    triangles_areas = 0.5 * jnp.sqrt((tri_c ** 2).sum(1) + 1e-13)
    return ED_points, ED_norms, radii, edge_index, edges_lens, triangles, triangles_areas

if __name__ == "__main__":
    import jax
    _d = setup_inputs()
    print(jax.jit(kernel)(*tuple(_d.values())))

</pallas_src>

<mosaic_0001>
#map = affine_map<(d0, d1) -> (0)>
module attributes {stable_mosaic.version = 14 : i64} {
  func.func @_sc_graph(%arg0: i32, %arg1: i32, %arg2: memref<3145728xf32, #tpu.memory_space<hbm>>, %arg3: memref<3145728xf32, #tpu.memory_space<hbm>>, %arg4: memref<66048xi32, #tpu.memory_space<hbm>>, %arg5: memref<524288xi32, #tpu.memory_space<hbm>>, %arg6: memref<65536xf32, #tpu.memory_space<hbm>>, %arg7: memref<196608xf32, #tpu.memory_space<hbm>>, %arg8: memref<196608xf32, #tpu.memory_space<hbm>>, %arg9: memref<65536xf32, #tpu.memory_space<hbm>>, %arg10: memref<261376xf32, #tpu.memory_space<hbm>>, %arg11: memref<130560xf32, #tpu.memory_space<hbm>>, %arg12: memref<2560xi32, #tpu.memory_space<vmem>>, %arg13: memref<30720xf32, #tpu.memory_space<vmem>>, %arg14: memref<9216xf32, #tpu.memory_space<vmem>>, %arg15: memref<8168xf32, #tpu.memory_space<vmem>>, %arg16: memref<4080xf32, #tpu.memory_space<vmem>>, %arg17: memref<16384xi32, #tpu.memory_space<vmem>>, %arg18: memref<2048xf32, #tpu.memory_space<vmem>>, %arg19: memref<2048xf32, #tpu.memory_space<vmem>>, %arg20: memref<6144xf32, #tpu.memory_space<vmem>>, %arg21: memref<!tpu.dma_semaphore, #tpu.memory_space<semaphore_mem>>) attributes {dimension_semantics = [#tpu.dimension_semantics<core_parallel>, #tpu.dimension_semantics<subcore_parallel>], iteration_bounds = array<i64: 2, 16>, scalar_prefetch = 0 : i64, scratch_operands = 10 : i64, tpu.core_type = #tpu.core_type<sc_vector_subcore>, window_params = [{transform_indices = #map}, {transform_indices = #map}, {transform_indices = #map}, {transform_indices = #map}, {transform_indices = #map}, {transform_indices = #map}, {transform_indices = #map}, {transform_indices = #map}, {transform_indices = #map}, {transform_indices = #map}]} {
    %mul3A = arith.constant 2 : i32
    %mul3A_0 = arith.muli %arg1, %mul3A : i32
    %add3A = arith.addi %mul3A_0, %arg0 : i32
    %iota3A = tpu.iota {dimensions = array<i32: 0>} : vector<16xi32>
    %mul3A_1 = arith.constant 2048 : i32
    %mul3A_2 = arith.muli %mul3A_1, %add3A : i32
    "tpu.region"() ({
      %run_scoped3A_646 = tpu.sem_alloc : memref<!tpu.dma_semaphore, #tpu.memory_space<semaphore_mem>>
      %dma_start3A_647 = tpu.memref_slice %arg4[%mul3A_2] : memref<66048xi32, #tpu.memory_space<hbm>> -> memref<2560xi32, #tpu.memory_space<hbm>>
      %dma_start3A_648 = tpu.memref_slice %arg4[%mul3A_2] : memref<66048xi32, #tpu.memory_space<hbm>> -> memref<2560xi32, #tpu.memory_space<hbm>>
      tpu.enqueue_dma source(%dma_start3A_648 : memref<2560xi32, #tpu.memory_space<hbm>>) target(%arg12 : memref<2560xi32, #tpu.memory_space<vmem>>) target_semaphore(%run_scoped3A_646 : memref<!tpu.dma_semaphore, #tpu.memory_space<semaphore_mem>>)
      %dma_wait3A_649 = tpu.memref_slice %arg4[%mul3A_2] : memref<66048xi32, #tpu.memory_space<hbm>> -> memref<2560xi32, #tpu.memory_space<hbm>>
      %dma_wait3A_650 = tpu.memref_slice %arg4[%mul3A_2] : memref<66048xi32, #tpu.memory_space<hbm>> -> memref<2560xi32, #tpu.memory_space<hbm>>
      tpu.wait_dma2 semaphore(%run_scoped3A_646 : memref<!tpu.dma_semaphore, #tpu.memory_space<semaphore_mem>>) src(%dma_wait3A_650 : memref<2560xi32, #tpu.memory_space<hbm>>) dst(%arg12 : memref<2560xi32, #tpu.memory_space<vmem>>)
      tpu.yield
    }) : () -> ()
    %get3A = arith.constant 0 : i32
    %get3A_3 = arith.index_cast %get3A : i32 to index
    %get3A_4 = tpu.vector_load %arg12[%get3A_3] {strides = array<i32>} : memref<2560xi32, #tpu.memory_space<vmem>>, vector<16xi32>,
    %eq3A = arith.constant 0 : i32
    %eq3A_5 = vector.broadcast %eq3A : i32 to vector<16xi32>
    %eq3A_6 = arith.cmpi eq, %iota3A, %eq3A_5 : vector<16xi32>
    %jit3A = arith.constant 1073741824 : i32
    %broadcast_in_dim3A = vector.broadcast %jit3A : i32 to vector<16xi32>
    %select_n3A = arith.select %eq3A_6, %get3A_4, %broadcast_in_dim3A : vector<16xi1>, vector<16xi32>
    %reduce_min3A = arith.constant true
    %reduce_min3A_7 = vector.broadcast %reduce_min3A : i1 to vector<16xi1>
    %reduce_min3A_8 = arith.constant -2147483648 : i32
    %reduce_min3A_9 = vector.broadcast %reduce_min3A_8 : i32 to vector<16xi32>
    %reduce_min3A_10 = arith.xori %select_n3A, %reduce_min3A_9 : vector<16xi32>
    %reduce_min3A_11 = tpu.scan <min>, %reduce_min3A_10 masked %reduce_min3A_7 : vector<16xi32>, vector<16xi1> -> vector<16xi32>
    %reduce_min3A_12 = arith.xori %reduce_min3A_11, %reduce_min3A_9 : vector<16xi32>
    %reduce_min3A_13 = vector.extract %reduce_min3A_12[15] : i32 from vector<16xi32>
    %shift_right_arithmetic3A = arith.constant 10 : i32
    %shift_right_arithmetic3A_14 = arith.shrsi %reduce_min3A_13, %shift_right_arithmetic3A : i32
    %mul3A_15 = arith.constant 3072 : i32
    %mul3A_16 = arith.muli %shift_right_arithmetic3A_14, %mul3A_15 : i32
    %dma_start3A = arith.constant 0 : i32
    %dma_start3A_17 = tpu.memref_slice %arg13[%dma_start3A] : memref<30720xf32, #tpu.memory_space<vmem>> -> memref<3072xf32, #tpu.memory_space<vmem>>
    %dma_start3A_18 = tpu.memref_slice %arg2[%mul3A_16] : memref<3145728xf32, #tpu.memory_space<hbm>> -> memref<3072xf32, #tpu.memory_space<hbm>>
    %dma_start3A_19 = tpu.memref_slice %arg13[%dma_start3A] : memref<30720xf32, #tpu.memory_space<vmem>> -> memref<3072xf32, #tpu.memory_space<vmem>>
    %dma_start3A_20 = tpu.memref_slice %arg2[%mul3A_16] : memref<3145728xf32, #tpu.memory_space<hbm>> -> memref<3072xf32, #tpu.memory_space<hbm>>
    tpu.enqueue_dma source(%dma_start3A_20 : memref<3072xf32, #tpu.memory_space<hbm>>) target(%dma_start3A_19 : memref<3072xf32, #tpu.memory_space<vmem>>) target_semaphore(%arg21 : memref<!tpu.dma_semaphore, #tpu.memory_space<semaphore_mem>>)
    %get3A_21 = arith.constant 256 : i32
    %get3A_22 = arith.index_cast %get3A_21 : i32 to index
    %get3A_23 = tpu.vector_load %arg12[%get3A_22] {strides = array<i32>} : memref<2560xi32, #tpu.memory_space<vmem>>, vector<16xi32>,
    %eq3A_24 = arith.constant 0 : i32
    %eq3A_25 = vector.broadcast %eq3A_24 : i32 to vector<16xi32>
    %eq3A_26 = arith.cmpi eq, %iota3A, %eq3A_25 : vector<16xi32>
    %jit3A_27 = arith.constant 1073741824 : i32
    %broadcast_in_dim3A_28 = vector.broadcast %jit3A_27 : i32 to vector<16xi32>
    %select_n3A_29 = arith.select %eq3A_26, %get3A_23, %broadcast_in_dim3A_28 : vector<16xi1>, vector<16xi32>
    %reduce_min3A_30 = arith.constant true
    %reduce_min3A_31 = vector.broadcast %reduce_min3A_30 : i1 to vector<16xi1>
    %reduce_min3A_32 = arith.constant -2147483648 : i32
    %reduce_min3A_33 = vector.broadcast %reduce_min3A_32 : i32 to vector<16xi32>
    %reduce_min3A_34 = arith.xori %select_n3A_29, %reduce_min3A_33 : vector<16xi32>
    %reduce_min3A_35 = tpu.scan <min>, %reduce_min3A_34 masked %reduce_min3A_31 : vector<16xi32>, vector<16xi1> -> vector<16xi32>
    %reduce_min3A_36 = arith.xori %reduce_min3A_35, %reduce_min3A_33 : vector<16xi32>
    %reduce_min3A_37 = vector.extract %reduce_min3A_36[15] : i32 from vector<16xi32>
    %shift_right_arithmetic3A_38 = arith.constant 10 : i32
    %shift_right_arithmetic3A_39 = arith.shrsi %reduce_min3A_37, %shift_right_arithmetic3A_38 : i32
    %mul3A_40 = arith.constant 3072 : i32
    %mul3A_41 = arith.muli %shift_right_arithmetic3A_39, %mul3A_40 : i32
    %dma_start3A_42 = arith.constant 3072 : i32
    %dma_start3A_43 = tpu.memref_slice %arg13[%dma_start3A_42] : memref<30720xf32, #tpu.memory_space<vmem>> -> memref<3072xf32, #tpu.memory_space<vmem>>
    %dma_start3A_44 = tpu.memref_slice %arg2[%mul3A_41] : memref<3145728xf32, #tpu.memory_space<hbm>> -> memref<3072xf32, #tpu.memory_space<hbm>>
    %dma_start3A_45 = tpu.memref_slice %arg13[%dma_start3A_42] : memref<30720xf32, #tpu.memory_space<vmem>> -> memref<3072xf32, #tpu.memory_space<vmem>>
    %dma_start3A_46 = tpu.memref_slice %arg2[%mul3A_41] : memref<3145728xf32, #tpu.memory_space<hbm>> -> memref<3072xf32, #tpu.memory_space<hbm>>
    tpu.enqueue_dma source(%dma_start3A_46 : memref<3072xf32, #tpu.memory_space<hbm>>) target(%dma_start3A_45 : memref<3072xf32, #tpu.memory_space<vmem>>) target_semaphore(%arg21 : memref<!tpu.dma_semaphore, #tpu.memory_space<semaphore_mem>>)
    %get3A_47 = arith.constant 512 : i32
    %get3A_48 = arith.index_cast %get3A_47 : i32 to index
    %get3A_49 = tpu.vector_load %arg12[%get3A_48] {strides = array<i32>} : memref<2560xi32, #tpu.memory_space<vmem>>, vector<16xi32>,
    %eq3A_50 = arith.constant 0 : i32
    %eq3A_51 = vector.broadcast %eq3A_50 : i32 to vector<16xi32>
    %eq3A_52 = arith.cmpi eq, %iota3A, %eq3A_51 : vector<16xi32>
    %jit3A_53 = arith.constant 1073741824 : i32
    %broadcast_in_dim3A_54 = vector.broadcast %jit3A_53 : i32 to vector<16xi32>
    %select_n3A_55 = arith.select %eq3A_52, %get3A_49, %broadcast_in_dim3A_54 : vector<16xi1>, vector<16xi32>
    %reduce_min3A_56 = arith.constant true
    %reduce_min3A_57 = vector.broadcast %reduce_min3A_56 : i1 to vector<16xi1>
    %reduce_min3A_58 = arith.constant -2147483648 : i32
    %reduce_min3A_59 = vector.broadcast %reduce_min3A_58 : i32 to vector<16xi32>
    %reduce_min3A_60 = arith.xori %select_n3A_55, %reduce_min3A_59 : vector<16xi32>
    %reduce_min3A_61 = tpu.scan <min>, %reduce_min3A_60 masked %reduce_min3A_57 : vector<16xi32>, vector<16xi1> -> vector<16xi32>
    %reduce_min3A_62 = arith.xori %reduce_min3A_61, %reduce_min3A_59 : vector<16xi32>
    %reduce_min3A_63 = vector.extract %reduce_min3A_62[15] : i32 from vector<16xi32>
    %shift_right_arithmetic3A_64 = arith.constant 10 : i32
    %shift_right_arithmetic3A_65 = arith.shrsi %reduce_min3A_63, %shift_right_arithmetic3A_64 : i32
    %mul3A_66 = arith.constant 3072 : i32
    %mul3A_67 = arith.muli %shift_right_arithmetic3A_65, %mul3A_66 : i32
    %dma_start3A_68 = arith.constant 6144 : i32
    %dma_start3A_69 = tpu.memref_slice %arg13[%dma_start3A_68] : memref<30720xf32, #tpu.memory_space<vmem>> -> memref<3072xf32, #tpu.memory_space<vmem>>
    %dma_start3A_70 = tpu.memref_slice %arg2[%mul3A_67] : memref<3145728xf32, #tpu.memory_space<hbm>> -> memref<3072xf32, #tpu.memory_space<hbm>>
    %dma_start3A_71 = tpu.memref_slice %arg13[%dma_start3A_68] : memref<30720xf32, #tpu.memory_space<vmem>> -> memref<3072xf32, #tpu.memory_space<vmem>>
    %dma_start3A_72 = tpu.memref_slice %arg2[%mul3A_67] : memref<3145728xf32, #tpu.memory_space<hbm>> -> memref<3072xf32, #tpu.memory_space<hbm>>
    tpu.enqueue_dma source(%dma_start3A_72 : memref<3072xf32, #tpu.memory_space<hbm>>) target(%dma_start3A_71 : memref<3072xf32, #tpu.memory_space<vmem>>) target_semaphore(%arg21 : memref<!tpu.dma_semaphore, #tpu.memory_space<semaphore_mem>>)
    %get3A_73 = arith.constant 768 : i32
    %get3A_74 = arith.index_cast %get3A_73 : i32 to index
    %get3A_75 = tpu.vector_load %arg12[%get3A_74] {strides = array<i32>} : memref<2560xi32, #tpu.memory_space<vmem>>, vector<16xi32>,
    %eq3A_76 = arith.constant 0 : i32
    %eq3A_77 = vector.broadcast %eq3A_76 : i32 to vector<16xi32>
    %eq3A_78 = arith.cmpi eq, %iota3A, %eq3A_77 : vector<16xi32>
    %jit3A_79 = arith.constant 1073741824 : i32
    %broadcast_in_dim3A_80 = vector.broadcast %jit3A_79 : i32 to vector<16xi32>
    %select_n3A_81 = arith.select %eq3A_78, %get3A_75, %broadcast_in_dim3A_80 : vector<16xi1>, vector<16xi32>
    %reduce_min3A_82 = arith.constant true
    %reduce_min3A_83 = vector.broadcast %reduce_min3A_82 : i1 to vector<16xi1>
    %reduce_min3A_84 = arith.constant -2147483648 : i32
    %reduce_min3A_85 = vector.broadcast %reduce_min3A_84 : i32 to vector<16xi32>
    %reduce_min3A_86 = arith.xori %select_n3A_81, %reduce_min3A_85 : vector<16xi32>
    %reduce_min3A_87 = tpu.scan <min>, %reduce_min3A_86 masked %reduce_min3A_83 : vector<16xi32>, vector<16xi1> -> vector<16xi32>
    %reduce_min3A_88 = arith.xori %reduce_min3A_87, %reduce_min3A_85 : vector<16xi32>
    %reduce_min3A_89 = vector.extract %reduce_min3A_88[15] : i32 from vector<16xi32>
    %shift_right_arithmetic3A_90 = arith.constant 10 : i32
    %shift_right_arithmetic3A_91 = arith.shrsi %reduce_min3A_89, %shift_right_arithmetic3A_90 : i32
    %mul3A_92 = arith.constant 3072 : i32
    %mul3A_93 = arith.muli %shift_right_arithmetic3A_91, %mul3A_92 : i32
    %dma_start3A_94 = arith.constant 9216 : i32
    %dma_start3A_95 = tpu.memref_slice %arg13[%dma_start3A_94] : memref<30720xf32, #tpu.memory_space<vmem>> -> memref<3072xf32, #tpu.memory_space<vmem>>
    %dma_start3A_96 = tpu.memref_slice %arg2[%mul3A_93] : memref<3145728xf32, #tpu.memory_space<hbm>> -> memref<3072xf32, #tpu.memory_space<hbm>>
    %dma_start3A_97 = tpu.memref_slice %arg13[%dma_start3A_94] : memref<30720xf32, #tpu.memory_space<vmem>> -> memref<3072xf32, #tpu.memory_space<vmem>>
    %dma_start3A_98 = tpu.memref_slice %arg2[%mul3A_93] : memref<3145728xf32, #tpu.memory_space<hbm>> -> memref<3072xf32, #tpu.memory_space<hbm>>
    tpu.enqueue_dma source(%dma_start3A_98 : memref<3072xf32, #tpu.memory_space<hbm>>) target(%dma_start3A_97 : memref<3072xf32, #tpu.memory_space<vmem>>) target_semaphore(%arg21 : memref<!tpu.dma_semaphore, #tpu.memory_space<semaphore_mem>>)
    %get3A_99 = arith.constant 1024 : i32
    %get3A_100 = arith.index_cast %get3A_99 : i32 to index
    %get3A_101 = tpu.vector_load %arg12[%get3A_100] {strides = array<i32>} : memref<2560xi32, #tpu.memory_space<vmem>>, vector<16xi32>,
    %eq3A_102 = arith.constant 0 : i32
    %eq3A_103 = vector.broadcast %eq3A_102 : i32 to vector<16xi32>
    %eq3A_104 = arith.cmpi eq, %iota3A, %eq3A_103 : vector<16xi32>
    %jit3A_105 = arith.constant 1073741824 : i32
    %broadcast_in_dim3A_106 = vector.broadcast %jit3A_105 : i32 to vector<16xi32>
    %select_n3A_107 = arith.select %eq3A_104, %get3A_101, %broadcast_in_dim3A_106 : vector<16xi1>, vector<16xi32>
    %reduce_min3A_108 = arith.constant true
    %reduce_min3A_109 = vector.broadcast %reduce_min3A_108 : i1 to vector<16xi1>
    %reduce_min3A_110 = arith.constant -2147483648 : i32
    %reduce_min3A_111 = vector.broadcast %reduce_min3A_110 : i32 to vector<16xi32>
    %reduce_min3A_112 = arith.xori %select_n3A_107, %reduce_min3A_111 : vector<16xi32>
    %reduce_min3A_113 = tpu.scan <min>, %reduce_min3A_112 masked %reduce_min3A_109 : vector<16xi32>, vector<16xi1> -> vector<16xi32>
    %reduce_min3A_114 = arith.xori %reduce_min3A_113, %reduce_min3A_111 : vector<16xi32>
    %reduce_min3A_115 = vector.extract %reduce_min3A_114[15] : i32 from vector<16xi32>
    %shift_right_arithmetic3A_116 = arith.constant 10 : i32
    %shift_right_arithmetic3A_117 = arith.shrsi %reduce_min3A_115, %shift_right_arithmetic3A_116 : i32
    %mul3A_118 = arith.constant 3072 : i32
    %mul3A_119 = arith.muli %shift_right_arithmetic3A_117, %mul3A_118 : i32
    %dma_start3A_120 = arith.constant 12288 : i32
    %dma_start3A_121 = tpu.memref_slice %arg13[%dma_start3A_120] : memref<30720xf32, #tpu.memory_space<vmem>> -> memref<3072xf32, #tpu.memory_space<vmem>>
    %dma_start3A_122 = tpu.memref_slice %arg2[%mul3A_119] : memref<3145728xf32, #tpu.memory_space<hbm>> -> memref<3072xf32, #tpu.memory_space<hbm>>
    %dma_start3A_123 = tpu.memref_slice %arg13[%dma_start3A_120] : memref<30720xf32, #tpu.memory_space<vmem>> -> memref<3072xf32, #tpu.memory_space<vmem>>
    %dma_start3A_124 = tpu.memref_slice %arg2[%mul3A_119] : memref<3145728xf32, #tpu.memory_space<hbm>> -> memref<3072xf32, #tpu.memory_space<hbm>>
    tpu.enqueue_dma source(%dma_start3A_124 : memref<3072xf32, #tpu.memory_space<hbm>>) target(%dma_start3A_123 : memref<3072xf32, #tpu.memory_space<vmem>>) target_semaphore(%arg21 : memref<!tpu.dma_semaphore, #tpu.memory_space<semaphore_mem>>)
    %get3A_125 = arith.constant 1280 : i32
    %get3A_126 = arith.index_cast %get3A_125 : i32 to index
    %get3A_127 = tpu.vector_load %arg12[%get3A_126] {strides = array<i32>} : memref<2560xi32, #tpu.memory_space<vmem>>, vector<16xi32>,
    %eq3A_128 = arith.constant 0 : i32
    %eq3A_129 = vector.broadcast %eq3A_128 : i32 to vector<16xi32>
    %eq3A_130 = arith.cmpi eq, %iota3A, %eq3A_129 : vector<16xi32>
    %jit3A_131 = arith.constant 1073741824 : i32
    %broadcast_in_dim3A_132 = vector.broadcast %jit3A_131 : i32 to vector<16xi32>
    %select_n3A_133 = arith.select %eq3A_130, %get3A_127, %broadcast_in_dim3A_132 : vector<16xi1>, vector<16xi32>
    %reduce_min3A_134 = arith.constant true
    %reduce_min3A_135 = vector.broadcast %reduce_min3A_134 : i1 to vector<16xi1>
    %reduce_min3A_136 = arith.constant -2147483648 : i32
    %reduce_min3A_137 = vector.broadcast %reduce_min3A_136 : i32 to vector<16xi32>
    %reduce_min3A_138 = arith.xori %select_n3A_133, %reduce_min3A_137 : vector<16xi32>
    %reduce_min3A_139 = tpu.scan <min>, %reduce_min3A_138 masked %reduce_min3A_135 : vector<16xi32>, vector<16xi1> -> vector<16xi32>
    %reduce_min3A_140 = arith.xori %reduce_min3A_139, %reduce_min3A_137 : vector<16xi32>
    %reduce_min3A_141 = vector.extract %reduce_min3A_140[15] : i32 from vector<16xi32>
    %shift_right_arithmetic3A_142 = arith.constant 10 : i32
    %shift_right_arithmetic3A_143 = arith.shrsi %reduce_min3A_141, %shift_right_arithmetic3A_142 : i32
    %mul3A_144 = arith.constant 3072 : i32
    %mul3A_145 = arith.muli %shift_right_arithmetic3A_143, %mul3A_144 : i32
    %dma_start3A_146 = arith.constant 15360 : i32
    %dma_start3A_147 = tpu.memref_slice %arg13[%dma_start3A_146] : memref<30720xf32, #tpu.memory_space<vmem>> -> memref<3072xf32, #tpu.memory_space<vmem>>
    %dma_start3A_148 = tpu.memref_slice %arg2[%mul3A_145] : memref<3145728xf32, #tpu.memory_space<hbm>> -> memref<3072xf32, #tpu.memory_space<hbm>>
    %dma_start3A_149 = tpu.memref_slice %arg13[%dma_start3A_146] : memref<30720xf32, #tpu.memory_space<vmem>> -> memref<3072xf32, #tpu.memory_space<vmem>>
    %dma_start3A_150 = tpu.memref_slice %arg2[%mul3A_145] : memref<3145728xf32, #tpu.memory_space<hbm>> -> memref<3072xf32, #tpu.memory_space<hbm>>
    tpu.enqueue_dma source(%dma_start3A_150 : memref<3072xf32, #tpu.memory_space<hbm>>) target(%dma_start3A_149 : memref<3072xf32, #tpu.memory_space<vmem>>) target_semaphore(%arg21 : memref<!tpu.dma_semaphore, #tpu.memory_space<semaphore_mem>>)
    %get3A_151 = arith.constant 1536 : i32
    %get3A_152 = arith.index_cast %get3A_151 : i32 to index
    %get3A_153 = tpu.vector_load %arg12[%get3A_152] {strides = array<i32>} : memref<2560xi32, #tpu.memory_space<vmem>>, vector<16xi32>,
    %eq3A_154 = arith.constant 0 : i32
    %eq3A_155 = vector.broadcast %eq3A_154 : i32 to vector<16xi32>
    %eq3A_156 = arith.cmpi eq, %iota3A, %eq3A_155 : vector<16xi32>
    %jit3A_157 = arith.constant 1073741824 : i32
    %broadcast_in_dim3A_158 = vector.broadcast %jit3A_157 : i32 to vector<16xi32>
    %select_n3A_159 = arith.select %eq3A_156, %get3A_153, %broadcast_in_dim3A_158 : vector<16xi1>, vector<16xi32>
    %reduce_min3A_160 = arith.constant true
    %reduce_min3A_161 = vector.broadcast %reduce_min3A_160 : i1 to vector<16xi1>
    %reduce_min3A_162 = arith.constant -2147483648 : i32
    %reduce_min3A_163 = vector.broadcast %reduce_min3A_162 : i32 to vector<16xi32>
    %reduce_min3A_164 = arith.xori %select_n3A_159, %reduce_min3A_163 : vector<16xi32>
    %reduce_min3A_165 = tpu.scan <min>, %reduce_min3A_164 masked %reduce_min3A_161 : vector<16xi32>, vector<16xi1> -> vector<16xi32>
    %reduce_min3A_166 = arith.xori %reduce_min3A_165, %reduce_min3A_163 : vector<16xi32>
    %reduce_min3A_167 = vector.extract %reduce_min3A_166[15] : i32 from vector<16xi32>
    %shift_right_arithmetic3A_168 = arith.constant 10 : i32
    %shift_right_arithmetic3A_169 = arith.shrsi %reduce_min3A_167, %shift_right_arithmetic3A_168 : i32
    %mul3A_170 = arith.constant 3072 : i32
    %mul3A_171 = arith.muli %shift_right_arithmetic3A_169, %mul3A_170 : i32
    %dma_start3A_172 = arith.constant 18432 : i32
    %dma_start3A_173 = tpu.memref_slice %arg13[%dma_start3A_172] : memref<30720xf32, #tpu.memory_space<vmem>> -> memref<3072xf32, #tpu.memory_space<vmem>>
    %dma_start3A_174 = tpu.memref_slice %arg2[%mul3A_171] : memref<3145728xf32, #tpu.memory_space<hbm>> -> memref<3072xf32, #tpu.memory_space<hbm>>
    %dma_start3A_175 = tpu.memref_slice %arg13[%dma_start3A_172] : memref<30720xf32, #tpu.memory_space<vmem>> -> memref<3072xf32, #tpu.memory_space<vmem>>
    %dma_start3A_176 = tpu.memref_slice %arg2[%mul3A_171] : memref<3145728xf32, #tpu.memory_space<hbm>> -> memref<3072xf32, #tpu.memory_space<hbm>>
    tpu.enqueue_dma source(%dma_start3A_176 : memref<3072xf32, #tpu.memory_space<hbm>>) target(%dma_start3A_175 : memref<3072xf32, #tpu.memory_space<vmem>>) target_semaphore(%arg21 : memref<!tpu.dma_semaphore, #tpu.memory_space<semaphore_mem>>)
    %get3A_177 = arith.constant 1792 : i32
    %get3A_178 = arith.index_cast %get3A_177 : i32 to index
    %get3A_179 = tpu.vector_load %arg12[%get3A_178] {strides = array<i32>} : memref<2560xi32, #tpu.memory_space<vmem>>, vector<16xi32>,
    %eq3A_180 = arith.constant 0 : i32
    %eq3A_181 = vector.broadcast %eq3A_180 : i32 to vector<16xi32>
    %eq3A_182 = arith.cmpi eq, %iota3A, %eq3A_181 : vector<16xi32>
    %jit3A_183 = arith.constant 1073741824 : i32
    %broadcast_in_dim3A_184 = vector.broadcast %jit3A_183 : i32 to vector<16xi32>
    %select_n3A_185 = arith.select %eq3A_182, %get3A_179, %broadcast_in_dim3A_184 : vector<16xi1>, vector<16xi32>
    %reduce_min3A_186 = arith.constant true
    %reduce_min3A_187 = vector.broadcast %reduce_min3A_186 : i1 to vector<16xi1>
    %reduce_min3A_188 = arith.constant -2147483648 : i32
    %reduce_min3A_189 = vector.broadcast %reduce_min3A_188 : i32 to vector<16xi32>
    %reduce_min3A_190 = arith.xori %select_n3A_185, %reduce_min3A_189 : vector<16xi32>
    %reduce_min3A_191 = tpu.scan <min>, %reduce_min3A_190 masked %reduce_min3A_187 : vector<16xi32>, vector<16xi1> -> vector<16xi32>
    %reduce_min3A_192 = arith.xori %reduce_min3A_191, %reduce_min3A_189 : vector<16xi32>
    %reduce_min3A_193 = vector.extract %reduce_min3A_192[15] : i32 from vector<16xi32>
    %shift_right_arithmetic3A_194 = arith.constant 10 : i32
    %shift_right_arithmetic3A_195 = arith.shrsi %reduce_min3A_193, %shift_right_arithmetic3A_194 : i32
    %mul3A_196 = arith.constant 3072 : i32
    %mul3A_197 = arith.muli %shift_right_arithmetic3A_195, %mul3A_196 : i32
    %dma_start3A_198 = arith.constant 21504 : i32
    %dma_start3A_199 = tpu.memref_slice %arg13[%dma_start3A_198] : memref<30720xf32, #tpu.memory_space<vmem>> -> memref<3072xf32, #tpu.memory_space<vmem>>
    %dma_start3A_200 = tpu.memref_slice %arg2[%mul3A_197] : memref<3145728xf32, #tpu.memory_space<hbm>> -> memref<3072xf32, #tpu.memory_space<hbm>>
    %dma_start3A_201 = tpu.memref_slice %arg13[%dma_start3A_198] : memref<30720xf32, #tpu.memory_space<vmem>> -> memref<3072xf32, #tpu.memory_space<vmem>>
    %dma_start3A_202 = tpu.memref_slice %arg2[%mul3A_197] : memref<3145728xf32, #tpu.memory_space<hbm>> -> memref<3072xf32, #tpu.memory_space<hbm>>
    tpu.enqueue_dma source(%dma_start3A_202 : memref<3072xf32, #tpu.memory_space<hbm>>) target(%dma_start3A_201 : memref<3072xf32, #tpu.memory_space<vmem>>) target_semaphore(%arg21 : memref<!tpu.dma_semaphore, #tpu.memory_space<semaphore_mem>>)
    %get3A_203 = arith.constant 2048 : i32
    %get3A_204 = arith.index_cast %get3A_203 : i32 to index
    %get3A_205 = tpu.vector_load %arg12[%get3A_204] {strides = array<i32>} : memref<2560xi32, #tpu.memory_space<vmem>>, vector<16xi32>,
    %eq3A_206 = arith.constant 0 : i32
    %eq3A_207 = vector.broadcast %eq3A_206 : i32 to vector<16xi32>
    %eq3A_208 = arith.cmpi eq, %iota3A, %eq3A_207 : vector<16xi32>
    %jit3A_209 = arith.constant 1073741824 : i32
    %broadcast_in_dim3A_210 = vector.broadcast %jit3A_209 : i32 to vector<16xi32>
    %select_n3A_211 = arith.select %eq3A_208, %get3A_205, %broadcast_in_dim3A_210 : vector<16xi1>, vector<16xi32>
    %reduce_min3A_212 = arith.constant true
    %reduce_min3A_213 = vector.broadcast %reduce_min3A_212 : i1 to vector<16xi1>
    %reduce_min3A_214 = arith.constant -2147483648 : i32
    %reduce_min3A_215 = vector.broadcast %reduce_min3A_214 : i32 to vector<16xi32>
    %reduce_min3A_216 = arith.xori %select_n3A_211, %reduce_min3A_215 : vector<16xi32>
    %reduce_min3A_217 = tpu.scan <min>, %reduce_min3A_216 masked %reduce_min3A_213 : vector<16xi32>, vector<16xi1> -> vector<16xi32>
    %reduce_min3A_218 = arith.xori %reduce_min3A_217, %reduce_min3A_215 : vector<16xi32>
    %reduce_min3A_219 = vector.extract %reduce_min3A_218[15] : i32 from vector<16xi32>
    %shift_right_arithmetic3A_220 = arith.constant 10 : i32
    %shift_right_arithmetic3A_221 = arith.shrsi %reduce_min3A_219, %shift_right_arithmetic3A_220 : i32
    %mul3A_222 = arith.constant 3072 : i32
    %mul3A_223 = arith.muli %shift_right_arithmetic3A_221, %mul3A_222 : i32
    %dma_start3A_224 = arith.constant 24576 : i32
    %dma_start3A_225 = tpu.memref_slice %arg13[%dma_start3A_224] : memref<30720xf32, #tpu.memory_space<vmem>> -> memref<3072xf32, #tpu.memory_space<vmem>>
    %dma_start3A_226 = tpu.memref_slice %arg2[%mul3A_223] : memref<3145728xf32, #tpu.memory_space<hbm>> -> memref<3072xf32, #tpu.memory_space<hbm>>
    %dma_start3A_227 = tpu.memref_slice %arg13[%dma_start3A_224] : memref<30720xf32, #tpu.memory_space<vmem>> -> memref<3072xf32, #tpu.memory_space<vmem>>
    %dma_start3A_228 = tpu.memref_slice %arg2[%mul3A_223] : memref<3145728xf32, #tpu.memory_space<hbm>> -> memref<3072xf32, #tpu.memory_space<hbm>>
    tpu.enqueue_dma source(%dma_start3A_228 : memref<3072xf32, #tpu.memory_space<hbm>>) target(%dma_start3A_227 : memref<3072xf32, #tpu.memory_space<vmem>>) target_semaphore(%arg21 : memref<!tpu.dma_semaphore, #tpu.memory_space<semaphore_mem>>)
    %get3A_229 = arith.constant 2304 : i32
    %get3A_230 = arith.index_cast %get3A_229 : i32 to index
    %get3A_231 = tpu.vector_load %arg12[%get3A_230] {strides = array<i32>} : memref<2560xi32, #tpu.memory_space<vmem>>, vector<16xi32>,
    %eq3A_232 = arith.constant 0 : i32
    %eq3A_233 = vector.broadcast %eq3A_232 : i32 to vector<16xi32>
    %eq3A_234 = arith.cmpi eq, %iota3A, %eq3A_233 : vector<16xi32>
    %jit3A_235 = arith.constant 1073741824 : i32
    %broadcast_in_dim3A_236 = vector.broadcast %jit3A_235 : i32 to vector<16xi32>
    %select_n3A_237 = arith.select %eq3A_234, %get3A_231, %broadcast_in_dim3A_236 : vector<16xi1>, vector<16xi32>
    %reduce_min3A_238 = arith.constant true
    %reduce_min3A_239 = vector.broadcast %reduce_min3A_238 : i1 to vector<16xi1>
    %reduce_min3A_240 = arith.constant -2147483648 : i32
    %reduce_min3A_241 = vector.broadcast %reduce_min3A_240 : i32 to vector<16xi32>
    %reduce_min3A_242 = arith.xori %select_n3A_237, %reduce_min3A_241 : vector<16xi32>
    %reduce_min3A_243 = tpu.scan <min>, %reduce_min3A_242 masked %reduce_min3A_239 : vector<16xi32>, vector<16xi1> -> vector<16xi32>
    %reduce_min3A_244 = arith.xori %reduce_min3A_243, %reduce_min3A_241 : vector<16xi32>
    %reduce_min3A_245 = vector.extract %reduce_min3A_244[15] : i32 from vector<16xi32>
    %shift_right_arithmetic3A_246 = arith.constant 10 : i32
    %shift_right_arithmetic3A_247 = arith.shrsi %reduce_min3A_245, %shift_right_arithmetic3A_246 : i32
    %mul3A_248 = arith.constant 3072 : i32
    %mul3A_249 = arith.muli %shift_right_arithmetic3A_247, %mul3A_248 : i32
    %dma_start3A_250 = arith.constant 27648 : i32
    %dma_start3A_251 = tpu.memref_slice %arg13[%dma_start3A_250] : memref<30720xf32, #tpu.memory_space<vmem>> -> memref<3072xf32, #tpu.memory_space<vmem>>
    %dma_start3A_252 = tpu.memref_slice %arg2[%mul3A_249] : memref<3145728xf32, #tpu.memory_space<hbm>> -> memref<3072xf32, #tpu.memory_space<hbm>>
    %dma_start3A_253 = tpu.memref_slice %arg13[%dma_start3A_250] : memref<30720xf32, #tpu.memory_space<vmem>> -> memref<3072xf32, #tpu.memory_space<vmem>>
    %dma_start3A_254 = tpu.memref_slice %arg2[%mul3A_249] : memref<3145728xf32, #tpu.memory_space<hbm>> -> memref<3072xf32, #tpu.memory_space<hbm>>
    tpu.enqueue_dma source(%dma_start3A_254 : memref<3072xf32, #tpu.memory_space<hbm>>) target(%dma_start3A_253 : memref<3072xf32, #tpu.memory_space<vmem>>) target_semaphore(%arg21 : memref<!tpu.dma_semaphore, #tpu.memory_space<semaphore_mem>>)
    %dma_wait3A = arith.constant 0 : i32
    %dma_wait3A_255 = tpu.memref_slice %arg13[%dma_wait3A] : memref<30720xf32, #tpu.memory_space<vmem>> -> memref<3072xf32, #tpu.memory_space<vmem>>
    %dma_wait3A_256 = tpu.memref_slice %arg2[%mul3A_16] : memref<3145728xf32, #tpu.memory_space<hbm>> -> memref<3072xf32, #tpu.memory_space<hbm>>
    %dma_wait3A_257 = tpu.memref_slice %arg13[%dma_wait3A] : memref<30720xf32, #tpu.memory_space<vmem>> -> memref<3072xf32, #tpu.memory_space<vmem>>
    %dma_wait3A_258 = tpu.memref_slice %arg2[%mul3A_16] : memref<3145728xf32, #tpu.memory_space<hbm>> -> memref<3072xf32, #tpu.memory_space<hbm>>
    tpu.wait_dma2 semaphore(%arg21 : memref<!tpu.dma_semaphore, #tpu.memory_space<semaphore_mem>>) src(%dma_wait3A_258 : memref<3072xf32, #tpu.memory_space<hbm>>) dst(%dma_wait3A_257 : memref<3072xf32, #tpu.memory_space<vmem>>)
    %dma_wait3A_259 = arith.constant 3072 : i32
    %dma_wait3A_260 = tpu.memref_slice %arg13[%dma_wait3A_259] : memref<30720xf32, #tpu.memory_space<vmem>> -> memref<3072xf32, #tpu.memory_space<vmem>>
    %dma_wait3A_261 = tpu.memref_slice %arg2[%mul3A_41] : memref<3145728xf32, #tpu.memory_space<hbm>> -> memref<3072xf32, #tpu.memory_space<hbm>>
    %dma_wait3A_262 = tpu.memref_slice %arg13[%dma_wait3A_259] : memref<30720xf32, #tpu.memory_space<vmem>> -> memref<3072xf32, #tpu.memory_space<vmem>>
    %dma_wait3A_263 = tpu.memref_slice %arg2[%mul3A_41] : memref<3145728xf32, #tpu.memory_space<hbm>> -> memref<3072xf32, #tpu.memory_space<hbm>>
    tpu.wait_dma2 semaphore(%arg21 : memref<!tpu.dma_semaphore, #tpu.memory_space<semaphore_mem>>) src(%dma_wait3A_263 : memref<3072xf32, #tpu.memory_space<hbm>>) dst(%dma_wait3A_262 : memref<3072xf32, #tpu.memory_space<vmem>>)
    %dma_wait3A_264 = arith.constant 6144 : i32
    %dma_wait3A_265 = tpu.memref_slice %arg13[%dma_wait3A_264] : memref<30720xf32, #tpu.memory_space<vmem>> -> memref<3072xf32, #tpu.memory_space<vmem>>
    %dma_wait3A_266 = tpu.memref_slice %arg2[%mul3A_67] : memref<3145728xf32, #tpu.memory_space<hbm>> -> memref<3072xf32, #tpu.memory_space<hbm>>
    %dma_wait3A_267 = tpu.memref_slice %arg13[%dma_wait3A_264] : memref<30720xf32, #tpu.memory_space<vmem>> -> memref<3072xf32, #tpu.memory_space<vmem>>
    %dma_wait3A_268 = tpu.memref_slice %arg2[%mul3A_67] : memref<3145728xf32, #tpu.memory_space<hbm>> -> memref<3072xf32, #tpu.memory_space<hbm>>
    tpu.wait_dma2 semaphore(%arg21 : memref<!tpu.dma_semaphore, #tpu.memory_space<semaphore_mem>>) src(%dma_wait3A_268 : memref<3072xf32, #tpu.memory_space<hbm>>) dst(%dma_wait3A_267 : memref<3072xf32, #tpu.memory_space<vmem>>)
    %dma_wait3A_269 = arith.constant 9216 : i32
    %dma_wait3A_270 = tpu.memref_slice %arg13[%dma_wait3A_269] : memref<30720xf32, #tpu.memory_space<vmem>> -> memref<3072xf32, #tpu.memory_space<vmem>>
    %dma_wait3A_271 = tpu.memref_slice %arg2[%mul3A_93] : memref<3145728xf32, #tpu.memory_space<hbm>> -> memref<3072xf32, #tpu.memory_space<hbm>>
    %dma_wait3A_272 = tpu.memref_slice %arg13[%dma_wait3A_269] : memref<30720xf32, #tpu.memory_space<vmem>> -> memref<3072xf32, #tpu.memory_space<vmem>>
    %dma_wait3A_273 = tpu.memref_slice %arg2[%mul3A_93] : memref<3145728xf32, #tpu.memory_space<hbm>> -> memref<3072xf32, #tpu.memory_space<hbm>>
    tpu.wait_dma2 semaphore(%arg21 : memref<!tpu.dma_semaphore, #tpu.memory_space<semaphore_mem>>) src(%dma_wait3A_273 : memref<3072xf32, #tpu.memory_space<hbm>>) dst(%dma_wait3A_272 : memref<3072xf32, #tpu.memory_space<vmem>>)
    %dma_wait3A_274 = arith.constant 12288 : i32
    %dma_wait3A_275 = tpu.memref_slice %arg13[%dma_wait3A_274] : memref<30720xf32, #tpu.memory_space<vmem>> -> memref<3072xf32, #tpu.memory_space<vmem>>
    %dma_wait3A_276 = tpu.memref_slice %arg2[%mul3A_119] : memref<3145728xf32, #tpu.memory_space<hbm>> -> memref<3072xf32, #tpu.memory_space<hbm>>
    %dma_wait3A_277 = tpu.memref_slice %arg13[%dma_wait3A_274] : memref<30720xf32, #tpu.memory_space<vmem>> -> memref<3072xf32, #tpu.memory_space<vmem>>
    %dma_wait3A_278 = tpu.memref_slice %arg2[%mul3A_119] : memref<3145728xf32, #tpu.memory_space<hbm>> -> memref<3072xf32, #tpu.memory_space<hbm>>
    tpu.wait_dma2 semaphore(%arg21 : memref<!tpu.dma_semaphore, #tpu.memory_space<semaphore_mem>>) src(%dma_wait3A_278 : memref<3072xf32, #tpu.memory_space<hbm>>) dst(%dma_wait3A_277 : memref<3072xf32, #tpu.memory_space<vmem>>)
    %dma_wait3A_279 = arith.constant 15360 : i32
    %dma_wait3A_280 = tpu.memref_slice %arg13[%dma_wait3A_279] : memref<30720xf32, #tpu.memory_space<vmem>> -> memref<3072xf32, #tpu.memory_space<vmem>>
    %dma_wait3A_281 = tpu.memref_slice %arg2[%mul3A_145] : memref<3145728xf32, #tpu.memory_space<hbm>> -> memref<3072xf32, #tpu.memory_space<hbm>>
    %dma_wait3A_282 = tpu.memref_slice %arg13[%dma_wait3A_279] : memref<30720xf32, #tpu.memory_space<vmem>> -> memref<3072xf32, #tpu.memory_space<vmem>>
    %dma_wait3A_283 = tpu.memref_slice %arg2[%mul3A_145] : memref<3145728xf32, #tpu.memory_space<hbm>> -> memref<3072xf32, #tpu.memory_space<hbm>>
    tpu.wait_dma2 semaphore(%arg21 : memref<!tpu.dma_semaphore, #tpu.memory_space<semaphore_mem>>) src(%dma_wait3A_283 : memref<3072xf32, #tpu.memory_space<hbm>>) dst(%dma_wait3A_282 : memref<3072xf32, #tpu.memory_space<vmem>>)
    %dma_wait3A_284 = arith.constant 18432 : i32
    %dma_wait3A_285 = tpu.memref_slice %arg13[%dma_wait3A_284] : memref<30720xf32, #tpu.memory_space<vmem>> -> memref<3072xf32, #tpu.memory_space<vmem>>
    %dma_wait3A_286 = tpu.memref_slice %arg2[%mul3A_171] : memref<3145728xf32, #tpu.memory_space<hbm>> -> memref<3072xf32, #tpu.memory_space<hbm>>
    %dma_wait3A_287 = tpu.memref_slice %arg13[%dma_wait3A_284] : memref<30720xf32, #tpu.memory_space<vmem>> -> memref<3072xf32, #tpu.memory_space<vmem>>
    %dma_wait3A_288 = tpu.memref_slice %arg2[%mul3A_171] : memref<3145728xf32, #tpu.memory_space<hbm>> -> memref<3072xf32, #tpu.memory_space<hbm>>
    tpu.wait_dma2 semaphore(%arg21 : memref<!tpu.dma_semaphore, #tpu.memory_space<semaphore_mem>>) src(%dma_wait3A_288 : memref<3072xf32, #tpu.memory_space<hbm>>) dst(%dma_wait3A_287 : memref<3072xf32, #tpu.memory_space<vmem>>)
    %dma_wait3A_289 = arith.constant 21504 : i32
    %dma_wait3A_290 = tpu.memref_slice %arg13[%dma_wait3A_289] : memref<30720xf32, #tpu.memory_space<vmem>> -> memref<3072xf32, #tpu.memory_space<vmem>>
    %dma_wait3A_291 = tpu.memref_slice %arg2[%mul3A_197] : memref<3145728xf32, #tpu.memory_space<hbm>> -> memref<3072xf32, #tpu.memory_space<hbm>>
    %dma_wait3A_292 = tpu.memref_slice %arg13[%dma_wait3A_289] : memref<30720xf32, #tpu.memory_space<vmem>> -> memref<3072xf32, #tpu.memory_space<vmem>>
    %dma_wait3A_293 = tpu.memref_slice %arg2[%mul3A_197] : memref<3145728xf32, #tpu.memory_space<hbm>> -> memref<3072xf32, #tpu.memory_space<hbm>>
    tpu.wait_dma2 semaphore(%arg21 : memref<!tpu.dma_semaphore, #tpu.memory_space<semaphore_mem>>) src(%dma_wait3A_293 : memref<3072xf32, #tpu.memory_space<hbm>>) dst(%dma_wait3A_292 : memref<3072xf32, #tpu.memory_space<vmem>>)
    %dma_wait3A_294 = arith.constant 24576 : i32
    %dma_wait3A_295 = tpu.memref_slice %arg13[%dma_wait3A_294] : memref<30720xf32, #tpu.memory_space<vmem>> -> memref<3072xf32, #tpu.memory_space<vmem>>
    %dma_wait3A_296 = tpu.memref_slice %arg2[%mul3A_223] : memref<3145728xf32, #tpu.memory_space<hbm>> -> memref<3072xf32, #tpu.memory_space<hbm>>
    %dma_wait3A_297 = tpu.memref_slice %arg13[%dma_wait3A_294] : memref<30720xf32, #tpu.memory_space<vmem>> -> memref<3072xf32, #tpu.memory_space<vmem>>
    %dma_wait3A_298 = tpu.memref_slice %arg2[%mul3A_223] : memref<3145728xf32, #tpu.memory_space<hbm>> -> memref<3072xf32, #tpu.memory_space<hbm>>
    tpu.wait_dma2 semaphore(%arg21 : memref<!tpu.dma_semaphore, #tpu.memory_space<semaphore_mem>>) src(%dma_wait3A_298 : memref<3072xf32, #tpu.memory_space<hbm>>) dst(%dma_wait3A_297 : memref<3072xf32, #tpu.memory_space<vmem>>)
    %dma_wait3A_299 = arith.constant 27648 : i32
    %dma_wait3A_300 = tpu.memref_slice %arg13[%dma_wait3A_299] : memref<30720xf32, #tpu.memory_space<vmem>> -> memref<3072xf32, #tpu.memory_space<vmem>>
    %dma_wait3A_301 = tpu.memref_slice %arg2[%mul3A_249] : memref<3145728xf32, #tpu.memory_space<hbm>> -> memref<3072xf32, #tpu.memory_space<hbm>>
    %dma_wait3A_302 = tpu.memref_slice %arg13[%dma_wait3A_299] : memref<30720xf32, #tpu.memory_space<vmem>> -> memref<3072xf32, #tpu.memory_space<vmem>>
    %dma_wait3A_303 = tpu.memref_slice %arg2[%mul3A_249] : memref<3145728xf32, #tpu.memory_space<hbm>> -> memref<3072xf32, #tpu.memory_space<hbm>>
    tpu.wait_dma2 semaphore(%arg21 : memref<!tpu.dma_semaphore, #tpu.memory_space<semaphore_mem>>) src(%dma_wait3A_303 : memref<3072xf32, #tpu.memory_space<hbm>>) dst(%dma_wait3A_302 : memref<3072xf32, #tpu.memory_space<vmem>>)
    %mul3A_304 = arith.constant 2048 : i32
    %mul3A_305 = arith.muli %mul3A_304, %add3A : i32
    %add3A_306 = arith.constant 0 : i32
    %add3A_307 = arith.addi %add3A_306, %mul3A_305 : i32
    %run_scoped3A = arith.constant 0 : i32
    "tpu.region"() ({
      %run_scoped3A_646 = tpu.sem_alloc : memref<!tpu.dma_semaphore, #tpu.memory_space<semaphore_mem>>
      %dma_start3A_647 = tpu.memref_slice %arg17[%run_scoped3A] : memref<16384xi32, #tpu.memory_space<vmem>> -> memref<2048xi32, #tpu.memory_space<vmem>>
      %dma_start3A_648 = tpu.memref_slice %arg5[%add3A_307] : memref<524288xi32, #tpu.memory_space<hbm>> -> memref<2048xi32, #tpu.memory_space<hbm>>
      %dma_start3A_649 = tpu.memref_slice %arg17[%run_scoped3A] : memref<16384xi32, #tpu.memory_space<vmem>> -> memref<2048xi32, #tpu.memory_space<vmem>>
      %dma_start3A_650 = tpu.memref_slice %arg5[%add3A_307] : memref<524288xi32, #tpu.memory_space<hbm>> -> memref<2048xi32, #tpu.memory_space<hbm>>
      tpu.enqueue_dma source(%dma_start3A_650 : memref<2048xi32, #tpu.memory_space<hbm>>) target(%dma_start3A_649 : memref<2048xi32, #tpu.memory_space<vmem>>) target_semaphore(%run_scoped3A_646 : memref<!tpu.dma_semaphore, #tpu.memory_space<semaphore_mem>>)
      %dma_wait3A_651 = tpu.memref_slice %arg17[%run_scoped3A] : memref<16384xi32, #tpu.memory_space<vmem>> -> memref<2048xi32, #tpu.memory_space<vmem>>
      %dma_wait3A_652 = tpu.memref_slice %arg5[%add3A_307] : memref<524288xi32, #tpu.memory_space<hbm>> -> memref<2048xi32, #tpu.memory_space<hbm>>
      %dma_wait3A_653 = tpu.memref_slice %arg17[%run_scoped3A] : memref<16384xi32, #tpu.memory_space<vmem>> -> memref<2048xi32, #tpu.memory_space<vmem>>
      %dma_wait3A_654 = tpu.memref_slice %arg5[%add3A_307] : memref<524288xi32, #tpu.memory_space<hbm>> -> memref<2048xi32, #tpu.memory_space<hbm>>
      tpu.wait_dma2 semaphore(%run_scoped3A_646 : memref<!tpu.dma_semaphore, #tpu.memory_space<semaphore_mem>>) src(%dma_wait3A_654 : memref<2048xi32, #tpu.memory_space<hbm>>) dst(%dma_wait3A_653 : memref<2048xi32, #tpu.memory_space<vmem>>)
      tpu.yield
    }) : () -> ()
    %mul3A_308 = arith.constant 2048 : i32
    %mul3A_309 = arith.muli %mul3A_308, %add3A : i32
    %add3A_310 = arith.constant 65536 : i32
    %add3A_311 = arith.addi %add3A_310, %mul3A_309 : i32
    %run_scoped3A_312 = arith.constant 2048 : i32
    "tpu.region"() ({
      %run_scoped3A_646 = tpu.sem_alloc : memref<!tpu.dma_semaphore, #tpu.memory_space<semaphore_mem>>
      %dma_start3A_647 = tpu.memref_slice %arg17[%run_scoped3A_312] : memref<16384xi32, #tpu.memory_space<vmem>> -> memref<2048xi32, #tpu.memory_space<vmem>>
      %dma_start3A_648 = tpu.memref_slice %arg5[%add3A_311] : memref<524288xi32, #tpu.memory_space<hbm>> -> memref<2048xi32, #tpu.memory_space<hbm>>
      %dma_start3A_649 = tpu.memref_slice %arg17[%run_scoped3A_312] : memref<16384xi32, #tpu.memory_space<vmem>> -> memref<2048xi32, #tpu.memory_space<vmem>>
      %dma_start3A_650 = tpu.memref_slice %arg5[%add3A_311] : memref<524288xi32, #tpu.memory_space<hbm>> -> memref<2048xi32, #tpu.memory_space<hbm>>
      tpu.enqueue_dma source(%dma_start3A_650 : memref<2048xi32, #tpu.memory_space<hbm>>) target(%dma_start3A_649 : memref<2048xi32, #tpu.memory_space<vmem>>) target_semaphore(%run_scoped3A_646 : memref<!tpu.dma_semaphore, #tpu.memory_space<semaphore_mem>>)
      %dma_wait3A_651 = tpu.memref_slice %arg17[%run_scoped3A_312] : memref<16384xi32, #tpu.memory_space<vmem>> -> memref<2048xi32, #tpu.memory_space<vmem>>
      %dma_wait3A_652 = tpu.memref_slice %arg5[%add3A_311] : memref<524288xi32, #tpu.memory_space<hbm>> -> memref<2048xi32, #tpu.memory_space<hbm>>
      %dma_wait3A_653 = tpu.memref_slice %arg17[%run_scoped3A_312] : memref<16384xi32, #tpu.memory_space<vmem>> -> memref<2048xi32, #tpu.memory_space<vmem>>
      %dma_wait3A_654 = tpu.memref_slice %arg5[%add3A_311] : memref<524288xi32, #tpu.memory_space<hbm>> -> memref<2048xi32, #tpu.memory_space<hbm>>
      tpu.wait_dma2 semaphore(%run_scoped3A_646 : memref<!tpu.dma_semaphore, #tpu.memory_space<semaphore_mem>>) src(%dma_wait3A_654 : memref<2048xi32, #tpu.memory_space<hbm>>) dst(%dma_wait3A_653 : memref<2048xi32, #tpu.memory_space<vmem>>)
      tpu.yield
    }) : () -> ()
    %mul3A_313 = arith.constant 2048 : i32
    %mul3A_314 = arith.muli %mul3A_313, %add3A : i32
    %add3A_315 = arith.constant 131072 : i32
    %add3A_316 = arith.addi %add3A_315, %mul3A_314 : i32
    %run_scoped3A_317 = arith.constant 4096 : i32
    "tpu.region"() ({
      %run_scoped3A_646 = tpu.sem_alloc : memref<!tpu.dma_semaphore, #tpu.memory_space<semaphore_mem>>
      %dma_start3A_647 = tpu.memref_slice %arg17[%run_scoped3A_317] : memref<16384xi32, #tpu.memory_space<vmem>> -> memref<2048xi32, #tpu.memory_space<vmem>>
      %dma_start3A_648 = tpu.memref_slice %arg5[%add3A_316] : memref<524288xi32, #tpu.memory_space<hbm>> -> memref<2048xi32, #tpu.memory_space<hbm>>
      %dma_start3A_649 = tpu.memref_slice %arg17[%run_scoped3A_317] : memref<16384xi32, #tpu.memory_space<vmem>> -> memref<2048xi32, #tpu.memory_space<vmem>>
      %dma_start3A_650 = tpu.memref_slice %arg5[%add3A_316] : memref<524288xi32, #tpu.memory_space<hbm>> -> memref<2048xi32, #tpu.memory_space<hbm>>
      tpu.enqueue_dma source(%dma_start3A_650 : memref<2048xi32, #tpu.memory_space<hbm>>) target(%dma_start3A_649 : memref<2048xi32, #tpu.memory_space<vmem>>) target_semaphore(%run_scoped3A_646 : memref<!tpu.dma_semaphore, #tpu.memory_space<semaphore_mem>>)
      %dma_wait3A_651 = tpu.memref_slice %arg17[%run_scoped3A_317] : memref<16384xi32, #tpu.memory_space<vmem>> -> memref<2048xi32, #tpu.memory_space<vmem>>
      %dma_wait3A_652 = tpu.memref_slice %arg5[%add3A_316] : memref<524288xi32, #tpu.memory_space<hbm>> -> memref<2048xi32, #tpu.memory_space<hbm>>
      %dma_wait3A_653 = tpu.memref_slice %arg17[%run_scoped3A_317] : memref<16384xi32, #tpu.memory_space<vmem>> -> memref<2048xi32, #tpu.memory_space<vmem>>
      %dma_wait3A_654 = tpu.memref_slice %arg5[%add3A_316] : memref<524288xi32, #tpu.memory_space<hbm>> -> memref<2048xi32, #tpu.memory_space<hbm>>
      tpu.wait_dma2 semaphore(%run_scoped3A_646 : memref<!tpu.dma_semaphore, #tpu.memory_space<semaphore_mem>>) src(%dma_wait3A_654 : memref<2048xi32, #tpu.memory_space<hbm>>) dst(%dma_wait3A_653 : memref<2048xi32, #tpu.memory_space<vmem>>)
      tpu.yield
    }) : () -> ()
    %mul3A_318 = arith.constant 2048 : i32
    %mul3A_319 = arith.muli %mul3A_318, %add3A : i32
    %add3A_320 = arith.constant 196608 : i32
    %add3A_321 = arith.addi %add3A_320, %mul3A_319 : i32
    %run_scoped3A_322 = arith.constant 6144 : i32
    "tpu.region"() ({
      %run_scoped3A_646 = tpu.sem_alloc : memref<!tpu.dma_semaphore, #tpu.memory_space<semaphore_mem>>
      %dma_start3A_647 = tpu.memref_slice %arg17[%run_scoped3A_322] : memref<16384xi32, #tpu.memory_space<vmem>> -> memref<2048xi32, #tpu.memory_space<vmem>>
      %dma_start3A_648 = tpu.memref_slice %arg5[%add3A_321] : memref<524288xi32, #tpu.memory_space<hbm>> -> memref<2048xi32, #tpu.memory_space<hbm>>
      %dma_start3A_649 = tpu.memref_slice %arg17[%run_scoped3A_322] : memref<16384xi32, #tpu.memory_space<vmem>> -> memref<2048xi32, #tpu.memory_space<vmem>>
      %dma_start3A_650 = tpu.memref_slice %arg5[%add3A_321] : memref<524288xi32, #tpu.memory_space<hbm>> -> memref<2048xi32, #tpu.memory_space<hbm>>
      tpu.enqueue_dma source(%dma_start3A_650 : memref<2048xi32, #tpu.memory_space<hbm>>) target(%dma_start3A_649 : memref<2048xi32, #tpu.memory_space<vmem>>) target_semaphore(%run_scoped3A_646 : memref<!tpu.dma_semaphore, #tpu.memory_space<semaphore_mem>>)
      %dma_wait3A_651 = tpu.memref_slice %arg17[%run_scoped3A_322] : memref<16384xi32, #tpu.memory_space<vmem>> -> memref<2048xi32, #tpu.memory_space<vmem>>
      %dma_wait3A_652 = tpu.memref_slice %arg5[%add3A_321] : memref<524288xi32, #tpu.memory_space<hbm>> -> memref<2048xi32, #tpu.memory_space<hbm>>
      %dma_wait3A_653 = tpu.memref_slice %arg17[%run_scoped3A_322] : memref<16384xi32, #tpu.memory_space<vmem>> -> memref<2048xi32, #tpu.memory_space<vmem>>
      %dma_wait3A_654 = tpu.memref_slice %arg5[%add3A_321] : memref<524288xi32, #tpu.memory_space<hbm>> -> memref<2048xi32, #tpu.memory_space<hbm>>
      tpu.wait_dma2 semaphore(%run_scoped3A_646 : memref<!tpu.dma_semaphore, #tpu.memory_space<semaphore_mem>>) src(%dma_wait3A_654 : memref<2048xi32, #tpu.memory_space<hbm>>) dst(%dma_wait3A_653 : memref<2048xi32, #tpu.memory_space<vmem>>)
      tpu.yield
    }) : () -> ()
    %mul3A_323 = arith.constant 2048 : i32
    %mul3A_324 = arith.muli %mul3A_323, %add3A : i32
    %add3A_325 = arith.constant 262144 : i32
    %add3A_326 = arith.addi %add3A_325, %mul3A_324 : i32
    %run_scoped3A_327 = arith.constant 8192 : i32
    "tpu.region"() ({
      %run_scoped3A_646 = tpu.sem_alloc : memref<!tpu.dma_semaphore, #tpu.memory_space<semaphore_mem>>
      %dma_start3A_647 = tpu.memref_slice %arg17[%run_scoped3A_327] : memref<16384xi32, #tpu.memory_space<vmem>> -> memref<2048xi32, #tpu.memory_space<vmem>>
      %dma_start3A_648 = tpu.memref_slice %arg5[%add3A_326] : memref<524288xi32, #tpu.memory_space<hbm>> -> memref<2048xi32, #tpu.memory_space<hbm>>
      %dma_start3A_649 = tpu.memref_slice %arg17[%run_scoped3A_327] : memref<16384xi32, #tpu.memory_space<vmem>> -> memref<2048xi32, #tpu.memory_space<vmem>>
      %dma_start3A_650 = tpu.memref_slice %arg5[%add3A_326] : memref<524288xi32, #tpu.memory_space<hbm>> -> memref<2048xi32, #tpu.memory_space<hbm>>
      tpu.enqueue_dma source(%dma_start3A_650 : memref<2048xi32, #tpu.memory_space<hbm>>) target(%dma_start3A_649 : memref<2048xi32, #tpu.memory_space<vmem>>) target_semaphore(%run_scoped3A_646 : memref<!tpu.dma_semaphore, #tpu.memory_space<semaphore_mem>>)
      %dma_wait3A_651 = tpu.memref_slice %arg17[%run_scoped3A_327] : memref<16384xi32, #tpu.memory_space<vmem>> -> memref<2048xi32, #tpu.memory_space<vmem>>
      %dma_wait3A_652 = tpu.memref_slice %arg5[%add3A_326] : memref<524288xi32, #tpu.memory_space<hbm>> -> memref<2048xi32, #tpu.memory_space<hbm>>
      %dma_wait3A_653 = tpu.memref_slice %arg17[%run_scoped3A_327] : memref<16384xi32, #tpu.memory_space<vmem>> -> memref<2048xi32, #tpu.memory_space<vmem>>
      %dma_wait3A_654 = tpu.memref_slice %arg5[%add3A_326] : memref<524288xi32, #tpu.memory_space<hbm>> -> memref<2048xi32, #tpu.memory_space<hbm>>
      tpu.wait_dma2 semaphore(%run_scoped3A_646 : memref<!tpu.dma_semaphore, #tpu.memory_space<semaphore_mem>>) src(%dma_wait3A_654 : memref<2048xi32, #tpu.memory_space<hbm>>) dst(%dma_wait3A_653 : memref<2048xi32, #tpu.memory_space<vmem>>)
      tpu.yield
    }) : () -> ()
    %mul3A_328 = arith.constant 2048 : i32
    %mul3A_329 = arith.muli %mul3A_328, %add3A : i32
    %add3A_330 = arith.constant 327680 : i32
    %add3A_331 = arith.addi %add3A_330, %mul3A_329 : i32
    %run_scoped3A_332 = arith.constant 10240 : i32
    "tpu.region"() ({
      %run_scoped3A_646 = tpu.sem_alloc : memref<!tpu.dma_semaphore, #tpu.memory_space<semaphore_mem>>
      %dma_start3A_647 = tpu.memref_slice %arg17[%run_scoped3A_332] : memref<16384xi32, #tpu.memory_space<vmem>> -> memref<2048xi32, #tpu.memory_space<vmem>>
      %dma_start3A_648 = tpu.memref_slice %arg5[%add3A_331] : memref<524288xi32, #tpu.memory_space<hbm>> -> memref<2048xi32, #tpu.memory_space<hbm>>
      %dma_start3A_649 = tpu.memref_slice %arg17[%run_scoped3A_332] : memref<16384xi32, #tpu.memory_space<vmem>> -> memref<2048xi32, #tpu.memory_space<vmem>>
      %dma_start3A_650 = tpu.memref_slice %arg5[%add3A_331] : memref<524288xi32, #tpu.memory_space<hbm>> -> memref<2048xi32, #tpu.memory_space<hbm>>
      tpu.enqueue_dma source(%dma_start3A_650 : memref<2048xi32, #tpu.memory_space<hbm>>) target(%dma_start3A_649 : memref<2048xi32, #tpu.memory_space<vmem>>) target_semaphore(%run_scoped3A_646 : memref<!tpu.dma_semaphore, #tpu.memory_space<semaphore_mem>>)
      %dma_wait3A_651 = tpu.memref_slice %arg17[%run_scoped3A_332] : memref<16384xi32, #tpu.memory_space<vmem>> -> memref<2048xi32, #tpu.memory_space<vmem>>
      %dma_wait3A_652 = tpu.memref_slice %arg5[%add3A_331] : memref<524288xi32, #tpu.memory_space<hbm>> -> memref<2048xi32, #tpu.memory_space<hbm>>
      %dma_wait3A_653 = tpu.memref_slice %arg17[%run_scoped3A_332] : memref<16384xi32, #tpu.memory_space<vmem>> -> memref<2048xi32, #tpu.memory_space<vmem>>
      %dma_wait3A_654 = tpu.memref_slice %arg5[%add3A_331] : memref<524288xi32, #tpu.memory_space<hbm>> -> memref<2048xi32, #tpu.memory_space<hbm>>
      tpu.wait_dma2 semaphore(%run_scoped3A_646 : memref<!tpu.dma_semaphore, #tpu.memory_space<semaphore_mem>>) src(%dma_wait3A_654 : memref<2048xi32, #tpu.memory_space<hbm>>) dst(%dma_wait3A_653 : memref<2048xi32, #tpu.memory_space<vmem>>)
      tpu.yield
    }) : () -> ()
    %mul3A_333 = arith.constant 2048 : i32
    %mul3A_334 = arith.muli %mul3A_333, %add3A : i32
    %add3A_335 = arith.constant 393216 : i32
    %add3A_336 = arith.addi %add3A_335, %mul3A_334 : i32
    %run_scoped3A_337 = arith.constant 12288 : i32
    "tpu.region"() ({
      %run_scoped3A_646 = tpu.sem_alloc : memref<!tpu.dma_semaphore, #tpu.memory_space<semaphore_mem>>
      %dma_start3A_647 = tpu.memref_slice %arg17[%run_scoped3A_337] : memref<16384xi32, #tpu.memory_space<vmem>> -> memref<2048xi32, #tpu.memory_space<vmem>>
      %dma_start3A_648 = tpu.memref_slice %arg5[%add3A_336] : memref<524288xi32, #tpu.memory_space<hbm>> -> memref<2048xi32, #tpu.memory_space<hbm>>
      %dma_start3A_649 = tpu.memref_slice %arg17[%run_scoped3A_337] : memref<16384xi32, #tpu.memory_space<vmem>> -> memref<2048xi32, #tpu.memory_space<vmem>>
      %dma_start3A_650 = tpu.memref_slice %arg5[%add3A_336] : memref<524288xi32, #tpu.memory_space<hbm>> -> memref<2048xi32, #tpu.memory_space<hbm>>
      tpu.enqueue_dma source(%dma_start3A_650 : memref<2048xi32, #tpu.memory_space<hbm>>) target(%dma_start3A_649 : memref<2048xi32, #tpu.memory_space<vmem>>) target_semaphore(%run_scoped3A_646 : memref<!tpu.dma_semaphore, #tpu.memory_space<semaphore_mem>>)
      %dma_wait3A_651 = tpu.memref_slice %arg17[%run_scoped3A_337] : memref<16384xi32, #tpu.memory_space<vmem>> -> memref<2048xi32, #tpu.memory_space<vmem>>
      %dma_wait3A_652 = tpu.memref_slice %arg5[%add3A_336] : memref<524288xi32, #tpu.memory_space<hbm>> -> memref<2048xi32, #tpu.memory_space<hbm>>
      %dma_wait3A_653 = tpu.memref_slice %arg17[%run_scoped3A_337] : memref<16384xi32, #tpu.memory_space<vmem>> -> memref<2048xi32, #tpu.memory_space<vmem>>
      %dma_wait3A_654 = tpu.memref_slice %arg5[%add3A_336] : memref<524288xi32, #tpu.memory_space<hbm>> -> memref<2048xi32, #tpu.memory_space<hbm>>
      tpu.wait_dma2 semaphore(%run_scoped3A_646 : memref<!tpu.dma_semaphore, #tpu.memory_space<semaphore_mem>>) src(%dma_wait3A_654 : memref<2048xi32, #tpu.memory_space<hbm>>) dst(%dma_wait3A_653 : memref<2048xi32, #tpu.memory_space<vmem>>)
      tpu.yield
    }) : () -> ()
    %mul3A_338 = arith.constant 2048 : i32
    %mul3A_339 = arith.muli %mul3A_338, %add3A : i32
    %add3A_340 = arith.constant 458752 : i32
    %add3A_341 = arith.addi %add3A_340, %mul3A_339 : i32
    %run_scoped3A_342 = arith.constant 14336 : i32
    "tpu.region"() ({
      %run_scoped3A_646 = tpu.sem_alloc : memref<!tpu.dma_semaphore, #tpu.memory_space<semaphore_mem>>
      %dma_start3A_647 = tpu.memref_slice %arg17[%run_scoped3A_342] : memref<16384xi32, #tpu.memory_space<vmem>> -> memref<2048xi32, #tpu.memory_space<vmem>>
      %dma_start3A_648 = tpu.memref_slice %arg5[%add3A_341] : memref<524288xi32, #tpu.memory_space<hbm>> -> memref<2048xi32, #tpu.memory_space<hbm>>
      %dma_start3A_649 = tpu.memref_slice %arg17[%run_scoped3A_342] : memref<16384xi32, #tpu.memory_space<vmem>> -> memref<2048xi32, #tpu.memory_space<vmem>>
      %dma_start3A_650 = tpu.memref_slice %arg5[%add3A_341] : memref<524288xi32, #tpu.memory_space<hbm>> -> memref<2048xi32, #tpu.memory_space<hbm>>
      tpu.enqueue_dma source(%dma_start3A_650 : memref<2048xi32, #tpu.memory_space<hbm>>) target(%dma_start3A_649 : memref<2048xi32, #tpu.memory_space<vmem>>) target_semaphore(%run_scoped3A_646 : memref<!tpu.dma_semaphore, #tpu.memory_space<semaphore_mem>>)
      %dma_wait3A_651 = tpu.memref_slice %arg17[%run_scoped3A_342] : memref<16384xi32, #tpu.memory_space<vmem>> -> memref<2048xi32, #tpu.memory_space<vmem>>
      %dma_wait3A_652 = tpu.memref_slice %arg5[%add3A_341] : memref<524288xi32, #tpu.memory_space<hbm>> -> memref<2048xi32, #tpu.memory_space<hbm>>
      %dma_wait3A_653 = tpu.memref_slice %arg17[%run_scoped3A_342] : memref<16384xi32, #tpu.memory_space<vmem>> -> memref<2048xi32, #tpu.memory_space<vmem>>
      %dma_wait3A_654 = tpu.memref_slice %arg5[%add3A_341] : memref<524288xi32, #tpu.memory_space<hbm>> -> memref<2048xi32, #tpu.memory_space<hbm>>
      tpu.wait_dma2 semaphore(%run_scoped3A_646 : memref<!tpu.dma_semaphore, #tpu.memory_space<semaphore_mem>>) src(%dma_wait3A_654 : memref<2048xi32, #tpu.memory_space<hbm>>) dst(%dma_wait3A_653 : memref<2048xi32, #tpu.memory_space<vmem>>)
      tpu.yield
    }) : () -> ()
    %mul3A_343 = arith.constant 2048 : i32
    %mul3A_344 = arith.muli %mul3A_343, %add3A : i32
    "tpu.region"() ({
      %run_scoped3A_646 = tpu.sem_alloc : memref<!tpu.dma_semaphore, #tpu.memory_space<semaphore_mem>>
      %dma_start3A_647 = tpu.memref_slice %arg6[%mul3A_344] : memref<65536xf32, #tpu.memory_space<hbm>> -> memref<2048xf32, #tpu.memory_space<hbm>>
      %dma_start3A_648 = tpu.memref_slice %arg6[%mul3A_344] : memref<65536xf32, #tpu.memory_space<hbm>> -> memref<2048xf32, #tpu.memory_space<hbm>>
      tpu.enqueue_dma source(%dma_start3A_648 : memref<2048xf32, #tpu.memory_space<hbm>>) target(%arg18 : memref<2048xf32, #tpu.memory_space<vmem>>) target_semaphore(%run_scoped3A_646 : memref<!tpu.dma_semaphore, #tpu.memory_space<semaphore_mem>>)
      %dma_wait3A_649 = tpu.memref_slice %arg6[%mul3A_344] : memref<65536xf32, #tpu.memory_space<hbm>> -> memref<2048xf32, #tpu.memory_space<hbm>>
      %dma_wait3A_650 = tpu.memref_slice %arg6[%mul3A_344] : memref<65536xf32, #tpu.memory_space<hbm>> -> memref<2048xf32, #tpu.memory_space<hbm>>
      tpu.wait_dma2 semaphore(%run_scoped3A_646 : memref<!tpu.dma_semaphore, #tpu.memory_space<semaphore_mem>>) src(%dma_wait3A_650 : memref<2048xf32, #tpu.memory_space<hbm>>) dst(%arg18 : memref<2048xf32, #tpu.memory_space<vmem>>)
      tpu.yield
    }) : () -> ()
    %while3A = arith.constant 0 : i32
    %while3A_345 = arith.constant 0 : i32
    %while3A_346 = arith.constant 128 : i32
    %while3A_347 = arith.subi %while3A_346, %while3A_345 : i32
    %while3A_348 = arith.addi %while3A_345, %while3A_347 : i32
    %while3A_349 = arith.constant 1 : i32
    %while3A_350 = arith.divsi %while3A_347, %while3A_349 : i32
    %while3A_351 = arith.muli %while3A_350, %while3A_349 : i32
    %while3A_352 = arith.addi %while3A_345, %while3A_351 : i32
    %while3A_353 = arith.constant 1 : i32
    scf.for %while3A_646 = %while3A_345 to %while3A_352 step %while3A_353  : i32 {
      %mul3A_647 = arith.constant 16 : i32
      %mul3A_648 = arith.muli %mul3A_647, %while3A_646 : i32
      %add3A_649 = arith.constant 256 : i32
      %add3A_650 = arith.addi %add3A_649, %mul3A_648 : i32
      %add3A_651 = vector.broadcast %add3A_650 : i32 to vector<16xi32>
      %add3A_652 = arith.addi %add3A_651, %iota3A : vector<16xi32>
      %gather3A = tpu.vector_load_idx %arg12[%add3A_652] : memref<2560xi32, #tpu.memory_space<vmem>>[vector<16xi32>], vector<16xi32>,
      %shift_right_arithmetic3A_653 = arith.constant 8 : i32
      %shift_right_arithmetic3A_654 = vector.broadcast %shift_right_arithmetic3A_653 : i32 to vector<16xi32>
      %shift_right_arithmetic3A_655 = arith.shrsi %add3A_652, %shift_right_arithmetic3A_654 : vector<16xi32>
      %mul3A_656 = arith.constant 3072 : i32
      %mul3A_657 = vector.broadcast %mul3A_656 : i32 to vector<16xi32>
      %mul3A_658 = arith.muli %mul3A_657, %shift_right_arithmetic3A_655 : vector<16xi32>
      %and3A = arith.constant 1023 : i32
      %and3A_659 = vector.broadcast %and3A : i32 to vector<16xi32>
      %and3A_660 = arith.andi %gather3A, %and3A_659 : vector<16xi32>
      %mul3A_661 = arith.constant 3 : i32
      %mul3A_662 = vector.broadcast %mul3A_661 : i32 to vector<16xi32>
      %mul3A_663 = arith.muli %mul3A_662, %and3A_660 : vector<16xi32>
      %add3A_664 = arith.addi %mul3A_658, %mul3A_663 : vector<16xi32>
      %gather3A_665 = tpu.vector_load_idx %arg13[%add3A_664] : memref<30720xf32, #tpu.memory_space<vmem>>[vector<16xi32>], vector<16xf32>,
      %add3A_666 = arith.constant 1 : i32
      %add3A_667 = vector.broadcast %add3A_666 : i32 to vector<16xi32>
      %add3A_668 = arith.addi %add3A_664, %add3A_667 : vector<16xi32>
      %gather3A_669 = tpu.vector_load_idx %arg13[%add3A_668] : memref<30720xf32, #tpu.memory_space<vmem>>[vector<16xi32>], vector<16xf32>,
      %add3A_670 = arith.constant 2 : i32
      %add3A_671 = vector.broadcast %add3A_670 : i32 to vector<16xi32>
      %add3A_672 = arith.addi %add3A_664, %add3A_671 : vector<16xi32>
      %gather3A_673 = tpu.vector_load_idx %arg13[%add3A_672] : memref<30720xf32, #tpu.memory_space<vmem>>[vector<16xi32>], vector<16xf32>,
      %mul3A_674 = arith.constant 16 : i32
      %mul3A_675 = arith.muli %mul3A_674, %while3A_646 : i32
      %add3A_676 = vector.broadcast %mul3A_675 : i32 to vector<16xi32>
      %add3A_677 = arith.addi %add3A_676, %iota3A : vector<16xi32>
      %mul3A_678 = arith.constant 3 : i32
      %mul3A_679 = vector.broadcast %mul3A_678 : i32 to vector<16xi32>
      %mul3A_680 = arith.muli %mul3A_679, %add3A_677 : vector<16xi32>
      tpu.vector_store_idx %arg20[%mul3A_680], %gather3A_665 : memref<6144xf32, #tpu.memory_space<vmem>>[vector<16xi32>], vector<16xf32>,
      %add3A_681 = arith.constant 1 : i32
      %add3A_682 = vector.broadcast %add3A_681 : i32 to vector<16xi32>
      %add3A_683 = arith.addi %mul3A_680, %add3A_682 : vector<16xi32>
      tpu.vector_store_idx %arg20[%add3A_683], %gather3A_669 : memref<6144xf32, #tpu.memory_space<vmem>>[vector<16xi32>], vector<16xf32>,
      %add3A_684 = arith.constant 2 : i32
      %add3A_685 = vector.broadcast %add3A_684 : i32 to vector<16xi32>
      %add3A_686 = arith.addi %mul3A_680, %add3A_685 : vector<16xi32>
      tpu.vector_store_idx %arg20[%add3A_686], %gather3A_673 : memref<6144xf32, #tpu.memory_space<vmem>>[vector<16xi32>], vector<16xf32>,
    }
    %while3A_354 = arith.constant 1 : i32
    scf.for %while3A_646 = %while3A_352 to %while3A_348 step %while3A_354  : i32 {
      %mul3A_647 = arith.constant 16 : i32
      %mul3A_648 = arith.muli %mul3A_647, %while3A_646 : i32
      %add3A_649 = arith.constant 256 : i32
      %add3A_650 = arith.addi %add3A_649, %mul3A_648 : i32
      %add3A_651 = vector.broadcast %add3A_650 : i32 to vector<16xi32>
      %add3A_652 = arith.addi %add3A_651, %iota3A : vector<16xi32>
      %gather3A = tpu.vector_load_idx %arg12[%add3A_652] : memref<2560xi32, #tpu.memory_space<vmem>>[vector<16xi32>], vector<16xi32>,
      %shift_right_arithmetic3A_653 = arith.constant 8 : i32
      %shift_right_arithmetic3A_654 = vector.broadcast %shift_right_arithmetic3A_653 : i32 to vector<16xi32>
      %shift_right_arithmetic3A_655 = arith.shrsi %add3A_652, %shift_right_arithmetic3A_654 : vector<16xi32>
      %mul3A_656 = arith.constant 3072 : i32
      %mul3A_657 = vector.broadcast %mul3A_656 : i32 to vector<16xi32>
      %mul3A_658 = arith.muli %mul3A_657, %shift_right_arithmetic3A_655 : vector<16xi32>
      %and3A = arith.constant 1023 : i32
      %and3A_659 = vector.broadcast %and3A : i32 to vector<16xi32>
      %and3A_660 = arith.andi %gather3A, %and3A_659 : vector<16xi32>
      %mul3A_661 = arith.constant 3 : i32
      %mul3A_662 = vector.broadcast %mul3A_661 : i32 to vector<16xi32>
      %mul3A_663 = arith.muli %mul3A_662, %and3A_660 : vector<16xi32>
      %add3A_664 = arith.addi %mul3A_658, %mul3A_663 : vector<16xi32>
      %gather3A_665 = tpu.vector_load_idx %arg13[%add3A_664] : memref<30720xf32, #tpu.memory_space<vmem>>[vector<16xi32>], vector<16xf32>,
      %add3A_666 = arith.constant 1 : i32
      %add3A_667 = vector.broadcast %add3A_666 : i32 to vector<16xi32>
      %add3A_668 = arith.addi %add3A_664, %add3A_667 : vector<16xi32>
      %gather3A_669 = tpu.vector_load_idx %arg13[%add3A_668] : memref<30720xf32, #tpu.memory_space<vmem>>[vector<16xi32>], vector<16xf32>,
      %add3A_670 = arith.constant 2 : i32
      %add3A_671 = vector.broadcast %add3A_670 : i32 to vector<16xi32>
      %add3A_672 = arith.addi %add3A_664, %add3A_671 : vector<16xi32>
      %gather3A_673 = tpu.vector_load_idx %arg13[%add3A_672] : memref<30720xf32, #tpu.memory_space<vmem>>[vector<16xi32>], vector<16xf32>,
      %mul3A_674 = arith.constant 16 : i32
      %mul3A_675 = arith.muli %mul3A_674, %while3A_646 : i32
      %add3A_676 = vector.broadcast %mul3A_675 : i32 to vector<16xi32>
      %add3A_677 = arith.addi %add3A_676, %iota3A : vector<16xi32>
      %mul3A_678 = arith.constant 3 : i32
      %mul3A_679 = vector.broadcast %mul3A_678 : i32 to vector<16xi32>
      %mul3A_680 = arith.muli %mul3A_679, %add3A_677 : vector<16xi32>
      tpu.vector_store_idx %arg20[%mul3A_680], %gather3A_665 : memref<6144xf32, #tpu.memory_space<vmem>>[vector<16xi32>], vector<16xf32>,
      %add3A_681 = arith.constant 1 : i32
      %add3A_682 = vector.broadcast %add3A_681 : i32 to vector<16xi32>
      %add3A_683 = arith.addi %mul3A_680, %add3A_682 : vector<16xi32>
      tpu.vector_store_idx %arg20[%add3A_683], %gather3A_669 : memref<6144xf32, #tpu.memory_space<vmem>>[vector<16xi32>], vector<16xf32>,
      %add3A_684 = arith.constant 2 : i32
      %add3A_685 = vector.broadcast %add3A_684 : i32 to vector<16xi32>
      %add3A_686 = arith.addi %mul3A_680, %add3A_685 : vector<16xi32>
      tpu.vector_store_idx %arg20[%add3A_686], %gather3A_673 : memref<6144xf32, #tpu.memory_space<vmem>>[vector<16xi32>], vector<16xf32>,
    }
    %mul3A_355 = arith.constant 6144 : i32
    %mul3A_356 = arith.muli %mul3A_355, %add3A : i32
    "tpu.region"() ({
      %run_scoped3A_646 = tpu.sem_alloc : memref<!tpu.dma_semaphore, #tpu.memory_space<semaphore_mem>>
      %dma_start3A_647 = tpu.memref_slice %arg7[%mul3A_356] : memref<196608xf32, #tpu.memory_space<hbm>> -> memref<6144xf32, #tpu.memory_space<hbm>>
      %dma_start3A_648 = tpu.memref_slice %arg7[%mul3A_356] : memref<196608xf32, #tpu.memory_space<hbm>> -> memref<6144xf32, #tpu.memory_space<hbm>>
      tpu.enqueue_dma source(%arg20 : memref<6144xf32, #tpu.memory_space<vmem>>) target(%dma_start3A_648 : memref<6144xf32, #tpu.memory_space<hbm>>) target_semaphore(%run_scoped3A_646 : memref<!tpu.dma_semaphore, #tpu.memory_space<semaphore_mem>>)
      %dma_wait3A_649 = tpu.memref_slice %arg7[%mul3A_356] : memref<196608xf32, #tpu.memory_space<hbm>> -> memref<6144xf32, #tpu.memory_space<hbm>>
      %dma_wait3A_650 = tpu.memref_slice %arg7[%mul3A_356] : memref<196608xf32, #tpu.memory_space<hbm>> -> memref<6144xf32, #tpu.memory_space<hbm>>
      tpu.wait_dma2 semaphore(%run_scoped3A_646 : memref<!tpu.dma_semaphore, #tpu.memory_space<semaphore_mem>>) src(%arg20 : memref<6144xf32, #tpu.memory_space<vmem>>) dst(%dma_wait3A_650 : memref<6144xf32, #tpu.memory_space<hbm>>)
      tpu.yield
    }) : () -> ()
    %while3A_357 = arith.constant 0 : i32
    %while3A_358 = arith.constant 0 : i32
    %while3A_359 = arith.constant 144 : i32
    %while3A_360 = arith.subi %while3A_359, %while3A_358 : i32
    %while3A_361 = arith.addi %while3A_358, %while3A_360 : i32
    %while3A_362 = arith.constant 1 : i32
    %while3A_363 = arith.divsi %while3A_360, %while3A_362 : i32
    %while3A_364 = arith.muli %while3A_363, %while3A_362 : i32
    %while3A_365 = arith.addi %while3A_358, %while3A_364 : i32
    %while3A_366 = arith.constant 1 : i32
    scf.for %while3A_646 = %while3A_358 to %while3A_365 step %while3A_366  : i32 {
      %div3A = arith.constant 16 : i32
      %div3A_647 = arith.divsi %while3A_646, %div3A : i32
      %rem3A = arith.constant 16 : i32
      %rem3A_648 = arith.remsi %while3A_646, %rem3A : i32
      %mul3A_649 = arith.constant 8 : i32
      %mul3A_650 = arith.muli %mul3A_649, %add3A : i32
      %sub3A = arith.constant 1 : i32
      %sub3A_651 = arith.subi %mul3A_650, %sub3A : i32
      %add3A_652 = arith.addi %sub3A_651, %div3A_647 : i32
      %mul3A_653 = arith.constant 256 : i32
      %mul3A_654 = arith.muli %mul3A_653, %div3A_647 : i32
      %mul3A_655 = arith.constant 16 : i32
      %mul3A_656 = arith.muli %mul3A_655, %rem3A_648 : i32
      %add3A_657 = arith.addi %mul3A_654, %mul3A_656 : i32
      %mul3A_658 = arith.constant 16 : i32
      %mul3A_659 = arith.muli %mul3A_658, %rem3A_648 : i32
      %add3A_660 = vector.broadcast %mul3A_659 : i32 to vector<16xi32>
      %add3A_661 = arith.addi %add3A_660, %iota3A : vector<16xi32>
      %add3A_662 = vector.broadcast %add3A_657 : i32 to vector<16xi32>
      %add3A_663 = arith.addi %add3A_662, %iota3A : vector<16xi32>
      %gather3A = tpu.vector_load_idx %arg12[%add3A_663] : memref<2560xi32, #tpu.memory_space<vmem>>[vector<16xi32>], vector<16xi32>,
      %shift_right_arithmetic3A_664 = arith.constant 8 : i32
      %shift_right_arithmetic3A_665 = vector.broadcast %shift_right_arithmetic3A_664 : i32 to vector<16xi32>
      %shift_right_arithmetic3A_666 = arith.shrsi %add3A_663, %shift_right_arithmetic3A_665 : vector<16xi32>
      %mul3A_667 = arith.constant 3072 : i32
      %mul3A_668 = vector.broadcast %mul3A_667 : i32 to vector<16xi32>
      %mul3A_669 = arith.muli %mul3A_668, %shift_right_arithmetic3A_666 : vector<16xi32>
      %and3A = arith.constant 1023 : i32
      %and3A_670 = vector.broadcast %and3A : i32 to vector<16xi32>
      %and3A_671 = arith.andi %gather3A, %and3A_670 : vector<16xi32>
      %mul3A_672 = arith.constant 3 : i32
      %mul3A_673 = vector.broadcast %mul3A_672 : i32 to vector<16xi32>
      %mul3A_674 = arith.muli %mul3A_673, %and3A_671 : vector<16xi32>
      %add3A_675 = arith.addi %mul3A_669, %mul3A_674 : vector<16xi32>
      %gather3A_676 = tpu.vector_load_idx %arg13[%add3A_675] : memref<30720xf32, #tpu.memory_space<vmem>>[vector<16xi32>], vector<16xf32>,
      %add3A_677 = arith.constant 1 : i32
      %add3A_678 = vector.broadcast %add3A_677 : i32 to vector<16xi32>
      %add3A_679 = arith.addi %add3A_675, %add3A_678 : vector<16xi32>
      %gather3A_680 = tpu.vector_load_idx %arg13[%add3A_679] : memref<30720xf32, #tpu.memory_space<vmem>>[vector<16xi32>], vector<16xf32>,
      %add3A_681 = arith.constant 2 : i32
      %add3A_682 = vector.broadcast %add3A_681 : i32 to vector<16xi32>
      %add3A_683 = arith.addi %add3A_675, %add3A_682 : vector<16xi32>
      %gather3A_684 = tpu.vector_load_idx %arg13[%add3A_683] : memref<30720xf32, #tpu.memory_space<vmem>>[vector<16xi32>], vector<16xf32>,
      %add3A_685 = arith.constant 1 : i32
      %add3A_686 = arith.addi %add3A_657, %add3A_685 : i32
      %add3A_687 = vector.broadcast %add3A_686 : i32 to vector<16xi32>
      %add3A_688 = arith.addi %add3A_687, %iota3A : vector<16xi32>
      %gather3A_689 = tpu.vector_load_idx %arg12[%add3A_688] : memref<2560xi32, #tpu.memory_space<vmem>>[vector<16xi32>], vector<16xi32>,
      %shift_right_arithmetic3A_690 = arith.constant 8 : i32
      %shift_right_arithmetic3A_691 = vector.broadcast %shift_right_arithmetic3A_690 : i32 to vector<16xi32>
      %shift_right_arithmetic3A_692 = arith.shrsi %add3A_688, %shift_right_arithmetic3A_691 : vector<16xi32>
      %mul3A_693 = arith.constant 3072 : i32
      %mul3A_694 = vector.broadcast %mul3A_693 : i32 to vector<16xi32>
      %mul3A_695 = arith.muli %mul3A_694, %shift_right_arithmetic3A_692 : vector<16xi32>
      %and3A_696 = arith.constant 1023 : i32
      %and3A_697 = vector.broadcast %and3A_696 : i32 to vector<16xi32>
      %and3A_698 = arith.andi %gather3A_689, %and3A_697 : vector<16xi32>
      %mul3A_699 = arith.constant 3 : i32
      %mul3A_700 = vector.broadcast %mul3A_699 : i32 to vector<16xi32>
      %mul3A_701 = arith.muli %mul3A_700, %and3A_698 : vector<16xi32>
      %add3A_702 = arith.addi %mul3A_695, %mul3A_701 : vector<16xi32>
      %gather3A_703 = tpu.vector_load_idx %arg13[%add3A_702] : memref<30720xf32, #tpu.memory_space<vmem>>[vector<16xi32>], vector<16xf32>,
      %add3A_704 = arith.constant 1 : i32
      %add3A_705 = vector.broadcast %add3A_704 : i32 to vector<16xi32>
      %add3A_706 = arith.addi %add3A_702, %add3A_705 : vector<16xi32>
      %gather3A_707 = tpu.vector_load_idx %arg13[%add3A_706] : memref<30720xf32, #tpu.memory_space<vmem>>[vector<16xi32>], vector<16xf32>,
      %add3A_708 = arith.constant 2 : i32
      %add3A_709 = vector.broadcast %add3A_708 : i32 to vector<16xi32>
      %add3A_710 = arith.addi %add3A_702, %add3A_709 : vector<16xi32>
      %gather3A_711 = tpu.vector_load_idx %arg13[%add3A_710] : memref<30720xf32, #tpu.memory_space<vmem>>[vector<16xi32>], vector<16xf32>,
      %add3A_712 = arith.constant 257 : i32
      %add3A_713 = arith.addi %add3A_657, %add3A_712 : i32
      %add3A_714 = vector.broadcast %add3A_713 : i32 to vector<16xi32>
      %add3A_715 = arith.addi %add3A_714, %iota3A : vector<16xi32>
      %min3A = arith.constant 2559 : i32
      %min3A_716 = vector.broadcast %min3A : i32 to vector<16xi32>
      %min3A_717 = arith.minsi %add3A_715, %min3A_716 : vector<16xi32>
      %gather3A_718 = tpu.vector_load_idx %arg12[%min3A_717] : memref<2560xi32, #tpu.memory_space<vmem>>[vector<16xi32>], vector<16xi32>,
      %shift_right_arithmetic3A_719 = arith.constant 8 : i32
      %shift_right_arithmetic3A_720 = vector.broadcast %shift_right_arithmetic3A_719 : i32 to vector<16xi32>
      %shift_right_arithmetic3A_721 = arith.shrsi %min3A_717, %shift_right_arithmetic3A_720 : vector<16xi32>
      %mul3A_722 = arith.constant 3072 : i32
      %mul3A_723 = vector.broadcast %mul3A_722 : i32 to vector<16xi32>
      %mul3A_724 = arith.muli %mul3A_723, %shift_right_arithmetic3A_721 : vector<16xi32>
      %and3A_725 = arith.constant 1023 : i32
      %and3A_726 = vector.broadcast %and3A_725 : i32 to vector<16xi32>
      %and3A_727 = arith.andi %gather3A_718, %and3A_726 : vector<16xi32>
      %mul3A_728 = arith.constant 3 : i32
      %mul3A_729 = vector.broadcast %mul3A_728 : i32 to vector<16xi32>
      %mul3A_730 = arith.muli %mul3A_729, %and3A_727 : vector<16xi32>
      %add3A_731 = arith.addi %mul3A_724, %mul3A_730 : vector<16xi32>
      %gather3A_732 = tpu.vector_load_idx %arg13[%add3A_731] : memref<30720xf32, #tpu.memory_space<vmem>>[vector<16xi32>], vector<16xf32>,
      %add3A_733 = arith.constant 1 : i32
      %add3A_734 = vector.broadcast %add3A_733 : i32 to vector<16xi32>
      %add3A_735 = arith.addi %add3A_731, %add3A_734 : vector<16xi32>
      %gather3A_736 = tpu.vector_load_idx %arg13[%add3A_735] : memref<30720xf32, #tpu.memory_space<vmem>>[vector<16xi32>], vector<16xf32>,
      %add3A_737 = arith.constant 2 : i32
      %add3A_738 = vector.broadcast %add3A_737 : i32 to vector<16xi32>
      %add3A_739 = arith.addi %add3A_731, %add3A_738 : vector<16xi32>
      %gather3A_740 = tpu.vector_load_idx %arg13[%add3A_739] : memref<30720xf32, #tpu.memory_space<vmem>>[vector<16xi32>], vector<16xf32>,
      %add3A_741 = arith.constant 256 : i32
      %add3A_742 = arith.addi %add3A_657, %add3A_741 : i32
      %add3A_743 = vector.broadcast %add3A_742 : i32 to vector<16xi32>
      %add3A_744 = arith.addi %add3A_743, %iota3A : vector<16xi32>
      %gather3A_745 = tpu.vector_load_idx %arg12[%add3A_744] : memref<2560xi32, #tpu.memory_space<vmem>>[vector<16xi32>], vector<16xi32>,
      %shift_right_arithmetic3A_746 = arith.constant 8 : i32
      %shift_right_arithmetic3A_747 = vector.broadcast %shift_right_arithmetic3A_746 : i32 to vector<16xi32>
      %shift_right_arithmetic3A_748 = arith.shrsi %add3A_744, %shift_right_arithmetic3A_747 : vector<16xi32>
      %mul3A_749 = arith.constant 3072 : i32
      %mul3A_750 = vector.broadcast %mul3A_749 : i32 to vector<16xi32>
      %mul3A_751 = arith.muli %mul3A_750, %shift_right_arithmetic3A_748 : vector<16xi32>
      %and3A_752 = arith.constant 1023 : i32
      %and3A_753 = vector.broadcast %and3A_752 : i32 to vector<16xi32>
      %and3A_754 = arith.andi %gather3A_745, %and3A_753 : vector<16xi32>
      %mul3A_755 = arith.constant 3 : i32
      %mul3A_756 = vector.broadcast %mul3A_755 : i32 to vector<16xi32>
      %mul3A_757 = arith.muli %mul3A_756, %and3A_754 : vector<16xi32>
      %add3A_758 = arith.addi %mul3A_751, %mul3A_757 : vector<16xi32>
      %gather3A_759 = tpu.vector_load_idx %arg13[%add3A_758] : memref<30720xf32, #tpu.memory_space<vmem>>[vector<16xi32>], vector<16xf32>,
      %add3A_760 = arith.constant 1 : i32
      %add3A_761 = vector.broadcast %add3A_760 : i32 to vector<16xi32>
      %add3A_762 = arith.addi %add3A_758, %add3A_761 : vector<16xi32>
      %gather3A_763 = tpu.vector_load_idx %arg13[%add3A_762] : memref<30720xf32, #tpu.memory_space<vmem>>[vector<16xi32>], vector<16xf32>,
      %add3A_764 = arith.constant 2 : i32
      %add3A_765 = vector.broadcast %add3A_764 : i32 to vector<16xi32>
      %add3A_766 = arith.addi %add3A_758, %add3A_765 : vector<16xi32>
      %gather3A_767 = tpu.vector_load_idx %arg13[%add3A_766] : memref<30720xf32, #tpu.memory_space<vmem>>[vector<16xi32>], vector<16xf32>,
      %sub3A_768 = arith.subf %gather3A_703, %gather3A_676 : vector<16xf32>
      %sub3A_769 = arith.subf %gather3A_707, %gather3A_680 : vector<16xf32>
      %sub3A_770 = arith.subf %gather3A_711, %gather3A_684 : vector<16xf32>
      %mul3A_771 = arith.mulf %sub3A_768, %sub3A_768 : vector<16xf32>
      %mul3A_772 = arith.mulf %sub3A_769, %sub3A_769 : vector<16xf32>
      %add3A_773 = arith.addf %mul3A_771, %mul3A_772 : vector<16xf32>
      %mul3A_774 = arith.mulf %sub3A_770, %sub3A_770 : vector<16xf32>
      %add3A_775 = arith.addf %add3A_773, %mul3A_774 : vector<16xf32>
      %sub3A_776 = arith.subf %gather3A_732, %gather3A_676 : vector<16xf32>
      %sub3A_777 = arith.subf %gather3A_736, %gather3A_680 : vector<16xf32>
      %sub3A_778 = arith.subf %gather3A_740, %gather3A_684 : vector<16xf32>
      %mul3A_779 = arith.mulf %sub3A_776, %sub3A_776 : vector<16xf32>
      %mul3A_780 = arith.mulf %sub3A_777, %sub3A_777 : vector<16xf32>
      %add3A_781 = arith.addf %mul3A_779, %mul3A_780 : vector<16xf32>
      %mul3A_782 = arith.mulf %sub3A_778, %sub3A_778 : vector<16xf32>
      %add3A_783 = arith.addf %add3A_781, %mul3A_782 : vector<16xf32>
      %sub3A_784 = arith.subf %gather3A_759, %gather3A_676 : vector<16xf32>
      %sub3A_785 = arith.subf %gather3A_763, %gather3A_680 : vector<16xf32>
      %sub3A_786 = arith.subf %gather3A_767, %gather3A_684 : vector<16xf32>
      %mul3A_787 = arith.mulf %sub3A_784, %sub3A_784 : vector<16xf32>
      %mul3A_788 = arith.mulf %sub3A_785, %sub3A_785 : vector<16xf32>
      %add3A_789 = arith.addf %mul3A_787, %mul3A_788 : vector<16xf32>
      %mul3A_790 = arith.mulf %sub3A_786, %sub3A_786 : vector<16xf32>
      %add3A_791 = arith.addf %add3A_789, %mul3A_790 : vector<16xf32>
      %sub3A_792 = arith.subf %gather3A_759, %gather3A_703 : vector<16xf32>
      %sub3A_793 = arith.subf %gather3A_763, %gather3A_707 : vector<16xf32>
      %sub3A_794 = arith.subf %gather3A_767, %gather3A_711 : vector<16xf32>
      %mul3A_795 = arith.mulf %sub3A_792, %sub3A_792 : vector<16xf32>
      %mul3A_796 = arith.mulf %sub3A_793, %sub3A_793 : vector<16xf32>
      %add3A_797 = arith.addf %mul3A_795, %mul3A_796 : vector<16xf32>
      %mul3A_798 = arith.mulf %sub3A_794, %sub3A_794 : vector<16xf32>
      %add3A_799 = arith.addf %add3A_797, %mul3A_798 : vector<16xf32>
      %bitcast3A = vector.bitcast %add3A_775 : vector<16xf32> to vector<16xi32>
      %shift_right_arithmetic3A_800 = arith.constant 1 : i32
      %shift_right_arithmetic3A_801 = vector.broadcast %shift_right_arithmetic3A_800 : i32 to vector<16xi32>
      %shift_right_arithmetic3A_802 = arith.shrsi %bitcast3A, %shift_right_arithmetic3A_801 : vector<16xi32>
      %sub3A_803 = arith.constant 1597463007 : i32
      %sub3A_804 = vector.broadcast %sub3A_803 : i32 to vector<16xi32>
      %sub3A_805 = arith.subi %sub3A_804, %shift_right_arithmetic3A_802 : vector<16xi32>
      %bitcast3A_806 = vector.bitcast %sub3A_805 : vector<16xi32> to vector<16xf32>
      %mul3A_807 = arith.constant 5.000000e-01 : f32
      %mul3A_808 = vector.broadcast %mul3A_807 : f32 to vector<16xf32>
      %mul3A_809 = arith.mulf %mul3A_808, %add3A_775 : vector<16xf32>
      %mul3A_810 = arith.mulf %mul3A_809, %bitcast3A_806 : vector<16xf32>
      %mul3A_811 = arith.mulf %mul3A_810, %bitcast3A_806 : vector<16xf32>
      %sub3A_812 = arith.constant 1.500000e+00 : f32
      %sub3A_813 = vector.broadcast %sub3A_812 : f32 to vector<16xf32>
      %sub3A_814 = arith.subf %sub3A_813, %mul3A_811 : vector<16xf32>
      %mul3A_815 = arith.mulf %bitcast3A_806, %sub3A_814 : vector<16xf32>
      %mul3A_816 = arith.mulf %mul3A_809, %mul3A_815 : vector<16xf32>
      %mul3A_817 = arith.mulf %mul3A_816, %mul3A_815 : vector<16xf32>
      %sub3A_818 = arith.constant 1.500000e+00 : f32
      %sub3A_819 = vector.broadcast %sub3A_818 : f32 to vector<16xf32>
      %sub3A_820 = arith.subf %sub3A_819, %mul3A_817 : vector<16xf32>
      %mul3A_821 = arith.mulf %mul3A_815, %sub3A_820 : vector<16xf32>
      %mul3A_822 = arith.mulf %add3A_775, %mul3A_821 : vector<16xf32>
      %bitcast3A_823 = vector.bitcast %add3A_783 : vector<16xf32> to vector<16xi32>
      %shift_right_arithmetic3A_824 = arith.constant 1 : i32
      %shift_right_arithmetic3A_825 = vector.broadcast %shift_right_arithmetic3A_824 : i32 to vector<16xi32>
      %shift_right_arithmetic3A_826 = arith.shrsi %bitcast3A_823, %shift_right_arithmetic3A_825 : vector<16xi32>
      %sub3A_827 = arith.constant 1597463007 : i32
      %sub3A_828 = vector.broadcast %sub3A_827 : i32 to vector<16xi32>
      %sub3A_829 = arith.subi %sub3A_828, %shift_right_arithmetic3A_826 : vector<16xi32>
      %bitcast3A_830 = vector.bitcast %sub3A_829 : vector<16xi32> to vector<16xf32>
      %mul3A_831 = arith.constant 5.000000e-01 : f32
      %mul3A_832 = vector.broadcast %mul3A_831 : f32 to vector<16xf32>
      %mul3A_833 = arith.mulf %mul3A_832, %add3A_783 : vector<16xf32>
      %mul3A_834 = arith.mulf %mul3A_833, %bitcast3A_830 : vector<16xf32>
      %mul3A_835 = arith.mulf %mul3A_834, %bitcast3A_830 : vector<16xf32>
      %sub3A_836 = arith.constant 1.500000e+00 : f32
      %sub3A_837 = vector.broadcast %sub3A_836 : f32 to vector<16xf32>
      %sub3A_838 = arith.subf %sub3A_837, %mul3A_835 : vector<16xf32>
      %mul3A_839 = arith.mulf %bitcast3A_830, %sub3A_838 : vector<16xf32>
      %mul3A_840 = arith.mulf %mul3A_833, %mul3A_839 : vector<16xf32>
      %mul3A_841 = arith.mulf %mul3A_840, %mul3A_839 : vector<16xf32>
      %sub3A_842 = arith.constant 1.500000e+00 : f32
      %sub3A_843 = vector.broadcast %sub3A_842 : f32 to vector<16xf32>
      %sub3A_844 = arith.subf %sub3A_843, %mul3A_841 : vector<16xf32>
      %mul3A_845 = arith.mulf %mul3A_839, %sub3A_844 : vector<16xf32>
      %mul3A_846 = arith.mulf %add3A_783, %mul3A_845 : vector<16xf32>
      %bitcast3A_847 = vector.bitcast %add3A_791 : vector<16xf32> to vector<16xi32>
      %shift_right_arithmetic3A_848 = arith.constant 1 : i32
      %shift_right_arithmetic3A_849 = vector.broadcast %shift_right_arithmetic3A_848 : i32 to vector<16xi32>
      %shift_right_arithmetic3A_850 = arith.shrsi %bitcast3A_847, %shift_right_arithmetic3A_849 : vector<16xi32>
      %sub3A_851 = arith.constant 1597463007 : i32
      %sub3A_852 = vector.broadcast %sub3A_851 : i32 to vector<16xi32>
      %sub3A_853 = arith.subi %sub3A_852, %shift_right_arithmetic3A_850 : vector<16xi32>
      %bitcast3A_854 = vector.bitcast %sub3A_853 : vector<16xi32> to vector<16xf32>
      %mul3A_855 = arith.constant 5.000000e-01 : f32
      %mul3A_856 = vector.broadcast %mul3A_855 : f32 to vector<16xf32>
      %mul3A_857 = arith.mulf %mul3A_856, %add3A_791 : vector<16xf32>
      %mul3A_858 = arith.mulf %mul3A_857, %bitcast3A_854 : vector<16xf32>
      %mul3A_859 = arith.mulf %mul3A_858, %bitcast3A_854 : vector<16xf32>
      %sub3A_860 = arith.constant 1.500000e+00 : f32
      %sub3A_861 = vector.broadcast %sub3A_860 : f32 to vector<16xf32>
      %sub3A_862 = arith.subf %sub3A_861, %mul3A_859 : vector<16xf32>
      %mul3A_863 = arith.mulf %bitcast3A_854, %sub3A_862 : vector<16xf32>
      %mul3A_864 = arith.mulf %mul3A_857, %mul3A_863 : vector<16xf32>
      %mul3A_865 = arith.mulf %mul3A_864, %mul3A_863 : vector<16xf32>
      %sub3A_866 = arith.constant 1.500000e+00 : f32
      %sub3A_867 = vector.broadcast %sub3A_866 : f32 to vector<16xf32>
      %sub3A_868 = arith.subf %sub3A_867, %mul3A_865 : vector<16xf32>
      %mul3A_869 = arith.mulf %mul3A_863, %sub3A_868 : vector<16xf32>
      %mul3A_870 = arith.mulf %add3A_791, %mul3A_869 : vector<16xf32>
      %bitcast3A_871 = vector.bitcast %add3A_799 : vector<16xf32> to vector<16xi32>
      %shift_right_arithmetic3A_872 = arith.constant 1 : i32
      %shift_right_arithmetic3A_873 = vector.broadcast %shift_right_arithmetic3A_872 : i32 to vector<16xi32>
      %shift_right_arithmetic3A_874 = arith.shrsi %bitcast3A_871, %shift_right_arithmetic3A_873 : vector<16xi32>
      %sub3A_875 = arith.constant 1597463007 : i32
      %sub3A_876 = vector.broadcast %sub3A_875 : i32 to vector<16xi32>
      %sub3A_877 = arith.subi %sub3A_876, %shift_right_arithmetic3A_874 : vector<16xi32>
      %bitcast3A_878 = vector.bitcast %sub3A_877 : vector<16xi32> to vector<16xf32>
      %mul3A_879 = arith.constant 5.000000e-01 : f32
      %mul3A_880 = vector.broadcast %mul3A_879 : f32 to vector<16xf32>
      %mul3A_881 = arith.mulf %mul3A_880, %add3A_799 : vector<16xf32>
      %mul3A_882 = arith.mulf %mul3A_881, %bitcast3A_878 : vector<16xf32>
      %mul3A_883 = arith.mulf %mul3A_882, %bitcast3A_878 : vector<16xf32>
      %sub3A_884 = arith.constant 1.500000e+00 : f32
      %sub3A_885 = vector.broadcast %sub3A_884 : f32 to vector<16xf32>
      %sub3A_886 = arith.subf %sub3A_885, %mul3A_883 : vector<16xf32>
      %mul3A_887 = arith.mulf %bitcast3A_878, %sub3A_886 : vector<16xf32>
      %mul3A_888 = arith.mulf %mul3A_881, %mul3A_887 : vector<16xf32>
      %mul3A_889 = arith.mulf %mul3A_888, %mul3A_887 : vector<16xf32>
      %sub3A_890 = arith.constant 1.500000e+00 : f32
      %sub3A_891 = vector.broadcast %sub3A_890 : f32 to vector<16xf32>
      %sub3A_892 = arith.subf %sub3A_891, %mul3A_889 : vector<16xf32>
      %mul3A_893 = arith.mulf %mul3A_887, %sub3A_892 : vector<16xf32>
      %mul3A_894 = arith.mulf %add3A_799, %mul3A_893 : vector<16xf32>
      %lt3A = arith.constant 255 : i32
      %lt3A_895 = vector.broadcast %lt3A : i32 to vector<16xi32>
      %lt3A_896 = arith.cmpi slt, %add3A_661, %lt3A_895 : vector<16xi32>
      %lt3A_897 = arith.constant 255 : i32
      %lt3A_898 = arith.cmpi slt, %add3A_652, %lt3A_897 : i32
      %broadcast_in_dim3A_899 = vector.broadcast %lt3A_898 : i1 to vector<16xi1>
      %eq3A_900 = arith.constant 255 : i32
      %eq3A_901 = arith.cmpi eq, %add3A_652, %eq3A_900 : i32
      %broadcast_in_dim3A_902 = vector.broadcast %eq3A_901 : i1 to vector<16xi1>
      %gt3A = arith.constant 0 : i32
      %gt3A_903 = arith.cmpi sgt, %div3A_647, %gt3A : i32
      %broadcast_in_dim3A_904 = vector.broadcast %gt3A_903 : i1 to vector<16xi1>
      %and3A_905 = arith.andi %broadcast_in_dim3A_899, %lt3A_896 : vector<16xi1>
      %and3A_906 = arith.andi %broadcast_in_dim3A_899, %lt3A_896 : vector<16xi1>
      %mul3A_907 = arith.constant 1024 : i32
      %mul3A_908 = arith.muli %mul3A_907, %div3A_647 : i32
      %mul3A_909 = arith.constant 4 : i32
      %mul3A_910 = vector.broadcast %mul3A_909 : i32 to vector<16xi32>
      %mul3A_911 = arith.muli %mul3A_910, %add3A_661 : vector<16xi32>
      %add3A_912 = vector.broadcast %mul3A_908 : i32 to vector<16xi32>
      %add3A_913 = arith.addi %add3A_912, %mul3A_911 : vector<16xi32>
      %add3A_914 = arith.constant 0 : i32
      %add3A_915 = vector.broadcast %add3A_914 : i32 to vector<16xi32>
      %add3A_916 = arith.addi %add3A_913, %add3A_915 : vector<16xi32>
      %jit3A_917 = arith.constant 0.000000e+00 : f64
      %convert_element_type3A = arith.truncf %jit3A_917 : f64 to f32
      %broadcast_in_dim3A_918 = vector.broadcast %convert_element_type3A : f32 to vector<16xf32>
      %select_n3A_919 = arith.select %lt3A_896, %mul3A_822, %broadcast_in_dim3A_918 : vector<16xi1>, vector<16xf32>
      tpu.vector_store_idx %arg14[%add3A_916], %select_n3A_919 : memref<9216xf32, #tpu.memory_space<vmem>>[vector<16xi32>], vector<16xf32>,
      %mul3A_920 = arith.constant 4 : i32
      %mul3A_921 = vector.broadcast %mul3A_920 : i32 to vector<16xi32>
      %mul3A_922 = arith.muli %mul3A_921, %add3A_661 : vector<16xi32>
      %select_n3A_923 = arith.select %broadcast_in_dim3A_902, %add3A_661, %mul3A_922 : vector<16xi1>, vector<16xi32>
      %and3A_924 = arith.andi %lt3A_896, %broadcast_in_dim3A_904 : vector<16xi1>
      %sub3A_925 = arith.constant 1 : i32
      %sub3A_926 = arith.subi %div3A_647, %sub3A_925 : i32
      %mul3A_927 = arith.constant 1021 : i32
      %mul3A_928 = arith.muli %mul3A_927, %sub3A_926 : i32
      %add3A_929 = vector.broadcast %mul3A_928 : i32 to vector<16xi32>
      %add3A_930 = arith.addi %add3A_929, %select_n3A_923 : vector<16xi32>
      %jit3A_931 = arith.constant 0 : i64
      %jit3A_932 = arith.constant 8167 : i64
      %convert_element_type3A_933 = arith.trunci %jit3A_931 : i64 to i32
      %max3A = vector.broadcast %convert_element_type3A_933 : i32 to vector<16xi32>
      %max3A_934 = arith.maxsi %max3A, %add3A_930 : vector<16xi32>
      %convert_element_type3A_935 = arith.trunci %jit3A_932 : i64 to i32
      %min3A_936 = vector.broadcast %convert_element_type3A_935 : i32 to vector<16xi32>
      %min3A_937 = arith.minsi %min3A_936, %max3A_934 : vector<16xi32>
      tpu.vector_store_idx %arg15[%min3A_937], %mul3A_822 masked %and3A_924 : memref<8168xf32, #tpu.memory_space<vmem>>[vector<16xi32>], vector<16xf32>, vector<16xi1>
      %mul3A_938 = arith.constant 1024 : i32
      %mul3A_939 = arith.muli %mul3A_938, %div3A_647 : i32
      %mul3A_940 = arith.constant 4 : i32
      %mul3A_941 = vector.broadcast %mul3A_940 : i32 to vector<16xi32>
      %mul3A_942 = arith.muli %mul3A_941, %add3A_661 : vector<16xi32>
      %add3A_943 = vector.broadcast %mul3A_939 : i32 to vector<16xi32>
      %add3A_944 = arith.addi %add3A_943, %mul3A_942 : vector<16xi32>
      %add3A_945 = arith.constant 1 : i32
      %add3A_946 = vector.broadcast %add3A_945 : i32 to vector<16xi32>
      %add3A_947 = arith.addi %add3A_944, %add3A_946 : vector<16xi32>
      %jit3A_948 = arith.constant 0.000000e+00 : f64
      %convert_element_type3A_949 = arith.truncf %jit3A_948 : f64 to f32
      %broadcast_in_dim3A_950 = vector.broadcast %convert_element_type3A_949 : f32 to vector<16xf32>
      %select_n3A_951 = arith.select %and3A_905, %mul3A_846, %broadcast_in_dim3A_950 : vector<16xi1>, vector<16xf32>
      tpu.vector_store_idx %arg14[%add3A_947], %select_n3A_951 : memref<9216xf32, #tpu.memory_space<vmem>>[vector<16xi32>], vector<16xf32>,
      %eq3A_952 = arith.constant 255 : i32
      %eq3A_953 = vector.broadcast %eq3A_952 : i32 to vector<16xi32>
      %eq3A_954 = arith.cmpi eq, %add3A_661, %eq3A_953 : vector<16xi32>
      %mul3A_955 = arith.constant 4 : i32
      %mul3A_956 = vector.broadcast %mul3A_955 : i32 to vector<16xi32>
      %mul3A_957 = arith.muli %mul3A_956, %add3A_661 : vector<16xi32>
      %add3A_958 = arith.constant 1 : i32
      %add3A_959 = vector.broadcast %add3A_958 : i32 to vector<16xi32>
      %add3A_960 = arith.addi %mul3A_957, %add3A_959 : vector<16xi32>
      %jit3A_961 = arith.constant 1020 : i64
      %convert_element_type3A_962 = arith.trunci %jit3A_961 : i64 to i32
      %broadcast_in_dim3A_963 = vector.broadcast %convert_element_type3A_962 : i32 to vector<16xi32>
      %select_n3A_964 = arith.select %eq3A_954, %broadcast_in_dim3A_963, %add3A_960 : vector<16xi1>, vector<16xi32>
      %and3A_965 = arith.andi %and3A_905, %broadcast_in_dim3A_904 : vector<16xi1>
      %sub3A_966 = arith.constant 1 : i32
      %sub3A_967 = arith.subi %div3A_647, %sub3A_966 : i32
      %mul3A_968 = arith.constant 1021 : i32
      %mul3A_969 = arith.muli %mul3A_968, %sub3A_967 : i32
      %add3A_970 = vector.broadcast %mul3A_969 : i32 to vector<16xi32>
      %add3A_971 = arith.addi %add3A_970, %select_n3A_964 : vector<16xi32>
      %jit3A_972 = arith.constant 0 : i64
      %jit3A_973 = arith.constant 8167 : i64
      %convert_element_type3A_974 = arith.trunci %jit3A_972 : i64 to i32
      %max3A_975 = vector.broadcast %convert_element_type3A_974 : i32 to vector<16xi32>
      %max3A_976 = arith.maxsi %max3A_975, %add3A_971 : vector<16xi32>
      %convert_element_type3A_977 = arith.trunci %jit3A_973 : i64 to i32
      %min3A_978 = vector.broadcast %convert_element_type3A_977 : i32 to vector<16xi32>
      %min3A_979 = arith.minsi %min3A_978, %max3A_976 : vector<16xi32>
      tpu.vector_store_idx %arg15[%min3A_979], %mul3A_846 masked %and3A_965 : memref<8168xf32, #tpu.memory_space<vmem>>[vector<16xi32>], vector<16xf32>, vector<16xi1>
      %mul3A_980 = arith.constant 1024 : i32
      %mul3A_981 = arith.muli %mul3A_980, %div3A_647 : i32
      %mul3A_982 = arith.constant 4 : i32
      %mul3A_983 = vector.broadcast %mul3A_982 : i32 to vector<16xi32>
      %mul3A_984 = arith.muli %mul3A_983, %add3A_661 : vector<16xi32>
      %add3A_985 = vector.broadcast %mul3A_981 : i32 to vector<16xi32>
      %add3A_986 = arith.addi %add3A_985, %mul3A_984 : vector<16xi32>
      %add3A_987 = arith.constant 2 : i32
      %add3A_988 = vector.broadcast %add3A_987 : i32 to vector<16xi32>
      %add3A_989 = arith.addi %add3A_986, %add3A_988 : vector<16xi32>
      %jit3A_990 = arith.constant 0.000000e+00 : f64
      %convert_element_type3A_991 = arith.truncf %jit3A_990 : f64 to f32
      %broadcast_in_dim3A_992 = vector.broadcast %convert_element_type3A_991 : f32 to vector<16xf32>
      %select_n3A_993 = arith.select %broadcast_in_dim3A_899, %mul3A_870, %broadcast_in_dim3A_992 : vector<16xi1>, vector<16xf32>
      tpu.vector_store_idx %arg14[%add3A_989], %select_n3A_993 : memref<9216xf32, #tpu.memory_space<vmem>>[vector<16xi32>], vector<16xf32>,
      %eq3A_994 = arith.constant 255 : i32
      %eq3A_995 = vector.broadcast %eq3A_994 : i32 to vector<16xi32>
      %eq3A_996 = arith.cmpi eq, %add3A_661, %eq3A_995 : vector<16xi32>
      %mul3A_997 = arith.constant 4 : i32
      %mul3A_998 = vector.broadcast %mul3A_997 : i32 to vector<16xi32>
      %mul3A_999 = arith.muli %mul3A_998, %add3A_661 : vector<16xi32>
      %add3A_1000 = arith.constant 2 : i32
      %add3A_1001 = vector.broadcast %add3A_1000 : i32 to vector<16xi32>
      %add3A_1002 = arith.addi %mul3A_999, %add3A_1001 : vector<16xi32>
      %jit3A_1003 = arith.constant 1020 : i64
      %convert_element_type3A_1004 = arith.trunci %jit3A_1003 : i64 to i32
      %broadcast_in_dim3A_1005 = vector.broadcast %convert_element_type3A_1004 : i32 to vector<16xi32>
      %select_n3A_1006 = arith.select %eq3A_996, %broadcast_in_dim3A_1005, %add3A_1002 : vector<16xi1>, vector<16xi32>
      %and3A_1007 = arith.andi %broadcast_in_dim3A_899, %broadcast_in_dim3A_904 : vector<16xi1>
      %sub3A_1008 = arith.constant 1 : i32
      %sub3A_1009 = arith.subi %div3A_647, %sub3A_1008 : i32
      %mul3A_1010 = arith.constant 1021 : i32
      %mul3A_1011 = arith.muli %mul3A_1010, %sub3A_1009 : i32
      %add3A_1012 = vector.broadcast %mul3A_1011 : i32 to vector<16xi32>
      %add3A_1013 = arith.addi %add3A_1012, %select_n3A_1006 : vector<16xi32>
      %jit3A_1014 = arith.constant 0 : i64
      %jit3A_1015 = arith.constant 8167 : i64
      %convert_element_type3A_1016 = arith.trunci %jit3A_1014 : i64 to i32
      %max3A_1017 = vector.broadcast %convert_element_type3A_1016 : i32 to vector<16xi32>
      %max3A_1018 = arith.maxsi %max3A_1017, %add3A_1013 : vector<16xi32>
      %convert_element_type3A_1019 = arith.trunci %jit3A_1015 : i64 to i32
      %min3A_1020 = vector.broadcast %convert_element_type3A_1019 : i32 to vector<16xi32>
      %min3A_1021 = arith.minsi %min3A_1020, %max3A_1018 : vector<16xi32>
      tpu.vector_store_idx %arg15[%min3A_1021], %mul3A_870 masked %and3A_1007 : memref<8168xf32, #tpu.memory_space<vmem>>[vector<16xi32>], vector<16xf32>, vector<16xi1>
      %mul3A_1022 = arith.constant 1024 : i32
      %mul3A_1023 = arith.muli %mul3A_1022, %div3A_647 : i32
      %mul3A_1024 = arith.constant 4 : i32
      %mul3A_1025 = vector.broadcast %mul3A_1024 : i32 to vector<16xi32>
      %mul3A_1026 = arith.muli %mul3A_1025, %add3A_661 : vector<16xi32>
      %add3A_1027 = vector.broadcast %mul3A_1023 : i32 to vector<16xi32>
      %add3A_1028 = arith.addi %add3A_1027, %mul3A_1026 : vector<16xi32>
      %add3A_1029 = arith.constant 3 : i32
      %add3A_1030 = vector.broadcast %add3A_1029 : i32 to vector<16xi32>
      %add3A_1031 = arith.addi %add3A_1028, %add3A_1030 : vector<16xi32>
      %jit3A_1032 = arith.constant 0.000000e+00 : f64
      %convert_element_type3A_1033 = arith.truncf %jit3A_1032 : f64 to f32
      %broadcast_in_dim3A_1034 = vector.broadcast %convert_element_type3A_1033 : f32 to vector<16xf32>
      %select_n3A_1035 = arith.select %and3A_906, %mul3A_894, %broadcast_in_dim3A_1034 : vector<16xi1>, vector<16xf32>
      tpu.vector_store_idx %arg14[%add3A_1031], %select_n3A_1035 : memref<9216xf32, #tpu.memory_space<vmem>>[vector<16xi32>], vector<16xf32>,
      %eq3A_1036 = arith.constant 255 : i32
      %eq3A_1037 = vector.broadcast %eq3A_1036 : i32 to vector<16xi32>
      %eq3A_1038 = arith.cmpi eq, %add3A_661, %eq3A_1037 : vector<16xi32>
      %mul3A_1039 = arith.constant 4 : i32
      %mul3A_1040 = vector.broadcast %mul3A_1039 : i32 to vector<16xi32>
      %mul3A_1041 = arith.muli %mul3A_1040, %add3A_661 : vector<16xi32>
      %add3A_1042 = arith.constant 3 : i32
      %add3A_1043 = vector.broadcast %add3A_1042 : i32 to vector<16xi32>
      %add3A_1044 = arith.addi %mul3A_1041, %add3A_1043 : vector<16xi32>
      %jit3A_1045 = arith.constant 1020 : i64
      %convert_element_type3A_1046 = arith.trunci %jit3A_1045 : i64 to i32
      %broadcast_in_dim3A_1047 = vector.broadcast %convert_element_type3A_1046 : i32 to vector<16xi32>
      %select_n3A_1048 = arith.select %eq3A_1038, %broadcast_in_dim3A_1047, %add3A_1044 : vector<16xi1>, vector<16xi32>
      %and3A_1049 = arith.andi %and3A_906, %broadcast_in_dim3A_904 : vector<16xi1>
      %sub3A_1050 = arith.constant 1 : i32
      %sub3A_1051 = arith.subi %div3A_647, %sub3A_1050 : i32
      %mul3A_1052 = arith.constant 1021 : i32
      %mul3A_1053 = arith.muli %mul3A_1052, %sub3A_1051 : i32
      %add3A_1054 = vector.broadcast %mul3A_1053 : i32 to vector<16xi32>
      %add3A_1055 = arith.addi %add3A_1054, %select_n3A_1048 : vector<16xi32>
      %jit3A_1056 = arith.constant 0 : i64
      %jit3A_1057 = arith.constant 8167 : i64
      %convert_element_type3A_1058 = arith.trunci %jit3A_1056 : i64 to i32
      %max3A_1059 = vector.broadcast %convert_element_type3A_1058 : i32 to vector<16xi32>
      %max3A_1060 = arith.maxsi %max3A_1059, %add3A_1055 : vector<16xi32>
      %convert_element_type3A_1061 = arith.trunci %jit3A_1057 : i64 to i32
      %min3A_1062 = vector.broadcast %convert_element_type3A_1061 : i32 to vector<16xi32>
      %min3A_1063 = arith.minsi %min3A_1062, %max3A_1060 : vector<16xi32>
      tpu.vector_store_idx %arg15[%min3A_1063], %mul3A_894 masked %and3A_1049 : memref<8168xf32, #tpu.memory_space<vmem>>[vector<16xi32>], vector<16xf32>, vector<16xi1>
      %and3A_1064 = arith.andi %lt3A_896, %broadcast_in_dim3A_899 : vector<16xi1>
      %and3A_1065 = arith.andi %and3A_1064, %broadcast_in_dim3A_904 : vector<16xi1>
      %mul3A_1066 = arith.mulf %sub3A_769, %sub3A_778 : vector<16xf32>
      %mul3A_1067 = arith.mulf %sub3A_770, %sub3A_777 : vector<16xf32>
      %sub3A_1068 = arith.subf %mul3A_1066, %mul3A_1067 : vector<16xf32>
      %mul3A_1069 = arith.mulf %sub3A_770, %sub3A_776 : vector<16xf32>
      %mul3A_1070 = arith.mulf %sub3A_768, %sub3A_778 : vector<16xf32>
      %sub3A_1071 = arith.subf %mul3A_1069, %mul3A_1070 : vector<16xf32>
      %mul3A_1072 = arith.mulf %sub3A_768, %sub3A_777 : vector<16xf32>
      %mul3A_1073 = arith.mulf %sub3A_769, %sub3A_776 : vector<16xf32>
      %sub3A_1074 = arith.subf %mul3A_1072, %mul3A_1073 : vector<16xf32>
      %mul3A_1075 = arith.mulf %sub3A_777, %sub3A_786 : vector<16xf32>
      %mul3A_1076 = arith.mulf %sub3A_778, %sub3A_785 : vector<16xf32>
      %sub3A_1077 = arith.subf %mul3A_1075, %mul3A_1076 : vector<16xf32>
      %mul3A_1078 = arith.mulf %sub3A_778, %sub3A_784 : vector<16xf32>
      %mul3A_1079 = arith.mulf %sub3A_776, %sub3A_786 : vector<16xf32>
      %sub3A_1080 = arith.subf %mul3A_1078, %mul3A_1079 : vector<16xf32>
      %mul3A_1081 = arith.mulf %sub3A_776, %sub3A_785 : vector<16xf32>
      %mul3A_1082 = arith.mulf %sub3A_777, %sub3A_784 : vector<16xf32>
      %sub3A_1083 = arith.subf %mul3A_1081, %mul3A_1082 : vector<16xf32>
      %mul3A_1084 = arith.mulf %sub3A_1068, %sub3A_1068 : vector<16xf32>
      %mul3A_1085 = arith.mulf %sub3A_1071, %sub3A_1071 : vector<16xf32>
      %add3A_1086 = arith.addf %mul3A_1084, %mul3A_1085 : vector<16xf32>
      %mul3A_1087 = arith.mulf %sub3A_1074, %sub3A_1074 : vector<16xf32>
      %add3A_1088 = arith.addf %add3A_1086, %mul3A_1087 : vector<16xf32>
      %add3A_1089 = arith.constant 9.99999982E-14 : f32
      %add3A_1090 = vector.broadcast %add3A_1089 : f32 to vector<16xf32>
      %add3A_1091 = arith.addf %add3A_1088, %add3A_1090 : vector<16xf32>
      %mul3A_1092 = arith.mulf %sub3A_1077, %sub3A_1077 : vector<16xf32>
      %mul3A_1093 = arith.mulf %sub3A_1080, %sub3A_1080 : vector<16xf32>
      %add3A_1094 = arith.addf %mul3A_1092, %mul3A_1093 : vector<16xf32>
      %mul3A_1095 = arith.mulf %sub3A_1083, %sub3A_1083 : vector<16xf32>
      %add3A_1096 = arith.addf %add3A_1094, %mul3A_1095 : vector<16xf32>
      %add3A_1097 = arith.constant 9.99999982E-14 : f32
      %add3A_1098 = vector.broadcast %add3A_1097 : f32 to vector<16xf32>
      %add3A_1099 = arith.addf %add3A_1096, %add3A_1098 : vector<16xf32>
      %mul3A_1100 = arith.constant 5.000000e-01 : f32
      %mul3A_1101 = vector.broadcast %mul3A_1100 : f32 to vector<16xf32>
      %mul3A_1102 = arith.mulf %mul3A_1101, %add3A_1091 : vector<16xf32>
      %bitcast3A_1103 = vector.bitcast %add3A_1091 : vector<16xf32> to vector<16xi32>
      %shift_right_arithmetic3A_1104 = arith.constant 1 : i32
      %shift_right_arithmetic3A_1105 = vector.broadcast %shift_right_arithmetic3A_1104 : i32 to vector<16xi32>
      %shift_right_arithmetic3A_1106 = arith.shrsi %bitcast3A_1103, %shift_right_arithmetic3A_1105 : vector<16xi32>
      %sub3A_1107 = arith.constant 1597463007 : i32
      %sub3A_1108 = vector.broadcast %sub3A_1107 : i32 to vector<16xi32>
      %sub3A_1109 = arith.subi %sub3A_1108, %shift_right_arithmetic3A_1106 : vector<16xi32>
      %bitcast3A_1110 = vector.bitcast %sub3A_1109 : vector<16xi32> to vector<16xf32>
      %mul3A_1111 = arith.constant 5.000000e-01 : f32
      %mul3A_1112 = vector.broadcast %mul3A_1111 : f32 to vector<16xf32>
      %mul3A_1113 = arith.mulf %mul3A_1112, %add3A_1091 : vector<16xf32>
      %mul3A_1114 = arith.mulf %mul3A_1113, %bitcast3A_1110 : vector<16xf32>
      %mul3A_1115 = arith.mulf %mul3A_1114, %bitcast3A_1110 : vector<16xf32>
      %sub3A_1116 = arith.constant 1.500000e+00 : f32
      %sub3A_1117 = vector.broadcast %sub3A_1116 : f32 to vector<16xf32>
      %sub3A_1118 = arith.subf %sub3A_1117, %mul3A_1115 : vector<16xf32>
      %mul3A_1119 = arith.mulf %bitcast3A_1110, %sub3A_1118 : vector<16xf32>
      %mul3A_1120 = arith.mulf %mul3A_1113, %mul3A_1119 : vector<16xf32>
      %mul3A_1121 = arith.mulf %mul3A_1120, %mul3A_1119 : vector<16xf32>
      %sub3A_1122 = arith.constant 1.500000e+00 : f32
      %sub3A_1123 = vector.broadcast %sub3A_1122 : f32 to vector<16xf32>
      %sub3A_1124 = arith.subf %sub3A_1123, %mul3A_1121 : vector<16xf32>
      %mul3A_1125 = arith.mulf %mul3A_1119, %sub3A_1124 : vector<16xf32>
      %mul3A_1126 = arith.mulf %mul3A_1102, %mul3A_1125 : vector<16xf32>
      %mul3A_1127 = arith.constant 5.000000e-01 : f32
      %mul3A_1128 = vector.broadcast %mul3A_1127 : f32 to vector<16xf32>
      %mul3A_1129 = arith.mulf %mul3A_1128, %add3A_1099 : vector<16xf32>
      %bitcast3A_1130 = vector.bitcast %add3A_1099 : vector<16xf32> to vector<16xi32>
      %shift_right_arithmetic3A_1131 = arith.constant 1 : i32
      %shift_right_arithmetic3A_1132 = vector.broadcast %shift_right_arithmetic3A_1131 : i32 to vector<16xi32>
      %shift_right_arithmetic3A_1133 = arith.shrsi %bitcast3A_1130, %shift_right_arithmetic3A_1132 : vector<16xi32>
      %sub3A_1134 = arith.constant 1597463007 : i32
      %sub3A_1135 = vector.broadcast %sub3A_1134 : i32 to vector<16xi32>
      %sub3A_1136 = arith.subi %sub3A_1135, %shift_right_arithmetic3A_1133 : vector<16xi32>
      %bitcast3A_1137 = vector.bitcast %sub3A_1136 : vector<16xi32> to vector<16xf32>
      %mul3A_1138 = arith.constant 5.000000e-01 : f32
      %mul3A_1139 = vector.broadcast %mul3A_1138 : f32 to vector<16xf32>
      %mul3A_1140 = arith.mulf %mul3A_1139, %add3A_1099 : vector<16xf32>
      %mul3A_1141 = arith.mulf %mul3A_1140, %bitcast3A_1137 : vector<16xf32>
      %mul3A_1142 = arith.mulf %mul3A_1141, %bitcast3A_1137 : vector<16xf32>
      %sub3A_1143 = arith.constant 1.500000e+00 : f32
      %sub3A_1144 = vector.broadcast %sub3A_1143 : f32 to vector<16xf32>
      %sub3A_1145 = arith.subf %sub3A_1144, %mul3A_1142 : vector<16xf32>
      %mul3A_1146 = arith.mulf %bitcast3A_1137, %sub3A_1145 : vector<16xf32>
      %mul3A_1147 = arith.mulf %mul3A_1140, %mul3A_1146 : vector<16xf32>
      %mul3A_1148 = arith.mulf %mul3A_1147, %mul3A_1146 : vector<16xf32>
      %sub3A_1149 = arith.constant 1.500000e+00 : f32
      %sub3A_1150 = vector.broadcast %sub3A_1149 : f32 to vector<16xf32>
      %sub3A_1151 = arith.subf %sub3A_1150, %mul3A_1148 : vector<16xf32>
      %mul3A_1152 = arith.mulf %mul3A_1146, %sub3A_1151 : vector<16xf32>
      %mul3A_1153 = arith.mulf %mul3A_1129, %mul3A_1152 : vector<16xf32>
      %sub3A_1154 = arith.constant 1 : i32
      %sub3A_1155 = arith.subi %div3A_647, %sub3A_1154 : i32
      %mul3A_1156 = arith.constant 510 : i32
      %mul3A_1157 = arith.muli %mul3A_1156, %sub3A_1155 : i32
      %mul3A_1158 = arith.constant 2 : i32
      %mul3A_1159 = vector.broadcast %mul3A_1158 : i32 to vector<16xi32>
      %mul3A_1160 = arith.muli %mul3A_1159, %add3A_661 : vector<16xi32>
      %add3A_1161 = vector.broadcast %mul3A_1157 : i32 to vector<16xi32>
      %add3A_1162 = arith.addi %add3A_1161, %mul3A_1160 : vector<16xi32>
      %jit3A_1163 = arith.constant 0 : i64
      %jit3A_1164 = arith.constant 4078 : i64
      %convert_element_type3A_1165 = arith.trunci %jit3A_1163 : i64 to i32
      %max3A_1166 = vector.broadcast %convert_element_type3A_1165 : i32 to vector<16xi32>
      %max3A_1167 = arith.maxsi %max3A_1166, %add3A_1162 : vector<16xi32>
      %convert_element_type3A_1168 = arith.trunci %jit3A_1164 : i64 to i32
      %min3A_1169 = vector.broadcast %convert_element_type3A_1168 : i32 to vector<16xi32>
      %min3A_1170 = arith.minsi %min3A_1169, %max3A_1167 : vector<16xi32>
      tpu.vector_store_idx %arg16[%min3A_1170], %mul3A_1126 masked %and3A_1065 : memref<4080xf32, #tpu.memory_space<vmem>>[vector<16xi32>], vector<16xf32>, vector<16xi1>
      %add3A_1171 = arith.constant 1 : i32
      %add3A_1172 = vector.broadcast %add3A_1171 : i32 to vector<16xi32>
      %add3A_1173 = arith.addi %min3A_1170, %add3A_1172 : vector<16xi32>
      tpu.vector_store_idx %arg16[%add3A_1173], %mul3A_1153 masked %and3A_1065 : memref<4080xf32, #tpu.memory_space<vmem>>[vector<16xi32>], vector<16xf32>, vector<16xi1>
    }
    %while3A_367 = arith.constant 1 : i32
    scf.for %while3A_646 = %while3A_365 to %while3A_361 step %while3A_367  : i32 {
      %div3A = arith.constant 16 : i32
      %div3A_647 = arith.divsi %while3A_646, %div3A : i32
      %rem3A = arith.constant 16 : i32
      %rem3A_648 = arith.remsi %while3A_646, %rem3A : i32
      %mul3A_649 = arith.constant 8 : i32
      %mul3A_650 = arith.muli %mul3A_649, %add3A : i32
      %sub3A = arith.constant 1 : i32
      %sub3A_651 = arith.subi %mul3A_650, %sub3A : i32
      %add3A_652 = arith.addi %sub3A_651, %div3A_647 : i32
      %mul3A_653 = arith.constant 256 : i32
      %mul3A_654 = arith.muli %mul3A_653, %div3A_647 : i32
      %mul3A_655 = arith.constant 16 : i32
      %mul3A_656 = arith.muli %mul3A_655, %rem3A_648 : i32
      %add3A_657 = arith.addi %mul3A_654, %mul3A_656 : i32
      %mul3A_658 = arith.constant 16 : i32
      %mul3A_659 = arith.muli %mul3A_658, %rem3A_648 : i32
      %add3A_660 = vector.broadcast %mul3A_659 : i32 to vector<16xi32>
      %add3A_661 = arith.addi %add3A_660, %iota3A : vector<16xi32>
      %add3A_662 = vector.broadcast %add3A_657 : i32 to vector<16xi32>
      %add3A_663 = arith.addi %add3A_662, %iota3A : vector<16xi32>
      %gather3A = tpu.vector_load_idx %arg12[%add3A_663] : memref<2560xi32, #tpu.memory_space<vmem>>[vector<16xi32>], vector<16xi32>,
      %shift_right_arithmetic3A_664 = arith.constant 8 : i32
      %shift_right_arithmetic3A_665 = vector.broadcast %shift_right_arithmetic3A_664 : i32 to vector<16xi32>
      %shift_right_arithmetic3A_666 = arith.shrsi %add3A_663, %shift_right_arithmetic3A_665 : vector<16xi32>
      %mul3A_667 = arith.constant 3072 : i32
      %mul3A_668 = vector.broadcast %mul3A_667 : i32 to vector<16xi32>
      %mul3A_669 = arith.muli %mul3A_668, %shift_right_arithmetic3A_666 : vector<16xi32>
      %and3A = arith.constant 1023 : i32
      %and3A_670 = vector.broadcast %and3A : i32 to vector<16xi32>
      %and3A_671 = arith.andi %gather3A, %and3A_670 : vector<16xi32>
      %mul3A_672 = arith.constant 3 : i32
      %mul3A_673 = vector.broadcast %mul3A_672 : i32 to vector<16xi32>
      %mul3A_674 = arith.muli %mul3A_673, %and3A_671 : vector<16xi32>
      %add3A_675 = arith.addi %mul3A_669, %mul3A_674 : vector<16xi32>
      %gather3A_676 = tpu.vector_load_idx %arg13[%add3A_675] : memref<30720xf32, #tpu.memory_space<vmem>>[vector<16xi32>], vector<16xf32>,
      %add3A_677 = arith.constant 1 : i32
      %add3A_678 = vector.broadcast %add3A_677 : i32 to vector<16xi32>
      %add3A_679 = arith.addi %add3A_675, %add3A_678 : vector<16xi32>
      %gather3A_680 = tpu.vector_load_idx %arg13[%add3A_679] : memref<30720xf32, #tpu.memory_space<vmem>>[vector<16xi32>], vector<16xf32>,
      %add3A_681 = arith.constant 2 : i32
      %add3A_682 = vector.broadcast %add3A_681 : i32 to vector<16xi32>
      %add3A_683 = arith.addi %add3A_675, %add3A_682 : vector<16xi32>
      %gather3A_684 = tpu.vector_load_idx %arg13[%add3A_683] : memref<30720xf32, #tpu.memory_space<vmem>>[vector<16xi32>], vector<16xf32>,
      %add3A_685 = arith.constant 1 : i32
      %add3A_686 = arith.addi %add3A_657, %add3A_685 : i32
      %add3A_687 = vector.broadcast %add3A_686 : i32 to vector<16xi32>
      %add3A_688 = arith.addi %add3A_687, %iota3A : vector<16xi32>
      %gather3A_689 = tpu.vector_load_idx %arg12[%add3A_688] : memref<2560xi32, #tpu.memory_space<vmem>>[vector<16xi32>], vector<16xi32>,
      %shift_right_arithmetic3A_690 = arith.constant 8 : i32
      %shift_right_arithmetic3A_691 = vector.broadcast %shift_right_arithmetic3A_690 : i32 to vector<16xi32>
      %shift_right_arithmetic3A_692 = arith.shrsi %add3A_688, %shift_right_arithmetic3A_691 : vector<16xi32>
      %mul3A_693 = arith.constant 3072 : i32
      %mul3A_694 = vector.broadcast %mul3A_693 : i32 to vector<16xi32>
      %mul3A_695 = arith.muli %mul3A_694, %shift_right_arithmetic3A_692 : vector<16xi32>
      %and3A_696 = arith.constant 1023 : i32
      %and3A_697 = vector.broadcast %and3A_696 : i32 to vector<16xi32>
      %and3A_698 = arith.andi %gather3A_689, %and3A_697 : vector<16xi32>
      %mul3A_699 = arith.constant 3 : i32
      %mul3A_700 = vector.broadcast %mul3A_699 : i32 to vector<16xi32>
      %mul3A_701 = arith.muli %mul3A_700, %and3A_698 : vector<16xi32>
      %add3A_702 = arith.addi %mul3A_695, %mul3A_701 : vector<16xi32>
      %gather3A_703 = tpu.vector_load_idx %arg13[%add3A_702] : memref<30720xf32, #tpu.memory_space<vmem>>[vector<16xi32>], vector<16xf32>,
      %add3A_704 = arith.constant 1 : i32
      %add3A_705 = vector.broadcast %add3A_704 : i32 to vector<16xi32>
      %add3A_706 = arith.addi %add3A_702, %add3A_705 : vector<16xi32>
      %gather3A_707 = tpu.vector_load_idx %arg13[%add3A_706] : memref<30720xf32, #tpu.memory_space<vmem>>[vector<16xi32>], vector<16xf32>,
      %add3A_708 = arith.constant 2 : i32
      %add3A_709 = vector.broadcast %add3A_708 : i32 to vector<16xi32>
      %add3A_710 = arith.addi %add3A_702, %add3A_709 : vector<16xi32>
      %gather3A_711 = tpu.vector_load_idx %arg13[%add3A_710] : memref<30720xf32, #tpu.memory_space<vmem>>[vector<16xi32>], vector<16xf32>,
      %add3A_712 = arith.constant 257 : i32
      %add3A_713 = arith.addi %add3A_657, %add3A_712 : i32
      %add3A_714 = vector.broadcast %add3A_713 : i32 to vector<16xi32>
      %add3A_715 = arith.addi %add3A_714, %iota3A : vector<16xi32>
      %min3A = arith.constant 2559 : i32
      %min3A_716 = vector.broadcast %min3A : i32 to vector<16xi32>
      %min3A_717 = arith.minsi %add3A_715, %min3A_716 : vector<16xi32>
      %gather3A_718 = tpu.vector_load_idx %arg12[%min3A_717] : memref<2560xi32, #tpu.memory_space<vmem>>[vector<16xi32>], vector<16xi32>,
      %shift_right_arithmetic3A_719 = arith.constant 8 : i32
      %shift_right_arithmetic3A_720 = vector.broadcast %shift_right_arithmetic3A_719 : i32 to vector<16xi32>
      %shift_right_arithmetic3A_721 = arith.shrsi %min3A_717, %shift_right_arithmetic3A_720 : vector<16xi32>
      %mul3A_722 = arith.constant 3072 : i32
      %mul3A_723 = vector.broadcast %mul3A_722 : i32 to vector<16xi32>
      %mul3A_724 = arith.muli %mul3A_723, %shift_right_arithmetic3A_721 : vector<16xi32>
      %and3A_725 = arith.constant 1023 : i32
      %and3A_726 = vector.broadcast %and3A_725 : i32 to vector<16xi32>
      %and3A_727 = arith.andi %gather3A_718, %and3A_726 : vector<16xi32>
      %mul3A_728 = arith.constant 3 : i32
      %mul3A_729 = vector.broadcast %mul3A_728 : i32 to vector<16xi32>
      %mul3A_730 = arith.muli %mul3A_729, %and3A_727 : vector<16xi32>
      %add3A_731 = arith.addi %mul3A_724, %mul3A_730 : vector<16xi32>
      %gather3A_732 = tpu.vector_load_idx %arg13[%add3A_731] : memref<30720xf32, #tpu.memory_space<vmem>>[vector<16xi32>], vector<16xf32>,
      %add3A_733 = arith.constant 1 : i32
      %add3A_734 = vector.broadcast %add3A_733 : i32 to vector<16xi32>
      %add3A_735 = arith.addi %add3A_731, %add3A_734 : vector<16xi32>
      %gather3A_736 = tpu.vector_load_idx %arg13[%add3A_735] : memref<30720xf32, #tpu.memory_space<vmem>>[vector<16xi32>], vector<16xf32>,
      %add3A_737 = arith.constant 2 : i32
      %add3A_738 = vector.broadcast %add3A_737 : i32 to vector<16xi32>
      %add3A_739 = arith.addi %add3A_731, %add3A_738 : vector<16xi32>
      %gather3A_740 = tpu.vector_load_idx %arg13[%add3A_739] : memref<30720xf32, #tpu.memory_space<vmem>>[vector<16xi32>], vector<16xf32>,
      %add3A_741 = arith.constant 256 : i32
      %add3A_742 = arith.addi %add3A_657, %add3A_741 : i32
      %add3A_743 = vector.broadcast %add3A_742 : i32 to vector<16xi32>
      %add3A_744 = arith.addi %add3A_743, %iota3A : vector<16xi32>
      %gather3A_745 = tpu.vector_load_idx %arg12[%add3A_744] : memref<2560xi32, #tpu.memory_space<vmem>>[vector<16xi32>], vector<16xi32>,
      %shift_right_arithmetic3A_746 = arith.constant 8 : i32
      %shift_right_arithmetic3A_747 = vector.broadcast %shift_right_arithmetic3A_746 : i32 to vector<16xi32>
      %shift_right_arithmetic3A_748 = arith.shrsi %add3A_744, %shift_right_arithmetic3A_747 : vector<16xi32>
      %mul3A_749 = arith.constant 3072 : i32
      %mul3A_750 = vector.broadcast %mul3A_749 : i32 to vector<16xi32>
      %mul3A_751 = arith.muli %mul3A_750, %shift_right_arithmetic3A_748 : vector<16xi32>
      %and3A_752 = arith.constant 1023 : i32
      %and3A_753 = vector.broadcast %and3A_752 : i32 to vector<16xi32>
      %and3A_754 = arith.andi %gather3A_745, %and3A_753 : vector<16xi32>
      %mul3A_755 = arith.constant 3 : i32
      %mul3A_756 = vector.broadcast %mul3A_755 : i32 to vector<16xi32>
      %mul3A_757 = arith.muli %mul3A_756, %and3A_754 : vector<16xi32>
      %add3A_758 = arith.addi %mul3A_751, %mul3A_757 : vector<16xi32>
      %gather3A_759 = tpu.vector_load_idx %arg13[%add3A_758] : memref<30720xf32, #tpu.memory_space<vmem>>[vector<16xi32>], vector<16xf32>,
      %add3A_760 = arith.constant 1 : i32
      %add3A_761 = vector.broadcast %add3A_760 : i32 to vector<16xi32>
      %add3A_762 = arith.addi %add3A_758, %add3A_761 : vector<16xi32>
      %gather3A_763 = tpu.vector_load_idx %arg13[%add3A_762] : memref<30720xf32, #tpu.memory_space<vmem>>[vector<16xi32>], vector<16xf32>,
      %add3A_764 = arith.constant 2 : i32
      %add3A_765 = vector.broadcast %add3A_764 : i32 to vector<16xi32>
      %add3A_766 = arith.addi %add3A_758, %add3A_765 : vector<16xi32>
      %gather3A_767 = tpu.vector_load_idx %arg13[%add3A_766] : memref<30720xf32, #tpu.memory_space<vmem>>[vector<16xi32>], vector<16xf32>,
      %sub3A_768 = arith.subf %gather3A_703, %gather3A_676 : vector<16xf32>
      %sub3A_769 = arith.subf %gather3A_707, %gather3A_680 : vector<16xf32>
      %sub3A_770 = arith.subf %gather3A_711, %gather3A_684 : vector<16xf32>
      %mul3A_771 = arith.mulf %sub3A_768, %sub3A_768 : vector<16xf32>
      %mul3A_772 = arith.mulf %sub3A_769, %sub3A_769 : vector<16xf32>
      %add3A_773 = arith.addf %mul3A_771, %mul3A_772 : vector<16xf32>
      %mul3A_774 = arith.mulf %sub3A_770, %sub3A_770 : vector<16xf32>
      %add3A_775 = arith.addf %add3A_773, %mul3A_774 : vector<16xf32>
      %sub3A_776 = arith.subf %gather3A_732, %gather3A_676 : vector<16xf32>
      %sub3A_777 = arith.subf %gather3A_736, %gather3A_680 : vector<16xf32>
      %sub3A_778 = arith.subf %gather3A_740, %gather3A_684 : vector<16xf32>
      %mul3A_779 = arith.mulf %sub3A_776, %sub3A_776 : vector<16xf32>
      %mul3A_780 = arith.mulf %sub3A_777, %sub3A_777 : vector<16xf32>
      %add3A_781 = arith.addf %mul3A_779, %mul3A_780 : vector<16xf32>
      %mul3A_782 = arith.mulf %sub3A_778, %sub3A_778 : vector<16xf32>
      %add3A_783 = arith.addf %add3A_781, %mul3A_782 : vector<16xf32>
      %sub3A_784 = arith.subf %gather3A_759, %gather3A_676 : vector<16xf32>
      %sub3A_785 = arith.subf %gather3A_763, %gather3A_680 : vector<16xf32>
      %sub3A_786 = arith.subf %gather3A_767, %gather3A_684 : vector<16xf32>
      %mul3A_787 = arith.mulf %sub3A_784, %sub3A_784 : vector<16xf32>
      %mul3A_788 = arith.mulf %sub3A_785, %sub3A_785 : vector<16xf32>
      %add3A_789 = arith.addf %mul3A_787, %mul3A_788 : vector<16xf32>
      %mul3A_790 = arith.mulf %sub3A_786, %sub3A_786 : vector<16xf32>
      %add3A_791 = arith.addf %add3A_789, %mul3A_790 : vector<16xf32>
      %sub3A_792 = arith.subf %gather3A_759, %gather3A_703 : vector<16xf32>
      %sub3A_793 = arith.subf %gather3A_763, %gather3A_707 : vector<16xf32>
      %sub3A_794 = arith.subf %gather3A_767, %gather3A_711 : vector<16xf32>
      %mul3A_795 = arith.mulf %sub3A_792, %sub3A_792 : vector<16xf32>
      %mul3A_796 = arith.mulf %sub3A_793, %sub3A_793 : vector<16xf32>
      %add3A_797 = arith.addf %mul3A_795, %mul3A_796 : vector<16xf32>
      %mul3A_798 = arith.mulf %sub3A_794, %sub3A_794 : vector<16xf32>
      %add3A_799 = arith.addf %add3A_797, %mul3A_798 : vector<16xf32>
      %bitcast3A = vector.bitcast %add3A_775 : vector<16xf32> to vector<16xi32>
      %shift_right_arithmetic3A_800 = arith.constant 1 : i32
      %shift_right_arithmetic3A_801 = vector.broadcast %shift_right_arithmetic3A_800 : i32 to vector<16xi32>
      %shift_right_arithmetic3A_802 = arith.shrsi %bitcast3A, %shift_right_arithmetic3A_801 : vector<16xi32>
      %sub3A_803 = arith.constant 1597463007 : i32
      %sub3A_804 = vector.broadcast %sub3A_803 : i32 to vector<16xi32>
      %sub3A_805 = arith.subi %sub3A_804, %shift_right_arithmetic3A_802 : vector<16xi32>
      %bitcast3A_806 = vector.bitcast %sub3A_805 : vector<16xi32> to vector<16xf32>
      %mul3A_807 = arith.constant 5.000000e-01 : f32
      %mul3A_808 = vector.broadcast %mul3A_807 : f32 to vector<16xf32>
      %mul3A_809 = arith.mulf %mul3A_808, %add3A_775 : vector<16xf32>
      %mul3A_810 = arith.mulf %mul3A_809, %bitcast3A_806 : vector<16xf32>
      %mul3A_811 = arith.mulf %mul3A_810, %bitcast3A_806 : vector<16xf32>
      %sub3A_812 = arith.constant 1.500000e+00 : f32
      %sub3A_813 = vector.broadcast %sub3A_812 : f32 to vector<16xf32>
      %sub3A_814 = arith.subf %sub3A_813, %mul3A_811 : vector<16xf32>
      %mul3A_815 = arith.mulf %bitcast3A_806, %sub3A_814 : vector<16xf32>
      %mul3A_816 = arith.mulf %mul3A_809, %mul3A_815 : vector<16xf32>
      %mul3A_817 = arith.mulf %mul3A_816, %mul3A_815 : vector<16xf32>
      %sub3A_818 = arith.constant 1.500000e+00 : f32
      %sub3A_819 = vector.broadcast %sub3A_818 : f32 to vector<16xf32>
      %sub3A_820 = arith.subf %sub3A_819, %mul3A_817 : vector<16xf32>
      %mul3A_821 = arith.mulf %mul3A_815, %sub3A_820 : vector<16xf32>
      %mul3A_822 = arith.mulf %add3A_775, %mul3A_821 : vector<16xf32>
      %bitcast3A_823 = vector.bitcast %add3A_783 : vector<16xf32> to vector<16xi32>
      %shift_right_arithmetic3A_824 = arith.constant 1 : i32
      %shift_right_arithmetic3A_825 = vector.broadcast %shift_right_arithmetic3A_824 : i32 to vector<16xi32>
      %shift_right_arithmetic3A_826 = arith.shrsi %bitcast3A_823, %shift_right_arithmetic3A_825 : vector<16xi32>
      %sub3A_827 = arith.constant 1597463007 : i32
      %sub3A_828 = vector.broadcast %sub3A_827 : i32 to vector<16xi32>
      %sub3A_829 = arith.subi %sub3A_828, %shift_right_arithmetic3A_826 : vector<16xi32>
      %bitcast3A_830 = vector.bitcast %sub3A_829 : vector<16xi32> to vector<16xf32>
      %mul3A_831 = arith.constant 5.000000e-01 : f32
      %mul3A_832 = vector.broadcast %mul3A_831 : f32 to vector<16xf32>
      %mul3A_833 = arith.mulf %mul3A_832, %add3A_783 : vector<16xf32>
      %mul3A_834 = arith.mulf %mul3A_833, %bitcast3A_830 : vector<16xf32>
      %mul3A_835 = arith.mulf %mul3A_834, %bitcast3A_830 : vector<16xf32>
      %sub3A_836 = arith.constant 1.500000e+00 : f32
      %sub3A_837 = vector.broadcast %sub3A_836 : f32 to vector<16xf32>
      %sub3A_838 = arith.subf %sub3A_837, %mul3A_835 : vector<16xf32>
      %mul3A_839 = arith.mulf %bitcast3A_830, %sub3A_838 : vector<16xf32>
      %mul3A_840 = arith.mulf %mul3A_833, %mul3A_839 : vector<16xf32>
      %mul3A_841 = arith.mulf %mul3A_840, %mul3A_839 : vector<16xf32>
      %sub3A_842 = arith.constant 1.500000e+00 : f32
      %sub3A_843 = vector.broadcast %sub3A_842 : f32 to vector<16xf32>
      %sub3A_844 = arith.subf %sub3A_843, %mul3A_841 : vector<16xf32>
      %mul3A_845 = arith.mulf %mul3A_839, %sub3A_844 : vector<16xf32>
      %mul3A_846 = arith.mulf %add3A_783, %mul3A_845 : vector<16xf32>
      %bitcast3A_847 = vector.bitcast %add3A_791 : vector<16xf32> to vector<16xi32>
      %shift_right_arithmetic3A_848 = arith.constant 1 : i32
      %shift_right_arithmetic3A_849 = vector.broadcast %shift_right_arithmetic3A_848 : i32 to vector<16xi32>
      %shift_right_arithmetic3A_850 = arith.shrsi %bitcast3A_847, %shift_right_arithmetic3A_849 : vector<16xi32>
      %sub3A_851 = arith.constant 1597463007 : i32
      %sub3A_852 = vector.broadcast %sub3A_851 : i32 to vector<16xi32>
      %sub3A_853 = arith.subi %sub3A_852, %shift_right_arithmetic3A_850 : vector<16xi32>
      %bitcast3A_854 = vector.bitcast %sub3A_853 : vector<16xi32> to vector<16xf32>
      %mul3A_855 = arith.constant 5.000000e-01 : f32
      %mul3A_856 = vector.broadcast %mul3A_855 : f32 to vector<16xf32>
      %mul3A_857 = arith.mulf %mul3A_856, %add3A_791 : vector<16xf32>
      %mul3A_858 = arith.mulf %mul3A_857, %bitcast3A_854 : vector<16xf32>
      %mul3A_859 = arith.mulf %mul3A_858, %bitcast3A_854 : vector<16xf32>
      %sub3A_860 = arith.constant 1.500000e+00 : f32
      %sub3A_861 = vector.broadcast %sub3A_860 : f32 to vector<16xf32>
      %sub3A_862 = arith.subf %sub3A_861, %mul3A_859 : vector<16xf32>
      %mul3A_863 = arith.mulf %bitcast3A_854, %sub3A_862 : vector<16xf32>
      %mul3A_864 = arith.mulf %mul3A_857, %mul3A_863 : vector<16xf32>
      %mul3A_865 = arith.mulf %mul3A_864, %mul3A_863 : vector<16xf32>
      %sub3A_866 = arith.constant 1.500000e+00 : f32
      %sub3A_867 = vector.broadcast %sub3A_866 : f32 to vector<16xf32>
      %sub3A_868 = arith.subf %sub3A_867, %mul3A_865 : vector<16xf32>
      %mul3A_869 = arith.mulf %mul3A_863, %sub3A_868 : vector<16xf32>
      %mul3A_870 = arith.mulf %add3A_791, %mul3A_869 : vector<16xf32>
      %bitcast3A_871 = vector.bitcast %add3A_799 : vector<16xf32> to vector<16xi32>
      %shift_right_arithmetic3A_872 = arith.constant 1 : i32
      %shift_right_arithmetic3A_873 = vector.broadcast %shift_right_arithmetic3A_872 : i32 to vector<16xi32>
      %shift_right_arithmetic3A_874 = arith.shrsi %bitcast3A_871, %shift_right_arithmetic3A_873 : vector<16xi32>
      %sub3A_875 = arith.constant 1597463007 : i32
      %sub3A_876 = vector.broadcast %sub3A_875 : i32 to vector<16xi32>
      %sub3A_877 = arith.subi %sub3A_876, %shift_right_arithmetic3A_874 : vector<16xi32>
      %bitcast3A_878 = vector.bitcast %sub3A_877 : vector<16xi32> to vector<16xf32>
      %mul3A_879 = arith.constant 5.000000e-01 : f32
      %mul3A_880 = vector.broadcast %mul3A_879 : f32 to vector<16xf32>
      %mul3A_881 = arith.mulf %mul3A_880, %add3A_799 : vector<16xf32>
      %mul3A_882 = arith.mulf %mul3A_881, %bitcast3A_878 : vector<16xf32>
      %mul3A_883 = arith.mulf %mul3A_882, %bitcast3A_878 : vector<16xf32>
      %sub3A_884 = arith.constant 1.500000e+00 : f32
      %sub3A_885 = vector.broadcast %sub3A_884 : f32 to vector<16xf32>
      %sub3A_886 = arith.subf %sub3A_885, %mul3A_883 : vector<16xf32>
      %mul3A_887 = arith.mulf %bitcast3A_878, %sub3A_886 : vector<16xf32>
      %mul3A_888 = arith.mulf %mul3A_881, %mul3A_887 : vector<16xf32>
      %mul3A_889 = arith.mulf %mul3A_888, %mul3A_887 : vector<16xf32>
      %sub3A_890 = arith.constant 1.500000e+00 : f32
      %sub3A_891 = vector.broadcast %sub3A_890 : f32 to vector<16xf32>
      %sub3A_892 = arith.subf %sub3A_891, %mul3A_889 : vector<16xf32>
      %mul3A_893 = arith.mulf %mul3A_887, %sub3A_892 : vector<16xf32>
      %mul3A_894 = arith.mulf %add3A_799, %mul3A_893 : vector<16xf32>
      %lt3A = arith.constant 255 : i32
      %lt3A_895 = vector.broadcast %lt3A : i32 to vector<16xi32>
      %lt3A_896 = arith.cmpi slt, %add3A_661, %lt3A_895 : vector<16xi32>
      %lt3A_897 = arith.constant 255 : i32
      %lt3A_898 = arith.cmpi slt, %add3A_652, %lt3A_897 : i32
      %broadcast_in_dim3A_899 = vector.broadcast %lt3A_898 : i1 to vector<16xi1>
      %eq3A_900 = arith.constant 255 : i32
      %eq3A_901 = arith.cmpi eq, %add3A_652, %eq3A_900 : i32
      %broadcast_in_dim3A_902 = vector.broadcast %eq3A_901 : i1 to vector<16xi1>
      %gt3A = arith.constant 0 : i32
      %gt3A_903 = arith.cmpi sgt, %div3A_647, %gt3A : i32
      %broadcast_in_dim3A_904 = vector.broadcast %gt3A_903 : i1 to vector<16xi1>
      %and3A_905 = arith.andi %broadcast_in_dim3A_899, %lt3A_896 : vector<16xi1>
      %and3A_906 = arith.andi %broadcast_in_dim3A_899, %lt3A_896 : vector<16xi1>
      %mul3A_907 = arith.constant 1024 : i32
      %mul3A_908 = arith.muli %mul3A_907, %div3A_647 : i32
      %mul3A_909 = arith.constant 4 : i32
      %mul3A_910 = vector.broadcast %mul3A_909 : i32 to vector<16xi32>
      %mul3A_911 = arith.muli %mul3A_910, %add3A_661 : vector<16xi32>
      %add3A_912 = vector.broadcast %mul3A_908 : i32 to vector<16xi32>
      %add3A_913 = arith.addi %add3A_912, %mul3A_911 : vector<16xi32>
      %add3A_914 = arith.constant 0 : i32
      %add3A_915 = vector.broadcast %add3A_914 : i32 to vector<16xi32>
      %add3A_916 = arith.addi %add3A_913, %add3A_915 : vector<16xi32>
      %jit3A_917 = arith.constant 0.000000e+00 : f64
      %convert_element_type3A = arith.truncf %jit3A_917 : f64 to f32
      %broadcast_in_dim3A_918 = vector.broadcast %convert_element_type3A : f32 to vector<16xf32>
      %select_n3A_919 = arith.select %lt3A_896, %mul3A_822, %broadcast_in_dim3A_918 : vector<16xi1>, vector<16xf32>
      tpu.vector_store_idx %arg14[%add3A_916], %select_n3A_919 : memref<9216xf32, #tpu.memory_space<vmem>>[vector<16xi32>], vector<16xf32>,
      %mul3A_920 = arith.constant 4 : i32
      %mul3A_921 = vector.broadcast %mul3A_920 : i32 to vector<16xi32>
      %mul3A_922 = arith.muli %mul3A_921, %add3A_661 : vector<16xi32>
      %select_n3A_923 = arith.select %broadcast_in_dim3A_902, %add3A_661, %mul3A_922 : vector<16xi1>, vector<16xi32>
      %and3A_924 = arith.andi %lt3A_896, %broadcast_in_dim3A_904 : vector<16xi1>
      %sub3A_925 = arith.constant 1 : i32
      %sub3A_926 = arith.subi %div3A_647, %sub3A_925 : i32
      %mul3A_927 = arith.constant 1021 : i32
      %mul3A_928 = arith.muli %mul3A_927, %sub3A_926 : i32
      %add3A_929 = vector.broadcast %mul3A_928 : i32 to vector<16xi32>
      %add3A_930 = arith.addi %add3A_929, %select_n3A_923 : vector<16xi32>
      %jit3A_931 = arith.constant 0 : i64
      %jit3A_932 = arith.constant 8167 : i64
      %convert_element_type3A_933 = arith.trunci %jit3A_931 : i64 to i32
      %max3A = vector.broadcast %convert_element_type3A_933 : i32 to vector<16xi32>
      %max3A_934 = arith.maxsi %max3A, %add3A_930 : vector<16xi32>
      %convert_element_type3A_935 = arith.trunci %jit3A_932 : i64 to i32
      %min3A_936 = vector.broadcast %convert_element_type3A_935 : i32 to vector<16xi32>
      %min3A_937 = arith.minsi %min3A_936, %max3A_934 : vector<16xi32>
      tpu.vector_store_idx %arg15[%min3A_937], %mul3A_822 masked %and3A_924 : memref<8168xf32, #tpu.memory_space<vmem>>[vector<16xi32>], vector<16xf32>, vector<16xi1>
      %mul3A_938 = arith.constant 1024 : i32
      %mul3A_939 = arith.muli %mul3A_938, %div3A_647 : i32
      %mul3A_940 = arith.constant 4 : i32
      %mul3A_941 = vector.broadcast %mul3A_940 : i32 to vector<16xi32>
      %mul3A_942 = arith.muli %mul3A_941, %add3A_661 : vector<16xi32>
      %add3A_943 = vector.broadcast %mul3A_939 : i32 to vector<16xi32>
      %add3A_944 = arith.addi %add3A_943, %mul3A_942 : vector<16xi32>
      %add3A_945 = arith.constant 1 : i32
      %add3A_946 = vector.broadcast %add3A_945 : i32 to vector<16xi32>
      %add3A_947 = arith.addi %add3A_944, %add3A_946 : vector<16xi32>
      %jit3A_948 = arith.constant 0.000000e+00 : f64
      %convert_element_type3A_949 = arith.truncf %jit3A_948 : f64 to f32
      %broadcast_in_dim3A_950 = vector.broadcast %convert_element_type3A_949 : f32 to vector<16xf32>
      %select_n3A_951 = arith.select %and3A_905, %mul3A_846, %broadcast_in_dim3A_950 : vector<16xi1>, vector<16xf32>
      tpu.vector_store_idx %arg14[%add3A_947], %select_n3A_951 : memref<9216xf32, #tpu.memory_space<vmem>>[vector<16xi32>], vector<16xf32>,
      %eq3A_952 = arith.constant 255 : i32
      %eq3A_953 = vector.broadcast %eq3A_952 : i32 to vector<16xi32>
      %eq3A_954 = arith.cmpi eq, %add3A_661, %eq3A_953 : vector<16xi32>
      %mul3A_955 = arith.constant 4 : i32
      %mul3A_956 = vector.broadcast %mul3A_955 : i32 to vector<16xi32>
      %mul3A_957 = arith.muli %mul3A_956, %add3A_661 : vector<16xi32>
      %add3A_958 = arith.constant 1 : i32
      %add3A_959 = vector.broadcast %add3A_958 : i32 to vector<16xi32>
      %add3A_960 = arith.addi %mul3A_957, %add3A_959 : vector<16xi32>
      %jit3A_961 = arith.constant 1020 : i64
      %convert_element_type3A_962 = arith.trunci %jit3A_961 : i64 to i32
      %broadcast_in_dim3A_963 = vector.broadcast %convert_element_type3A_962 : i32 to vector<16xi32>
      %select_n3A_964 = arith.select %eq3A_954, %broadcast_in_dim3A_963, %add3A_960 : vector<16xi1>, vector<16xi32>
      %and3A_965 = arith.andi %and3A_905, %broadcast_in_dim3A_904 : vector<16xi1>
      %sub3A_966 = arith.constant 1 : i32
      %sub3A_967 = arith.subi %div3A_647, %sub3A_966 : i32
      %mul3A_968 = arith.constant 1021 : i32
      %mul3A_969 = arith.muli %mul3A_968, %sub3A_967 : i32
      %add3A_970 = vector.broadcast %mul3A_969 : i32 to vector<16xi32>
      %add3A_971 = arith.addi %add3A_970, %select_n3A_964 : vector<16xi32>
      %jit3A_972 = arith.constant 0 : i64
      %jit3A_973 = arith.constant 8167 : i64
      %convert_element_type3A_974 = arith.trunci %jit3A_972 : i64 to i32
      %max3A_975 = vector.broadcast %convert_element_type3A_974 : i32 to vector<16xi32>
      %max3A_976 = arith.maxsi %max3A_975, %add3A_971 : vector<16xi32>
      %convert_element_type3A_977 = arith.trunci %jit3A_973 : i64 to i32
      %min3A_978 = vector.broadcast %convert_element_type3A_977 : i32 to vector<16xi32>
      %min3A_979 = arith.minsi %min3A_978, %max3A_976 : vector<16xi32>
      tpu.vector_store_idx %arg15[%min3A_979], %mul3A_846 masked %and3A_965 : memref<8168xf32, #tpu.memory_space<vmem>>[vector<16xi32>], vector<16xf32>, vector<16xi1>
      %mul3A_980 = arith.constant 1024 : i32
      %mul3A_981 = arith.muli %mul3A_980, %div3A_647 : i32
      %mul3A_982 = arith.constant 4 : i32
      %mul3A_983 = vector.broadcast %mul3A_982 : i32 to vector<16xi32>
      %mul3A_984 = arith.muli %mul3A_983, %add3A_661 : vector<16xi32>
      %add3A_985 = vector.broadcast %mul3A_981 : i32 to vector<16xi32>
      %add3A_986 = arith.addi %add3A_985, %mul3A_984 : vector<16xi32>
      %add3A_987 = arith.constant 2 : i32
      %add3A_988 = vector.broadcast %add3A_987 : i32 to vector<16xi32>
      %add3A_989 = arith.addi %add3A_986, %add3A_988 : vector<16xi32>
      %jit3A_990 = arith.constant 0.000000e+00 : f64
      %convert_element_type3A_991 = arith.truncf %jit3A_990 : f64 to f32
      %broadcast_in_dim3A_992 = vector.broadcast %convert_element_type3A_991 : f32 to vector<16xf32>
      %select_n3A_993 = arith.select %broadcast_in_dim3A_899, %mul3A_870, %broadcast_in_dim3A_992 : vector<16xi1>, vector<16xf32>
      tpu.vector_store_idx %arg14[%add3A_989], %select_n3A_993 : memref<9216xf32, #tpu.memory_space<vmem>>[vector<16xi32>], vector<16xf32>,
      %eq3A_994 = arith.constant 255 : i32
      %eq3A_995 = vector.broadcast %eq3A_994 : i32 to vector<16xi32>
      %eq3A_996 = arith.cmpi eq, %add3A_661, %eq3A_995 : vector<16xi32>
      %mul3A_997 = arith.constant 4 : i32
      %mul3A_998 = vector.broadcast %mul3A_997 : i32 to vector<16xi32>
      %mul3A_999 = arith.muli %mul3A_998, %add3A_661 : vector<16xi32>
      %add3A_1000 = arith.constant 2 : i32
      %add3A_1001 = vector.broadcast %add3A_1000 : i32 to vector<16xi32>
      %add3A_1002 = arith.addi %mul3A_999, %add3A_1001 : vector<16xi32>
      %jit3A_1003 = arith.constant 1020 : i64
      %convert_element_type3A_1004 = arith.trunci %jit3A_1003 : i64 to i32
      %broadcast_in_dim3A_1005 = vector.broadcast %convert_element_type3A_1004 : i32 to vector<16xi32>
      %select_n3A_1006 = arith.select %eq3A_996, %broadcast_in_dim3A_1005, %add3A_1002 : vector<16xi1>, vector<16xi32>
      %and3A_1007 = arith.andi %broadcast_in_dim3A_899, %broadcast_in_dim3A_904 : vector<16xi1>
      %sub3A_1008 = arith.constant 1 : i32
      %sub3A_1009 = arith.subi %div3A_647, %sub3A_1008 : i32
      %mul3A_1010 = arith.constant 1021 : i32
      %mul3A_1011 = arith.muli %mul3A_1010, %sub3A_1009 : i32
      %add3A_1012 = vector.broadcast %mul3A_1011 : i32 to vector<16xi32>
      %add3A_1013 = arith.addi %add3A_1012, %select_n3A_1006 : vector<16xi32>
      %jit3A_1014 = arith.constant 0 : i64
      %jit3A_1015 = arith.constant 8167 : i64
      %convert_element_type3A_1016 = arith.trunci %jit3A_1014 : i64 to i32
      %max3A_1017 = vector.broadcast %convert_element_type3A_1016 : i32 to vector<16xi32>
      %max3A_1018 = arith.maxsi %max3A_1017, %add3A_1013 : vector<16xi32>
      %convert_element_type3A_1019 = arith.trunci %jit3A_1015 : i64 to i32
      %min3A_1020 = vector.broadcast %convert_element_type3A_1019 : i32 to vector<16xi32>
      %min3A_1021 = arith.minsi %min3A_1020, %max3A_1018 : vector<16xi32>
      tpu.vector_store_idx %arg15[%min3A_1021], %mul3A_870 masked %and3A_1007 : memref<8168xf32, #tpu.memory_space<vmem>>[vector<16xi32>], vector<16xf32>, vector<16xi1>
      %mul3A_1022 = arith.constant 1024 : i32
      %mul3A_1023 = arith.muli %mul3A_1022, %div3A_647 : i32
      %mul3A_1024 = arith.constant 4 : i32
      %mul3A_1025 = vector.broadcast %mul3A_1024 : i32 to vector<16xi32>
      %mul3A_1026 = arith.muli %mul3A_1025, %add3A_661 : vector<16xi32>
      %add3A_1027 = vector.broadcast %mul3A_1023 : i32 to vector<16xi32>
      %add3A_1028 = arith.addi %add3A_1027, %mul3A_1026 : vector<16xi32>
      %add3A_1029 = arith.constant 3 : i32
      %add3A_1030 = vector.broadcast %add3A_1029 : i32 to vector<16xi32>
      %add3A_1031 = arith.addi %add3A_1028, %add3A_1030 : vector<16xi32>
      %jit3A_1032 = arith.constant 0.000000e+00 : f64
      %convert_element_type3A_1033 = arith.truncf %jit3A_1032 : f64 to f32
      %broadcast_in_dim3A_1034 = vector.broadcast %convert_element_type3A_1033 : f32 to vector<16xf32>
      %select_n3A_1035 = arith.select %and3A_906, %mul3A_894, %broadcast_in_dim3A_1034 : vector<16xi1>, vector<16xf32>
      tpu.vector_store_idx %arg14[%add3A_1031], %select_n3A_1035 : memref<9216xf32, #tpu.memory_space<vmem>>[vector<16xi32>], vector<16xf32>,
      %eq3A_1036 = arith.constant 255 : i32
      %eq3A_1037 = vector.broadcast %eq3A_1036 : i32 to vector<16xi32>
      %eq3A_1038 = arith.cmpi eq, %add3A_661, %eq3A_1037 : vector<16xi32>
      %mul3A_1039 = arith.constant 4 : i32
      %mul3A_1040 = vector.broadcast %mul3A_1039 : i32 to vector<16xi32>
      %mul3A_1041 = arith.muli %mul3A_1040, %add3A_661 : vector<16xi32>
      %add3A_1042 = arith.constant 3 : i32
      %add3A_1043 = vector.broadcast %add3A_1042 : i32 to vector<16xi32>
      %add3A_1044 = arith.addi %mul3A_1041, %add3A_1043 : vector<16xi32>
      %jit3A_1045 = arith.constant 1020 : i64
      %convert_element_type3A_1046 = arith.trunci %jit3A_1045 : i64 to i32
      %broadcast_in_dim3A_1047 = vector.broadcast %convert_element_type3A_1046 : i32 to vector<16xi32>
      %select_n3A_1048 = arith.select %eq3A_1038, %broadcast_in_dim3A_1047, %add3A_1044 : vector<16xi1>, vector<16xi32>
      %and3A_1049 = arith.andi %and3A_906, %broadcast_in_dim3A_904 : vector<16xi1>
      %sub3A_1050 = arith.constant 1 : i32
      %sub3A_1051 = arith.subi %div3A_647, %sub3A_1050 : i32
      %mul3A_1052 = arith.constant 1021 : i32
      %mul3A_1053 = arith.muli %mul3A_1052, %sub3A_1051 : i32
      %add3A_1054 = vector.broadcast %mul3A_1053 : i32 to vector<16xi32>
      %add3A_1055 = arith.addi %add3A_1054, %select_n3A_1048 : vector<16xi32>
      %jit3A_1056 = arith.constant 0 : i64
      %jit3A_1057 = arith.constant 8167 : i64
      %convert_element_type3A_1058 = arith.trunci %jit3A_1056 : i64 to i32
      %max3A_1059 = vector.broadcast %convert_element_type3A_1058 : i32 to vector<16xi32>
      %max3A_1060 = arith.maxsi %max3A_1059, %add3A_1055 : vector<16xi32>
      %convert_element_type3A_1061 = arith.trunci %jit3A_1057 : i64 to i32
      %min3A_1062 = vector.broadcast %convert_element_type3A_1061 : i32 to vector<16xi32>
      %min3A_1063 = arith.minsi %min3A_1062, %max3A_1060 : vector<16xi32>
      tpu.vector_store_idx %arg15[%min3A_1063], %mul3A_894 masked %and3A_1049 : memref<8168xf32, #tpu.memory_space<vmem>>[vector<16xi32>], vector<16xf32>, vector<16xi1>
      %and3A_1064 = arith.andi %lt3A_896, %broadcast_in_dim3A_899 : vector<16xi1>
      %and3A_1065 = arith.andi %and3A_1064, %broadcast_in_dim3A_904 : vector<16xi1>
      %mul3A_1066 = arith.mulf %sub3A_769, %sub3A_778 : vector<16xf32>
      %mul3A_1067 = arith.mulf %sub3A_770, %sub3A_777 : vector<16xf32>
      %sub3A_1068 = arith.subf %mul3A_1066, %mul3A_1067 : vector<16xf32>
      %mul3A_1069 = arith.mulf %sub3A_770, %sub3A_776 : vector<16xf32>
      %mul3A_1070 = arith.mulf %sub3A_768, %sub3A_778 : vector<16xf32>
      %sub3A_1071 = arith.subf %mul3A_1069, %mul3A_1070 : vector<16xf32>
      %mul3A_1072 = arith.mulf %sub3A_768, %sub3A_777 : vector<16xf32>
      %mul3A_1073 = arith.mulf %sub3A_769, %sub3A_776 : vector<16xf32>
      %sub3A_1074 = arith.subf %mul3A_1072, %mul3A_1073 : vector<16xf32>
      %mul3A_1075 = arith.mulf %sub3A_777, %sub3A_786 : vector<16xf32>
      %mul3A_1076 = arith.mulf %sub3A_778, %sub3A_785 : vector<16xf32>
      %sub3A_1077 = arith.subf %mul3A_1075, %mul3A_1076 : vector<16xf32>
      %mul3A_1078 = arith.mulf %sub3A_778, %sub3A_784 : vector<16xf32>
      %mul3A_1079 = arith.mulf %sub3A_776, %sub3A_786 : vector<16xf32>
      %sub3A_1080 = arith.subf %mul3A_1078, %mul3A_1079 : vector<16xf32>
      %mul3A_1081 = arith.mulf %sub3A_776, %sub3A_785 : vector<16xf32>
      %mul3A_1082 = arith.mulf %sub3A_777, %sub3A_784 : vector<16xf32>
      %sub3A_1083 = arith.subf %mul3A_1081, %mul3A_1082 : vector<16xf32>
      %mul3A_1084 = arith.mulf %sub3A_1068, %sub3A_1068 : vector<16xf32>
      %mul3A_1085 = arith.mulf %sub3A_1071, %sub3A_1071 : vector<16xf32>
      %add3A_1086 = arith.addf %mul3A_1084, %mul3A_1085 : vector<16xf32>
      %mul3A_1087 = arith.mulf %sub3A_1074, %sub3A_1074 : vector<16xf32>
      %add3A_1088 = arith.addf %add3A_1086, %mul3A_1087 : vector<16xf32>
      %add3A_1089 = arith.constant 9.99999982E-14 : f32
      %add3A_1090 = vector.broadcast %add3A_1089 : f32 to vector<16xf32>
      %add3A_1091 = arith.addf %add3A_1088, %add3A_1090 : vector<16xf32>
      %mul3A_1092 = arith.mulf %sub3A_1077, %sub3A_1077 : vector<16xf32>
      %mul3A_1093 = arith.mulf %sub3A_1080, %sub3A_1080 : vector<16xf32>
      %add3A_1094 = arith.addf %mul3A_1092, %mul3A_1093 : vector<16xf32>
      %mul3A_1095 = arith.mulf %sub3A_1083, %sub3A_1083 : vector<16xf32>
      %add3A_1096 = arith.addf %add3A_1094, %mul3A_1095 : vector<16xf32>
      %add3A_1097 = arith.constant 9.99999982E-14 : f32
      %add3A_1098 = vector.broadcast %add3A_1097 : f32 to vector<16xf32>
      %add3A_1099 = arith.addf %add3A_1096, %add3A_1098 : vector<16xf32>
      %mul3A_1100 = arith.constant 5.000000e-01 : f32
      %mul3A_1101 = vector.broadcast %mul3A_1100 : f32 to vector<16xf32>
      %mul3A_1102 = arith.mulf %mul3A_1101, %add3A_1091 : vector<16xf32>
      %bitcast3A_1103 = vector.bitcast %add3A_1091 : vector<16xf32> to vector<16xi32>
      %shift_right_arithmetic3A_1104 = arith.constant 1 : i32
      %shift_right_arithmetic3A_1105 = vector.broadcast %shift_right_arithmetic3A_1104 : i32 to vector<16xi32>
      %shift_right_arithmetic3A_1106 = arith.shrsi %bitcast3A_1103, %shift_right_arithmetic3A_1105 : vector<16xi32>
      %sub3A_1107 = arith.constant 1597463007 : i32
      %sub3A_1108 = vector.broadcast %sub3A_1107 : i32 to vector<16xi32>
      %sub3A_1109 = arith.subi %sub3A_1108, %shift_right_arithmetic3A_1106 : vector<16xi32>
      %bitcast3A_1110 = vector.bitcast %sub3A_1109 : vector<16xi32> to vector<16xf32>
      %mul3A_1111 = arith.constant 5.000000e-01 : f32
      %mul3A_1112 = vector.broadcast %mul3A_1111 : f32 to vector<16xf32>
      %mul3A_1113 = arith.mulf %mul3A_1112, %add3A_1091 : vector<16xf32>
      %mul3A_1114 = arith.mulf %mul3A_1113, %bitcast3A_1110 : vector<16xf32>
      %mul3A_1115 = arith.mulf %mul3A_1114, %bitcast3A_1110 : vector<16xf32>
      %sub3A_1116 = arith.constant 1.500000e+00 : f32
      %sub3A_1117 = vector.broadcast %sub3A_1116 : f32 to vector<16xf32>
      %sub3A_1118 = arith.subf %sub3A_1117, %mul3A_1115 : vector<16xf32>
      %mul3A_1119 = arith.mulf %bitcast3A_1110, %sub3A_1118 : vector<16xf32>
      %mul3A_1120 = arith.mulf %mul3A_1113, %mul3A_1119 : vector<16xf32>
      %mul3A_1121 = arith.mulf %mul3A_1120, %mul3A_1119 : vector<16xf32>
      %sub3A_1122 = arith.constant 1.500000e+00 : f32
      %sub3A_1123 = vector.broadcast %sub3A_1122 : f32 to vector<16xf32>
      %sub3A_1124 = arith.subf %sub3A_1123, %mul3A_1121 : vector<16xf32>
      %mul3A_1125 = arith.mulf %mul3A_1119, %sub3A_1124 : vector<16xf32>
      %mul3A_1126 = arith.mulf %mul3A_1102, %mul3A_1125 : vector<16xf32>
      %mul3A_1127 = arith.constant 5.000000e-01 : f32
      %mul3A_1128 = vector.broadcast %mul3A_1127 : f32 to vector<16xf32>
      %mul3A_1129 = arith.mulf %mul3A_1128, %add3A_1099 : vector<16xf32>
      %bitcast3A_1130 = vector.bitcast %add3A_1099 : vector<16xf32> to vector<16xi32>
      %shift_right_arithmetic3A_1131 = arith.constant 1 : i32
      %shift_right_arithmetic3A_1132 = vector.broadcast %shift_right_arithmetic3A_1131 : i32 to vector<16xi32>
      %shift_right_arithmetic3A_1133 = arith.shrsi %bitcast3A_1130, %shift_right_arithmetic3A_1132 : vector<16xi32>
      %sub3A_1134 = arith.constant 1597463007 : i32
      %sub3A_1135 = vector.broadcast %sub3A_1134 : i32 to vector<16xi32>
      %sub3A_1136 = arith.subi %sub3A_1135, %shift_right_arithmetic3A_1133 : vector<16xi32>
      %bitcast3A_1137 = vector.bitcast %sub3A_1136 : vector<16xi32> to vector<16xf32>
      %mul3A_1138 = arith.constant 5.000000e-01 : f32
      %mul3A_1139 = vector.broadcast %mul3A_1138 : f32 to vector<16xf32>
      %mul3A_1140 = arith.mulf %mul3A_1139, %add3A_1099 : vector<16xf32>
      %mul3A_1141 = arith.mulf %mul3A_1140, %bitcast3A_1137 : vector<16xf32>
      %mul3A_1142 = arith.mulf %mul3A_1141, %bitcast3A_1137 : vector<16xf32>
      %sub3A_1143 = arith.constant 1.500000e+00 : f32
      %sub3A_1144 = vector.broadcast %sub3A_1143 : f32 to vector<16xf32>
      %sub3A_1145 = arith.subf %sub3A_1144, %mul3A_1142 : vector<16xf32>
      %mul3A_1146 = arith.mulf %bitcast3A_1137, %sub3A_1145 : vector<16xf32>
      %mul3A_1147 = arith.mulf %mul3A_1140, %mul3A_1146 : vector<16xf32>
      %mul3A_1148 = arith.mulf %mul3A_1147, %mul3A_1146 : vector<16xf32>
      %sub3A_1149 = arith.constant 1.500000e+00 : f32
      %sub3A_1150 = vector.broadcast %sub3A_1149 : f32 to vector<16xf32>
      %sub3A_1151 = arith.subf %sub3A_1150, %mul3A_1148 : vector<16xf32>
      %mul3A_1152 = arith.mulf %mul3A_1146, %sub3A_1151 : vector<16xf32>
      %mul3A_1153 = arith.mulf %mul3A_1129, %mul3A_1152 : vector<16xf32>
      %sub3A_1154 = arith.constant 1 : i32
      %sub3A_1155 = arith.subi %div3A_647, %sub3A_1154 : i32
      %mul3A_1156 = arith.constant 510 : i32
      %mul3A_1157 = arith.muli %mul3A_1156, %sub3A_1155 : i32
      %mul3A_1158 = arith.constant 2 : i32
      %mul3A_1159 = vector.broadcast %mul3A_1158 : i32 to vector<16xi32>
      %mul3A_1160 = arith.muli %mul3A_1159, %add3A_661 : vector<16xi32>
      %add3A_1161 = vector.broadcast %mul3A_1157 : i32 to vector<16xi32>
      %add3A_1162 = arith.addi %add3A_1161, %mul3A_1160 : vector<16xi32>
      %jit3A_1163 = arith.constant 0 : i64
      %jit3A_1164 = arith.constant 4078 : i64
      %convert_element_type3A_1165 = arith.trunci %jit3A_1163 : i64 to i32
      %max3A_1166 = vector.broadcast %convert_element_type3A_1165 : i32 to vector<16xi32>
      %max3A_1167 = arith.maxsi %max3A_1166, %add3A_1162 : vector<16xi32>
      %convert_element_type3A_1168 = arith.trunci %jit3A_1164 : i64 to i32
      %min3A_1169 = vector.broadcast %convert_element_type3A_1168 : i32 to vector<16xi32>
      %min3A_1170 = arith.minsi %min3A_1169, %max3A_1167 : vector<16xi32>
      tpu.vector_store_idx %arg16[%min3A_1170], %mul3A_1126 masked %and3A_1065 : memref<4080xf32, #tpu.memory_space<vmem>>[vector<16xi32>], vector<16xf32>, vector<16xi1>
      %add3A_1171 = arith.constant 1 : i32
      %add3A_1172 = vector.broadcast %add3A_1171 : i32 to vector<16xi32>
      %add3A_1173 = arith.addi %min3A_1170, %add3A_1172 : vector<16xi32>
      tpu.vector_store_idx %arg16[%add3A_1173], %mul3A_1153 masked %and3A_1065 : memref<4080xf32, #tpu.memory_space<vmem>>[vector<16xi32>], vector<16xf32>, vector<16xi1>
    }
    %get3A_368 = arith.constant 256 : i32
    %get3A_369 = arith.index_cast %get3A_368 : i32 to index
    %get3A_370 = tpu.vector_load %arg12[%get3A_369] {strides = array<i32>} : memref<2560xi32, #tpu.memory_space<vmem>>, vector<16xi32>,
    %eq3A_371 = arith.constant 0 : i32
    %eq3A_372 = vector.broadcast %eq3A_371 : i32 to vector<16xi32>
    %eq3A_373 = arith.cmpi eq, %iota3A, %eq3A_372 : vector<16xi32>
    %jit3A_374 = arith.constant 1073741824 : i32
    %broadcast_in_dim3A_375 = vector.broadcast %jit3A_374 : i32 to vector<16xi32>
    %select_n3A_376 = arith.select %eq3A_373, %get3A_370, %broadcast_in_dim3A_375 : vector<16xi1>, vector<16xi32>
    %reduce_min3A_377 = arith.constant true
    %reduce_min3A_378 = vector.broadcast %reduce_min3A_377 : i1 to vector<16xi1>
    %reduce_min3A_379 = arith.constant -2147483648 : i32
    %reduce_min3A_380 = vector.broadcast %reduce_min3A_379 : i32 to vector<16xi32>
    %reduce_min3A_381 = arith.xori %select_n3A_376, %reduce_min3A_380 : vector<16xi32>
    %reduce_min3A_382 = tpu.scan <min>, %reduce_min3A_381 masked %reduce_min3A_378 : vector<16xi32>, vector<16xi1> -> vector<16xi32>
    %reduce_min3A_383 = arith.xori %reduce_min3A_382, %reduce_min3A_380 : vector<16xi32>
    %reduce_min3A_384 = vector.extract %reduce_min3A_383[15] : i32 from vector<16xi32>
    %shift_right_arithmetic3A_385 = arith.constant 10 : i32
    %shift_right_arithmetic3A_386 = arith.shrsi %reduce_min3A_384, %shift_right_arithmetic3A_385 : i32
    %mul3A_387 = arith.constant 3072 : i32
    %mul3A_388 = arith.muli %shift_right_arithmetic3A_386, %mul3A_387 : i32
    %dma_start3A_389 = arith.constant 3072 : i32
    %dma_start3A_390 = tpu.memref_slice %arg13[%dma_start3A_389] : memref<30720xf32, #tpu.memory_space<vmem>> -> memref<3072xf32, #tpu.memory_space<vmem>>
    %dma_start3A_391 = tpu.memref_slice %arg3[%mul3A_388] : memref<3145728xf32, #tpu.memory_space<hbm>> -> memref<3072xf32, #tpu.memory_space<hbm>>
    %dma_start3A_392 = tpu.memref_slice %arg13[%dma_start3A_389] : memref<30720xf32, #tpu.memory_space<vmem>> -> memref<3072xf32, #tpu.memory_space<vmem>>
    %dma_start3A_393 = tpu.memref_slice %arg3[%mul3A_388] : memref<3145728xf32, #tpu.memory_space<hbm>> -> memref<3072xf32, #tpu.memory_space<hbm>>
    tpu.enqueue_dma source(%dma_start3A_393 : memref<3072xf32, #tpu.memory_space<hbm>>) target(%dma_start3A_392 : memref<3072xf32, #tpu.memory_space<vmem>>) target_semaphore(%arg21 : memref<!tpu.dma_semaphore, #tpu.memory_space<semaphore_mem>>)
    %get3A_394 = arith.constant 512 : i32
    %get3A_395 = arith.index_cast %get3A_394 : i32 to index
    %get3A_396 = tpu.vector_load %arg12[%get3A_395] {strides = array<i32>} : memref<2560xi32, #tpu.memory_space<vmem>>, vector<16xi32>,
    %eq3A_397 = arith.constant 0 : i32
    %eq3A_398 = vector.broadcast %eq3A_397 : i32 to vector<16xi32>
    %eq3A_399 = arith.cmpi eq, %iota3A, %eq3A_398 : vector<16xi32>
    %jit3A_400 = arith.constant 1073741824 : i32
    %broadcast_in_dim3A_401 = vector.broadcast %jit3A_400 : i32 to vector<16xi32>
    %select_n3A_402 = arith.select %eq3A_399, %get3A_396, %broadcast_in_dim3A_401 : vector<16xi1>, vector<16xi32>
    %reduce_min3A_403 = arith.constant true
    %reduce_min3A_404 = vector.broadcast %reduce_min3A_403 : i1 to vector<16xi1>
    %reduce_min3A_405 = arith.constant -2147483648 : i32
    %reduce_min3A_406 = vector.broadcast %reduce_min3A_405 : i32 to vector<16xi32>
    %reduce_min3A_407 = arith.xori %select_n3A_402, %reduce_min3A_406 : vector<16xi32>
    %reduce_min3A_408 = tpu.scan <min>, %reduce_min3A_407 masked %reduce_min3A_404 : vector<16xi32>, vector<16xi1> -> vector<16xi32>
    %reduce_min3A_409 = arith.xori %reduce_min3A_408, %reduce_min3A_406 : vector<16xi32>
    %reduce_min3A_410 = vector.extract %reduce_min3A_409[15] : i32 from vector<16xi32>
    %shift_right_arithmetic3A_411 = arith.constant 10 : i32
    %shift_right_arithmetic3A_412 = arith.shrsi %reduce_min3A_410, %shift_right_arithmetic3A_411 : i32
    %mul3A_413 = arith.constant 3072 : i32
    %mul3A_414 = arith.muli %shift_right_arithmetic3A_412, %mul3A_413 : i32
    %dma_start3A_415 = arith.constant 6144 : i32
    %dma_start3A_416 = tpu.memref_slice %arg13[%dma_start3A_415] : memref<30720xf32, #tpu.memory_space<vmem>> -> memref<3072xf32, #tpu.memory_space<vmem>>
    %dma_start3A_417 = tpu.memref_slice %arg3[%mul3A_414] : memref<3145728xf32, #tpu.memory_space<hbm>> -> memref<3072xf32, #tpu.memory_space<hbm>>
    %dma_start3A_418 = tpu.memref_slice %arg13[%dma_start3A_415] : memref<30720xf32, #tpu.memory_space<vmem>> -> memref<3072xf32, #tpu.memory_space<vmem>>
    %dma_start3A_419 = tpu.memref_slice %arg3[%mul3A_414] : memref<3145728xf32, #tpu.memory_space<hbm>> -> memref<3072xf32, #tpu.memory_space<hbm>>
    tpu.enqueue_dma source(%dma_start3A_419 : memref<3072xf32, #tpu.memory_space<hbm>>) target(%dma_start3A_418 : memref<3072xf32, #tpu.memory_space<vmem>>) target_semaphore(%arg21 : memref<!tpu.dma_semaphore, #tpu.memory_space<semaphore_mem>>)
    %get3A_420 = arith.constant 768 : i32
    %get3A_421 = arith.index_cast %get3A_420 : i32 to index
    %get3A_422 = tpu.vector_load %arg12[%get3A_421] {strides = array<i32>} : memref<2560xi32, #tpu.memory_space<vmem>>, vector<16xi32>,
    %eq3A_423 = arith.constant 0 : i32
    %eq3A_424 = vector.broadcast %eq3A_423 : i32 to vector<16xi32>
    %eq3A_425 = arith.cmpi eq, %iota3A, %eq3A_424 : vector<16xi32>
    %jit3A_426 = arith.constant 1073741824 : i32
    %broadcast_in_dim3A_427 = vector.broadcast %jit3A_426 : i32 to vector<16xi32>
    %select_n3A_428 = arith.select %eq3A_425, %get3A_422, %broadcast_in_dim3A_427 : vector<16xi1>, vector<16xi32>
    %reduce_min3A_429 = arith.constant true
    %reduce_min3A_430 = vector.broadcast %reduce_min3A_429 : i1 to vector<16xi1>
    %reduce_min3A_431 = arith.constant -2147483648 : i32
    %reduce_min3A_432 = vector.broadcast %reduce_min3A_431 : i32 to vector<16xi32>
    %reduce_min3A_433 = arith.xori %select_n3A_428, %reduce_min3A_432 : vector<16xi32>
    %reduce_min3A_434 = tpu.scan <min>, %reduce_min3A_433 masked %reduce_min3A_430 : vector<16xi32>, vector<16xi1> -> vector<16xi32>
    %reduce_min3A_435 = arith.xori %reduce_min3A_434, %reduce_min3A_432 : vector<16xi32>
    %reduce_min3A_436 = vector.extract %reduce_min3A_435[15] : i32 from vector<16xi32>
    %shift_right_arithmetic3A_437 = arith.constant 10 : i32
    %shift_right_arithmetic3A_438 = arith.shrsi %reduce_min3A_436, %shift_right_arithmetic3A_437 : i32
    %mul3A_439 = arith.constant 3072 : i32
    %mul3A_440 = arith.muli %shift_right_arithmetic3A_438, %mul3A_439 : i32
    %dma_start3A_441 = arith.constant 9216 : i32
    %dma_start3A_442 = tpu.memref_slice %arg13[%dma_start3A_441] : memref<30720xf32, #tpu.memory_space<vmem>> -> memref<3072xf32, #tpu.memory_space<vmem>>
    %dma_start3A_443 = tpu.memref_slice %arg3[%mul3A_440] : memref<3145728xf32, #tpu.memory_space<hbm>> -> memref<3072xf32, #tpu.memory_space<hbm>>
    %dma_start3A_444 = tpu.memref_slice %arg13[%dma_start3A_441] : memref<30720xf32, #tpu.memory_space<vmem>> -> memref<3072xf32, #tpu.memory_space<vmem>>
    %dma_start3A_445 = tpu.memref_slice %arg3[%mul3A_440] : memref<3145728xf32, #tpu.memory_space<hbm>> -> memref<3072xf32, #tpu.memory_space<hbm>>
    tpu.enqueue_dma source(%dma_start3A_445 : memref<3072xf32, #tpu.memory_space<hbm>>) target(%dma_start3A_444 : memref<3072xf32, #tpu.memory_space<vmem>>) target_semaphore(%arg21 : memref<!tpu.dma_semaphore, #tpu.memory_space<semaphore_mem>>)
    %get3A_446 = arith.constant 1024 : i32
    %get3A_447 = arith.index_cast %get3A_446 : i32 to index
    %get3A_448 = tpu.vector_load %arg12[%get3A_447] {strides = array<i32>} : memref<2560xi32, #tpu.memory_space<vmem>>, vector<16xi32>,
    %eq3A_449 = arith.constant 0 : i32
    %eq3A_450 = vector.broadcast %eq3A_449 : i32 to vector<16xi32>
    %eq3A_451 = arith.cmpi eq, %iota3A, %eq3A_450 : vector<16xi32>
    %jit3A_452 = arith.constant 1073741824 : i32
    %broadcast_in_dim3A_453 = vector.broadcast %jit3A_452 : i32 to vector<16xi32>
    %select_n3A_454 = arith.select %eq3A_451, %get3A_448, %broadcast_in_dim3A_453 : vector<16xi1>, vector<16xi32>
    %reduce_min3A_455 = arith.constant true
    %reduce_min3A_456 = vector.broadcast %reduce_min3A_455 : i1 to vector<16xi1>
    %reduce_min3A_457 = arith.constant -2147483648 : i32
    %reduce_min3A_458 = vector.broadcast %reduce_min3A_457 : i32 to vector<16xi32>
    %reduce_min3A_459 = arith.xori %select_n3A_454, %reduce_min3A_458 : vector<16xi32>
    %reduce_min3A_460 = tpu.scan <min>, %reduce_min3A_459 masked %reduce_min3A_456 : vector<16xi32>, vector<16xi1> -> vector<16xi32>
    %reduce_min3A_461 = arith.xori %reduce_min3A_460, %reduce_min3A_458 : vector<16xi32>
    %reduce_min3A_462 = vector.extract %reduce_min3A_461[15] : i32 from vector<16xi32>
    %shift_right_arithmetic3A_463 = arith.constant 10 : i32
    %shift_right_arithmetic3A_464 = arith.shrsi %reduce_min3A_462, %shift_right_arithmetic3A_463 : i32
    %mul3A_465 = arith.constant 3072 : i32
    %mul3A_466 = arith.muli %shift_right_arithmetic3A_464, %mul3A_465 : i32
    %dma_start3A_467 = arith.constant 12288 : i32
    %dma_start3A_468 = tpu.memref_slice %arg13[%dma_start3A_467] : memref<30720xf32, #tpu.memory_space<vmem>> -> memref<3072xf32, #tpu.memory_space<vmem>>
    %dma_start3A_469 = tpu.memref_slice %arg3[%mul3A_466] : memref<3145728xf32, #tpu.memory_space<hbm>> -> memref<3072xf32, #tpu.memory_space<hbm>>
    %dma_start3A_470 = tpu.memref_slice %arg13[%dma_start3A_467] : memref<30720xf32, #tpu.memory_space<vmem>> -> memref<3072xf32, #tpu.memory_space<vmem>>
    %dma_start3A_471 = tpu.memref_slice %arg3[%mul3A_466] : memref<3145728xf32, #tpu.memory_space<hbm>> -> memref<3072xf32, #tpu.memory_space<hbm>>
    tpu.enqueue_dma source(%dma_start3A_471 : memref<3072xf32, #tpu.memory_space<hbm>>) target(%dma_start3A_470 : memref<3072xf32, #tpu.memory_space<vmem>>) target_semaphore(%arg21 : memref<!tpu.dma_semaphore, #tpu.memory_space<semaphore_mem>>)
    %get3A_472 = arith.constant 1280 : i32
    %get3A_473 = arith.index_cast %get3A_472 : i32 to index
    %get3A_474 = tpu.vector_load %arg12[%get3A_473] {strides = array<i32>} : memref<2560xi32, #tpu.memory_space<vmem>>, vector<16xi32>,
    %eq3A_475 = arith.constant 0 : i32
    %eq3A_476 = vector.broadcast %eq3A_475 : i32 to vector<16xi32>
    %eq3A_477 = arith.cmpi eq, %iota3A, %eq3A_476 : vector<16xi32>
    %jit3A_478 = arith.constant 1073741824 : i32
    %broadcast_in_dim3A_479 = vector.broadcast %jit3A_478 : i32 to vector<16xi32>
    %select_n3A_480 = arith.select %eq3A_477, %get3A_474, %broadcast_in_dim3A_479 : vector<16xi1>, vector<16xi32>
    %reduce_min3A_481 = arith.constant true
    %reduce_min3A_482 = vector.broadcast %reduce_min3A_481 : i1 to vector<16xi1>
    %reduce_min3A_483 = arith.constant -2147483648 : i32
    %reduce_min3A_484 = vector.broadcast %reduce_min3A_483 : i32 to vector<16xi32>
    %reduce_min3A_485 = arith.xori %select_n3A_480, %reduce_min3A_484 : vector<16xi32>
    %reduce_min3A_486 = tpu.scan <min>, %reduce_min3A_485 masked %reduce_min3A_482 : vector<16xi32>, vector<16xi1> -> vector<16xi32>
    %reduce_min3A_487 = arith.xori %reduce_min3A_486, %reduce_min3A_484 : vector<16xi32>
    %reduce_min3A_488 = vector.extract %reduce_min3A_487[15] : i32 from vector<16xi32>
    %shift_right_arithmetic3A_489 = arith.constant 10 : i32
    %shift_right_arithmetic3A_490 = arith.shrsi %reduce_min3A_488, %shift_right_arithmetic3A_489 : i32
    %mul3A_491 = arith.constant 3072 : i32
    %mul3A_492 = arith.muli %shift_right_arithmetic3A_490, %mul3A_491 : i32
    %dma_start3A_493 = arith.constant 15360 : i32
    %dma_start3A_494 = tpu.memref_slice %arg13[%dma_start3A_493] : memref<30720xf32, #tpu.memory_space<vmem>> -> memref<3072xf32, #tpu.memory_space<vmem>>
    %dma_start3A_495 = tpu.memref_slice %arg3[%mul3A_492] : memref<3145728xf32, #tpu.memory_space<hbm>> -> memref<3072xf32, #tpu.memory_space<hbm>>
    %dma_start3A_496 = tpu.memref_slice %arg13[%dma_start3A_493] : memref<30720xf32, #tpu.memory_space<vmem>> -> memref<3072xf32, #tpu.memory_space<vmem>>
    %dma_start3A_497 = tpu.memref_slice %arg3[%mul3A_492] : memref<3145728xf32, #tpu.memory_space<hbm>> -> memref<3072xf32, #tpu.memory_space<hbm>>
    tpu.enqueue_dma source(%dma_start3A_497 : memref<3072xf32, #tpu.memory_space<hbm>>) target(%dma_start3A_496 : memref<3072xf32, #tpu.memory_space<vmem>>) target_semaphore(%arg21 : memref<!tpu.dma_semaphore, #tpu.memory_space<semaphore_mem>>)
    %get3A_498 = arith.constant 1536 : i32
    %get3A_499 = arith.index_cast %get3A_498 : i32 to index
    %get3A_500 = tpu.vector_load %arg12[%get3A_499] {strides = array<i32>} : memref<2560xi32, #tpu.memory_space<vmem>>, vector<16xi32>,
    %eq3A_501 = arith.constant 0 : i32
    %eq3A_502 = vector.broadcast %eq3A_501 : i32 to vector<16xi32>
    %eq3A_503 = arith.cmpi eq, %iota3A, %eq3A_502 : vector<16xi32>
    %jit3A_504 = arith.constant 1073741824 : i32
    %broadcast_in_dim3A_505 = vector.broadcast %jit3A_504 : i32 to vector<16xi32>
    %select_n3A_506 = arith.select %eq3A_503, %get3A_500, %broadcast_in_dim3A_505 : vector<16xi1>, vector<16xi32>
    %reduce_min3A_507 = arith.constant true
    %reduce_min3A_508 = vector.broadcast %reduce_min3A_507 : i1 to vector<16xi1>
    %reduce_min3A_509 = arith.constant -2147483648 : i32
    %reduce_min3A_510 = vector.broadcast %reduce_min3A_509 : i32 to vector<16xi32>
    %reduce_min3A_511 = arith.xori %select_n3A_506, %reduce_min3A_510 : vector<16xi32>
    %reduce_min3A_512 = tpu.scan <min>, %reduce_min3A_511 masked %reduce_min3A_508 : vector<16xi32>, vector<16xi1> -> vector<16xi32>
    %reduce_min3A_513 = arith.xori %reduce_min3A_512, %reduce_min3A_510 : vector<16xi32>
    %reduce_min3A_514 = vector.extract %reduce_min3A_513[15] : i32 from vector<16xi32>
    %shift_right_arithmetic3A_515 = arith.constant 10 : i32
    %shift_right_arithmetic3A_516 = arith.shrsi %reduce_min3A_514, %shift_right_arithmetic3A_515 : i32
    %mul3A_517 = arith.constant 3072 : i32
    %mul3A_518 = arith.muli %shift_right_arithmetic3A_516, %mul3A_517 : i32
    %dma_start3A_519 = arith.constant 18432 : i32
    %dma_start3A_520 = tpu.memref_slice %arg13[%dma_start3A_519] : memref<30720xf32, #tpu.memory_space<vmem>> -> memref<3072xf32, #tpu.memory_space<vmem>>
    %dma_start3A_521 = tpu.memref_slice %arg3[%mul3A_518] : memref<3145728xf32, #tpu.memory_space<hbm>> -> memref<3072xf32, #tpu.memory_space<hbm>>
    %dma_start3A_522 = tpu.memref_slice %arg13[%dma_start3A_519] : memref<30720xf32, #tpu.memory_space<vmem>> -> memref<3072xf32, #tpu.memory_space<vmem>>
    %dma_start3A_523 = tpu.memref_slice %arg3[%mul3A_518] : memref<3145728xf32, #tpu.memory_space<hbm>> -> memref<3072xf32, #tpu.memory_space<hbm>>
    tpu.enqueue_dma source(%dma_start3A_523 : memref<3072xf32, #tpu.memory_space<hbm>>) target(%dma_start3A_522 : memref<3072xf32, #tpu.memory_space<vmem>>) target_semaphore(%arg21 : memref<!tpu.dma_semaphore, #tpu.memory_space<semaphore_mem>>)
    %get3A_524 = arith.constant 1792 : i32
    %get3A_525 = arith.index_cast %get3A_524 : i32 to index
    %get3A_526 = tpu.vector_load %arg12[%get3A_525] {strides = array<i32>} : memref<2560xi32, #tpu.memory_space<vmem>>, vector<16xi32>,
    %eq3A_527 = arith.constant 0 : i32
    %eq3A_528 = vector.broadcast %eq3A_527 : i32 to vector<16xi32>
    %eq3A_529 = arith.cmpi eq, %iota3A, %eq3A_528 : vector<16xi32>
    %jit3A_530 = arith.constant 1073741824 : i32
    %broadcast_in_dim3A_531 = vector.broadcast %jit3A_530 : i32 to vector<16xi32>
    %select_n3A_532 = arith.select %eq3A_529, %get3A_526, %broadcast_in_dim3A_531 : vector<16xi1>, vector<16xi32>
    %reduce_min3A_533 = arith.constant true
    %reduce_min3A_534 = vector.broadcast %reduce_min3A_533 : i1 to vector<16xi1>
    %reduce_min3A_535 = arith.constant -2147483648 : i32
    %reduce_min3A_536 = vector.broadcast %reduce_min3A_535 : i32 to vector<16xi32>
    %reduce_min3A_537 = arith.xori %select_n3A_532, %reduce_min3A_536 : vector<16xi32>
    %reduce_min3A_538 = tpu.scan <min>, %reduce_min3A_537 masked %reduce_min3A_534 : vector<16xi32>, vector<16xi1> -> vector<16xi32>
    %reduce_min3A_539 = arith.xori %reduce_min3A_538, %reduce_min3A_536 : vector<16xi32>
    %reduce_min3A_540 = vector.extract %reduce_min3A_539[15] : i32 from vector<16xi32>
    %shift_right_arithmetic3A_541 = arith.constant 10 : i32
    %shift_right_arithmetic3A_542 = arith.shrsi %reduce_min3A_540, %shift_right_arithmetic3A_541 : i32
    %mul3A_543 = arith.constant 3072 : i32
    %mul3A_544 = arith.muli %shift_right_arithmetic3A_542, %mul3A_543 : i32
    %dma_start3A_545 = arith.constant 21504 : i32
    %dma_start3A_546 = tpu.memref_slice %arg13[%dma_start3A_545] : memref<30720xf32, #tpu.memory_space<vmem>> -> memref<3072xf32, #tpu.memory_space<vmem>>
    %dma_start3A_547 = tpu.memref_slice %arg3[%mul3A_544] : memref<3145728xf32, #tpu.memory_space<hbm>> -> memref<3072xf32, #tpu.memory_space<hbm>>
    %dma_start3A_548 = tpu.memref_slice %arg13[%dma_start3A_545] : memref<30720xf32, #tpu.memory_space<vmem>> -> memref<3072xf32, #tpu.memory_space<vmem>>
    %dma_start3A_549 = tpu.memref_slice %arg3[%mul3A_544] : memref<3145728xf32, #tpu.memory_space<hbm>> -> memref<3072xf32, #tpu.memory_space<hbm>>
    tpu.enqueue_dma source(%dma_start3A_549 : memref<3072xf32, #tpu.memory_space<hbm>>) target(%dma_start3A_548 : memref<3072xf32, #tpu.memory_space<vmem>>) target_semaphore(%arg21 : memref<!tpu.dma_semaphore, #tpu.memory_space<semaphore_mem>>)
    %get3A_550 = arith.constant 2048 : i32
    %get3A_551 = arith.index_cast %get3A_550 : i32 to index
    %get3A_552 = tpu.vector_load %arg12[%get3A_551] {strides = array<i32>} : memref<2560xi32, #tpu.memory_space<vmem>>, vector<16xi32>,
    %eq3A_553 = arith.constant 0 : i32
    %eq3A_554 = vector.broadcast %eq3A_553 : i32 to vector<16xi32>
    %eq3A_555 = arith.cmpi eq, %iota3A, %eq3A_554 : vector<16xi32>
    %jit3A_556 = arith.constant 1073741824 : i32
    %broadcast_in_dim3A_557 = vector.broadcast %jit3A_556 : i32 to vector<16xi32>
    %select_n3A_558 = arith.select %eq3A_555, %get3A_552, %broadcast_in_dim3A_557 : vector<16xi1>, vector<16xi32>
    %reduce_min3A_559 = arith.constant true
    %reduce_min3A_560 = vector.broadcast %reduce_min3A_559 : i1 to vector<16xi1>
    %reduce_min3A_561 = arith.constant -2147483648 : i32
    %reduce_min3A_562 = vector.broadcast %reduce_min3A_561 : i32 to vector<16xi32>
    %reduce_min3A_563 = arith.xori %select_n3A_558, %reduce_min3A_562 : vector<16xi32>
    %reduce_min3A_564 = tpu.scan <min>, %reduce_min3A_563 masked %reduce_min3A_560 : vector<16xi32>, vector<16xi1> -> vector<16xi32>
    %reduce_min3A_565 = arith.xori %reduce_min3A_564, %reduce_min3A_562 : vector<16xi32>
    %reduce_min3A_566 = vector.extract %reduce_min3A_565[15] : i32 from vector<16xi32>
    %shift_right_arithmetic3A_567 = arith.constant 10 : i32
    %shift_right_arithmetic3A_568 = arith.shrsi %reduce_min3A_566, %shift_right_arithmetic3A_567 : i32
    %mul3A_569 = arith.constant 3072 : i32
    %mul3A_570 = arith.muli %shift_right_arithmetic3A_568, %mul3A_569 : i32
    %dma_start3A_571 = arith.constant 24576 : i32
    %dma_start3A_572 = tpu.memref_slice %arg13[%dma_start3A_571] : memref<30720xf32, #tpu.memory_space<vmem>> -> memref<3072xf32, #tpu.memory_space<vmem>>
    %dma_start3A_573 = tpu.memref_slice %arg3[%mul3A_570] : memref<3145728xf32, #tpu.memory_space<hbm>> -> memref<3072xf32, #tpu.memory_space<hbm>>
    %dma_start3A_574 = tpu.memref_slice %arg13[%dma_start3A_571] : memref<30720xf32, #tpu.memory_space<vmem>> -> memref<3072xf32, #tpu.memory_space<vmem>>
    %dma_start3A_575 = tpu.memref_slice %arg3[%mul3A_570] : memref<3145728xf32, #tpu.memory_space<hbm>> -> memref<3072xf32, #tpu.memory_space<hbm>>
    tpu.enqueue_dma source(%dma_start3A_575 : memref<3072xf32, #tpu.memory_space<hbm>>) target(%dma_start3A_574 : memref<3072xf32, #tpu.memory_space<vmem>>) target_semaphore(%arg21 : memref<!tpu.dma_semaphore, #tpu.memory_space<semaphore_mem>>)
    %dma_wait3A_576 = arith.constant 3072 : i32
    %dma_wait3A_577 = tpu.memref_slice %arg13[%dma_wait3A_576] : memref<30720xf32, #tpu.memory_space<vmem>> -> memref<3072xf32, #tpu.memory_space<vmem>>
    %dma_wait3A_578 = tpu.memref_slice %arg3[%mul3A_388] : memref<3145728xf32, #tpu.memory_space<hbm>> -> memref<3072xf32, #tpu.memory_space<hbm>>
    %dma_wait3A_579 = tpu.memref_slice %arg13[%dma_wait3A_576] : memref<30720xf32, #tpu.memory_space<vmem>> -> memref<3072xf32, #tpu.memory_space<vmem>>
    %dma_wait3A_580 = tpu.memref_slice %arg3[%mul3A_388] : memref<3145728xf32, #tpu.memory_space<hbm>> -> memref<3072xf32, #tpu.memory_space<hbm>>
    tpu.wait_dma2 semaphore(%arg21 : memref<!tpu.dma_semaphore, #tpu.memory_space<semaphore_mem>>) src(%dma_wait3A_580 : memref<3072xf32, #tpu.memory_space<hbm>>) dst(%dma_wait3A_579 : memref<3072xf32, #tpu.memory_space<vmem>>)
    %dma_wait3A_581 = arith.constant 6144 : i32
    %dma_wait3A_582 = tpu.memref_slice %arg13[%dma_wait3A_581] : memref<30720xf32, #tpu.memory_space<vmem>> -> memref<3072xf32, #tpu.memory_space<vmem>>
    %dma_wait3A_583 = tpu.memref_slice %arg3[%mul3A_414] : memref<3145728xf32, #tpu.memory_space<hbm>> -> memref<3072xf32, #tpu.memory_space<hbm>>
    %dma_wait3A_584 = tpu.memref_slice %arg13[%dma_wait3A_581] : memref<30720xf32, #tpu.memory_space<vmem>> -> memref<3072xf32, #tpu.memory_space<vmem>>
    %dma_wait3A_585 = tpu.memref_slice %arg3[%mul3A_414] : memref<3145728xf32, #tpu.memory_space<hbm>> -> memref<3072xf32, #tpu.memory_space<hbm>>
    tpu.wait_dma2 semaphore(%arg21 : memref<!tpu.dma_semaphore, #tpu.memory_space<semaphore_mem>>) src(%dma_wait3A_585 : memref<3072xf32, #tpu.memory_space<hbm>>) dst(%dma_wait3A_584 : memref<3072xf32, #tpu.memory_space<vmem>>)
    %dma_wait3A_586 = arith.constant 9216 : i32
    %dma_wait3A_587 = tpu.memref_slice %arg13[%dma_wait3A_586] : memref<30720xf32, #tpu.memory_space<vmem>> -> memref<3072xf32, #tpu.memory_space<vmem>>
    %dma_wait3A_588 = tpu.memref_slice %arg3[%mul3A_440] : memref<3145728xf32, #tpu.memory_space<hbm>> -> memref<3072xf32, #tpu.memory_space<hbm>>
    %dma_wait3A_589 = tpu.memref_slice %arg13[%dma_wait3A_586] : memref<30720xf32, #tpu.memory_space<vmem>> -> memref<3072xf32, #tpu.memory_space<vmem>>
    %dma_wait3A_590 = tpu.memref_slice %arg3[%mul3A_440] : memref<3145728xf32, #tpu.memory_space<hbm>> -> memref<3072xf32, #tpu.memory_space<hbm>>
    tpu.wait_dma2 semaphore(%arg21 : memref<!tpu.dma_semaphore, #tpu.memory_space<semaphore_mem>>) src(%dma_wait3A_590 : memref<3072xf32, #tpu.memory_space<hbm>>) dst(%dma_wait3A_589 : memref<3072xf32, #tpu.memory_space<vmem>>)
    %dma_wait3A_591 = arith.constant 12288 : i32
    %dma_wait3A_592 = tpu.memref_slice %arg13[%dma_wait3A_591] : memref<30720xf32, #tpu.memory_space<vmem>> -> memref<3072xf32, #tpu.memory_space<vmem>>
    %dma_wait3A_593 = tpu.memref_slice %arg3[%mul3A_466] : memref<3145728xf32, #tpu.memory_space<hbm>> -> memref<3072xf32, #tpu.memory_space<hbm>>
    %dma_wait3A_594 = tpu.memref_slice %arg13[%dma_wait3A_591] : memref<30720xf32, #tpu.memory_space<vmem>> -> memref<3072xf32, #tpu.memory_space<vmem>>
    %dma_wait3A_595 = tpu.memref_slice %arg3[%mul3A_466] : memref<3145728xf32, #tpu.memory_space<hbm>> -> memref<3072xf32, #tpu.memory_space<hbm>>
    tpu.wait_dma2 semaphore(%arg21 : memref<!tpu.dma_semaphore, #tpu.memory_space<semaphore_mem>>) src(%dma_wait3A_595 : memref<3072xf32, #tpu.memory_space<hbm>>) dst(%dma_wait3A_594 : memref<3072xf32, #tpu.memory_space<vmem>>)
    %dma_wait3A_596 = arith.constant 15360 : i32
    %dma_wait3A_597 = tpu.memref_slice %arg13[%dma_wait3A_596] : memref<30720xf32, #tpu.memory_space<vmem>> -> memref<3072xf32, #tpu.memory_space<vmem>>
    %dma_wait3A_598 = tpu.memref_slice %arg3[%mul3A_492] : memref<3145728xf32, #tpu.memory_space<hbm>> -> memref<3072xf32, #tpu.memory_space<hbm>>
    %dma_wait3A_599 = tpu.memref_slice %arg13[%dma_wait3A_596] : memref<30720xf32, #tpu.memory_space<vmem>> -> memref<3072xf32, #tpu.memory_space<vmem>>
    %dma_wait3A_600 = tpu.memref_slice %arg3[%mul3A_492] : memref<3145728xf32, #tpu.memory_space<hbm>> -> memref<3072xf32, #tpu.memory_space<hbm>>
    tpu.wait_dma2 semaphore(%arg21 : memref<!tpu.dma_semaphore, #tpu.memory_space<semaphore_mem>>) src(%dma_wait3A_600 : memref<3072xf32, #tpu.memory_space<hbm>>) dst(%dma_wait3A_599 : memref<3072xf32, #tpu.memory_space<vmem>>)
    %dma_wait3A_601 = arith.constant 18432 : i32
    %dma_wait3A_602 = tpu.memref_slice %arg13[%dma_wait3A_601] : memref<30720xf32, #tpu.memory_space<vmem>> -> memref<3072xf32, #tpu.memory_space<vmem>>
    %dma_wait3A_603 = tpu.memref_slice %arg3[%mul3A_518] : memref<3145728xf32, #tpu.memory_space<hbm>> -> memref<3072xf32, #tpu.memory_space<hbm>>
    %dma_wait3A_604 = tpu.memref_slice %arg13[%dma_wait3A_601] : memref<30720xf32, #tpu.memory_space<vmem>> -> memref<3072xf32, #tpu.memory_space<vmem>>
    %dma_wait3A_605 = tpu.memref_slice %arg3[%mul3A_518] : memref<3145728xf32, #tpu.memory_space<hbm>> -> memref<3072xf32, #tpu.memory_space<hbm>>
    tpu.wait_dma2 semaphore(%arg21 : memref<!tpu.dma_semaphore, #tpu.memory_space<semaphore_mem>>) src(%dma_wait3A_605 : memref<3072xf32, #tpu.memory_space<hbm>>) dst(%dma_wait3A_604 : memref<3072xf32, #tpu.memory_space<vmem>>)
    %dma_wait3A_606 = arith.constant 21504 : i32
    %dma_wait3A_607 = tpu.memref_slice %arg13[%dma_wait3A_606] : memref<30720xf32, #tpu.memory_space<vmem>> -> memref<3072xf32, #tpu.memory_space<vmem>>
    %dma_wait3A_608 = tpu.memref_slice %arg3[%mul3A_544] : memref<3145728xf32, #tpu.memory_space<hbm>> -> memref<3072xf32, #tpu.memory_space<hbm>>
    %dma_wait3A_609 = tpu.memref_slice %arg13[%dma_wait3A_606] : memref<30720xf32, #tpu.memory_space<vmem>> -> memref<3072xf32, #tpu.memory_space<vmem>>
    %dma_wait3A_610 = tpu.memref_slice %arg3[%mul3A_544] : memref<3145728xf32, #tpu.memory_space<hbm>> -> memref<3072xf32, #tpu.memory_space<hbm>>
    tpu.wait_dma2 semaphore(%arg21 : memref<!tpu.dma_semaphore, #tpu.memory_space<semaphore_mem>>) src(%dma_wait3A_610 : memref<3072xf32, #tpu.memory_space<hbm>>) dst(%dma_wait3A_609 : memref<3072xf32, #tpu.memory_space<vmem>>)
    %dma_wait3A_611 = arith.constant 24576 : i32
    %dma_wait3A_612 = tpu.memref_slice %arg13[%dma_wait3A_611] : memref<30720xf32, #tpu.memory_space<vmem>> -> memref<3072xf32, #tpu.memory_space<vmem>>
    %dma_wait3A_613 = tpu.memref_slice %arg3[%mul3A_570] : memref<3145728xf32, #tpu.memory_space<hbm>> -> memref<3072xf32, #tpu.memory_space<hbm>>
    %dma_wait3A_614 = tpu.memref_slice %arg13[%dma_wait3A_611] : memref<30720xf32, #tpu.memory_space<vmem>> -> memref<3072xf32, #tpu.memory_space<vmem>>
    %dma_wait3A_615 = tpu.memref_slice %arg3[%mul3A_570] : memref<3145728xf32, #tpu.memory_space<hbm>> -> memref<3072xf32, #tpu.memory_space<hbm>>
    tpu.wait_dma2 semaphore(%arg21 : memref<!tpu.dma_semaphore, #tpu.memory_space<semaphore_mem>>) src(%dma_wait3A_615 : memref<3072xf32, #tpu.memory_space<hbm>>) dst(%dma_wait3A_614 : memref<3072xf32, #tpu.memory_space<vmem>>)
    %while3A_616 = arith.constant 0 : i32
    %while3A_617 = arith.constant 0 : i32
    %while3A_618 = arith.constant 128 : i32
    %while3A_619 = arith.subi %while3A_618, %while3A_617 : i32
    %while3A_620 = arith.addi %while3A_617, %while3A_619 : i32
    %while3A_621 = arith.constant 1 : i32
    %while3A_622 = arith.divsi %while3A_619, %while3A_621 : i32
    %while3A_623 = arith.muli %while3A_622, %while3A_621 : i32
    %while3A_624 = arith.addi %while3A_617, %while3A_623 : i32
    %while3A_625 = arith.constant 1 : i32
    scf.for %while3A_646 = %while3A_617 to %while3A_624 step %while3A_625  : i32 {
      %mul3A_647 = arith.constant 16 : i32
      %mul3A_648 = arith.muli %mul3A_647, %while3A_646 : i32
      %add3A_649 = arith.constant 256 : i32
      %add3A_650 = arith.addi %add3A_649, %mul3A_648 : i32
      %add3A_651 = vector.broadcast %add3A_650 : i32 to vector<16xi32>
      %add3A_652 = arith.addi %add3A_651, %iota3A : vector<16xi32>
      %gather3A = tpu.vector_load_idx %arg12[%add3A_652] : memref<2560xi32, #tpu.memory_space<vmem>>[vector<16xi32>], vector<16xi32>,
      %shift_right_arithmetic3A_653 = arith.constant 8 : i32
      %shift_right_arithmetic3A_654 = vector.broadcast %shift_right_arithmetic3A_653 : i32 to vector<16xi32>
      %shift_right_arithmetic3A_655 = arith.shrsi %add3A_652, %shift_right_arithmetic3A_654 : vector<16xi32>
      %mul3A_656 = arith.constant 3072 : i32
      %mul3A_657 = vector.broadcast %mul3A_656 : i32 to vector<16xi32>
      %mul3A_658 = arith.muli %mul3A_657, %shift_right_arithmetic3A_655 : vector<16xi32>
      %and3A = arith.constant 1023 : i32
      %and3A_659 = vector.broadcast %and3A : i32 to vector<16xi32>
      %and3A_660 = arith.andi %gather3A, %and3A_659 : vector<16xi32>
      %mul3A_661 = arith.constant 3 : i32
      %mul3A_662 = vector.broadcast %mul3A_661 : i32 to vector<16xi32>
      %mul3A_663 = arith.muli %mul3A_662, %and3A_660 : vector<16xi32>
      %add3A_664 = arith.addi %mul3A_658, %mul3A_663 : vector<16xi32>
      %gather3A_665 = tpu.vector_load_idx %arg13[%add3A_664] : memref<30720xf32, #tpu.memory_space<vmem>>[vector<16xi32>], vector<16xf32>,
      %add3A_666 = arith.constant 1 : i32
      %add3A_667 = vector.broadcast %add3A_666 : i32 to vector<16xi32>
      %add3A_668 = arith.addi %add3A_664, %add3A_667 : vector<16xi32>
      %gather3A_669 = tpu.vector_load_idx %arg13[%add3A_668] : memref<30720xf32, #tpu.memory_space<vmem>>[vector<16xi32>], vector<16xf32>,
      %add3A_670 = arith.constant 2 : i32
      %add3A_671 = vector.broadcast %add3A_670 : i32 to vector<16xi32>
      %add3A_672 = arith.addi %add3A_664, %add3A_671 : vector<16xi32>
      %gather3A_673 = tpu.vector_load_idx %arg13[%add3A_672] : memref<30720xf32, #tpu.memory_space<vmem>>[vector<16xi32>], vector<16xf32>,
      %mul3A_674 = arith.constant 16 : i32
      %mul3A_675 = arith.muli %mul3A_674, %while3A_646 : i32
      %add3A_676 = vector.broadcast %mul3A_675 : i32 to vector<16xi32>
      %add3A_677 = arith.addi %add3A_676, %iota3A : vector<16xi32>
      %mul3A_678 = arith.constant 3 : i32
      %mul3A_679 = vector.broadcast %mul3A_678 : i32 to vector<16xi32>
      %mul3A_680 = arith.muli %mul3A_679, %add3A_677 : vector<16xi32>
      tpu.vector_store_idx %arg20[%mul3A_680], %gather3A_665 : memref<6144xf32, #tpu.memory_space<vmem>>[vector<16xi32>], vector<16xf32>,
      %add3A_681 = arith.constant 1 : i32
      %add3A_682 = vector.broadcast %add3A_681 : i32 to vector<16xi32>
      %add3A_683 = arith.addi %mul3A_680, %add3A_682 : vector<16xi32>
      tpu.vector_store_idx %arg20[%add3A_683], %gather3A_669 : memref<6144xf32, #tpu.memory_space<vmem>>[vector<16xi32>], vector<16xf32>,
      %add3A_684 = arith.constant 2 : i32
      %add3A_685 = vector.broadcast %add3A_684 : i32 to vector<16xi32>
      %add3A_686 = arith.addi %mul3A_680, %add3A_685 : vector<16xi32>
      tpu.vector_store_idx %arg20[%add3A_686], %gather3A_673 : memref<6144xf32, #tpu.memory_space<vmem>>[vector<16xi32>], vector<16xf32>,
    }
    %while3A_626 = arith.constant 1 : i32
    scf.for %while3A_646 = %while3A_624 to %while3A_620 step %while3A_626  : i32 {
      %mul3A_647 = arith.constant 16 : i32
      %mul3A_648 = arith.muli %mul3A_647, %while3A_646 : i32
      %add3A_649 = arith.constant 256 : i32
      %add3A_650 = arith.addi %add3A_649, %mul3A_648 : i32
      %add3A_651 = vector.broadcast %add3A_650 : i32 to vector<16xi32>
      %add3A_652 = arith.addi %add3A_651, %iota3A : vector<16xi32>
      %gather3A = tpu.vector_load_idx %arg12[%add3A_652] : memref<2560xi32, #tpu.memory_space<vmem>>[vector<16xi32>], vector<16xi32>,
      %shift_right_arithmetic3A_653 = arith.constant 8 : i32
      %shift_right_arithmetic3A_654 = vector.broadcast %shift_right_arithmetic3A_653 : i32 to vector<16xi32>
      %shift_right_arithmetic3A_655 = arith.shrsi %add3A_652, %shift_right_arithmetic3A_654 : vector<16xi32>
      %mul3A_656 = arith.constant 3072 : i32
      %mul3A_657 = vector.broadcast %mul3A_656 : i32 to vector<16xi32>
      %mul3A_658 = arith.muli %mul3A_657, %shift_right_arithmetic3A_655 : vector<16xi32>
      %and3A = arith.constant 1023 : i32
      %and3A_659 = vector.broadcast %and3A : i32 to vector<16xi32>
      %and3A_660 = arith.andi %gather3A, %and3A_659 : vector<16xi32>
      %mul3A_661 = arith.constant 3 : i32
      %mul3A_662 = vector.broadcast %mul3A_661 : i32 to vector<16xi32>
      %mul3A_663 = arith.muli %mul3A_662, %and3A_660 : vector<16xi32>
      %add3A_664 = arith.addi %mul3A_658, %mul3A_663 : vector<16xi32>
      %gather3A_665 = tpu.vector_load_idx %arg13[%add3A_664] : memref<30720xf32, #tpu.memory_space<vmem>>[vector<16xi32>], vector<16xf32>,
      %add3A_666 = arith.constant 1 : i32
      %add3A_667 = vector.broadcast %add3A_666 : i32 to vector<16xi32>
      %add3A_668 = arith.addi %add3A_664, %add3A_667 : vector<16xi32>
      %gather3A_669 = tpu.vector_load_idx %arg13[%add3A_668] : memref<30720xf32, #tpu.memory_space<vmem>>[vector<16xi32>], vector<16xf32>,
      %add3A_670 = arith.constant 2 : i32
      %add3A_671 = vector.broadcast %add3A_670 : i32 to vector<16xi32>
      %add3A_672 = arith.addi %add3A_664, %add3A_671 : vector<16xi32>
      %gather3A_673 = tpu.vector_load_idx %arg13[%add3A_672] : memref<30720xf32, #tpu.memory_space<vmem>>[vector<16xi32>], vector<16xf32>,
      %mul3A_674 = arith.constant 16 : i32
      %mul3A_675 = arith.muli %mul3A_674, %while3A_646 : i32
      %add3A_676 = vector.broadcast %mul3A_675 : i32 to vector<16xi32>
      %add3A_677 = arith.addi %add3A_676, %iota3A : vector<16xi32>
      %mul3A_678 = arith.constant 3 : i32
      %mul3A_679 = vector.broadcast %mul3A_678 : i32 to vector<16xi32>
      %mul3A_680 = arith.muli %mul3A_679, %add3A_677 : vector<16xi32>
      tpu.vector_store_idx %arg20[%mul3A_680], %gather3A_665 : memref<6144xf32, #tpu.memory_space<vmem>>[vector<16xi32>], vector<16xf32>,
      %add3A_681 = arith.constant 1 : i32
      %add3A_682 = vector.broadcast %add3A_681 : i32 to vector<16xi32>
      %add3A_683 = arith.addi %mul3A_680, %add3A_682 : vector<16xi32>
      tpu.vector_store_idx %arg20[%add3A_683], %gather3A_669 : memref<6144xf32, #tpu.memory_space<vmem>>[vector<16xi32>], vector<16xf32>,
      %add3A_684 = arith.constant 2 : i32
      %add3A_685 = vector.broadcast %add3A_684 : i32 to vector<16xi32>
      %add3A_686 = arith.addi %mul3A_680, %add3A_685 : vector<16xi32>
      tpu.vector_store_idx %arg20[%add3A_686], %gather3A_673 : memref<6144xf32, #tpu.memory_space<vmem>>[vector<16xi32>], vector<16xf32>,
    }
    %mul3A_627 = arith.constant 6144 : i32
    %mul3A_628 = arith.muli %mul3A_627, %add3A : i32
    "tpu.region"() ({
      %run_scoped3A_646 = tpu.sem_alloc : memref<!tpu.dma_semaphore, #tpu.memory_space<semaphore_mem>>
      %dma_start3A_647 = tpu.memref_slice %arg8[%mul3A_628] : memref<196608xf32, #tpu.memory_space<hbm>> -> memref<6144xf32, #tpu.memory_space<hbm>>
      %dma_start3A_648 = tpu.memref_slice %arg8[%mul3A_628] : memref<196608xf32, #tpu.memory_space<hbm>> -> memref<6144xf32, #tpu.memory_space<hbm>>
      tpu.enqueue_dma source(%arg20 : memref<6144xf32, #tpu.memory_space<vmem>>) target(%dma_start3A_648 : memref<6144xf32, #tpu.memory_space<hbm>>) target_semaphore(%run_scoped3A_646 : memref<!tpu.dma_semaphore, #tpu.memory_space<semaphore_mem>>)
      %dma_wait3A_649 = tpu.memref_slice %arg8[%mul3A_628] : memref<196608xf32, #tpu.memory_space<hbm>> -> memref<6144xf32, #tpu.memory_space<hbm>>
      %dma_wait3A_650 = tpu.memref_slice %arg8[%mul3A_628] : memref<196608xf32, #tpu.memory_space<hbm>> -> memref<6144xf32, #tpu.memory_space<hbm>>
      tpu.wait_dma2 semaphore(%run_scoped3A_646 : memref<!tpu.dma_semaphore, #tpu.memory_space<semaphore_mem>>) src(%arg20 : memref<6144xf32, #tpu.memory_space<vmem>>) dst(%dma_wait3A_650 : memref<6144xf32, #tpu.memory_space<hbm>>)
      tpu.yield
    }) : () -> ()
    %while3A_629 = arith.constant 0 : i32
    %while3A_630 = arith.constant 0 : i32
    %while3A_631 = arith.constant 128 : i32
    %while3A_632 = arith.subi %while3A_631, %while3A_630 : i32
    %while3A_633 = arith.addi %while3A_630, %while3A_632 : i32
    %while3A_634 = arith.constant 1 : i32
    %while3A_635 = arith.divsi %while3A_632, %while3A_634 : i32
    %while3A_636 = arith.muli %while3A_635, %while3A_634 : i32
    %while3A_637 = arith.addi %while3A_630, %while3A_636 : i32
    %while3A_638 = arith.constant 1 : i32
    scf.for %while3A_646 = %while3A_630 to %while3A_637 step %while3A_638  : i32 {
      %mul3A_647 = arith.constant 16 : i32
      %mul3A_648 = arith.muli %mul3A_647, %while3A_646 : i32
      %get3A_649 = arith.index_cast %mul3A_648 : i32 to index
      %get3A_650 = tpu.vector_load %arg17[%get3A_649] {strides = array<i32>} : memref<16384xi32, #tpu.memory_space<vmem>>, vector<16xi32>,
      %gather3A = tpu.vector_load_idx %arg14[%get3A_650] : memref<9216xf32, #tpu.memory_space<vmem>>[vector<16xi32>], vector<16xf32>,
      %add3A_651 = arith.constant 2048 : i32
      %add3A_652 = arith.addi %add3A_651, %mul3A_648 : i32
      %get3A_653 = arith.index_cast %add3A_652 : i32 to index
      %get3A_654 = tpu.vector_load %arg17[%get3A_653] {strides = array<i32>} : memref<16384xi32, #tpu.memory_space<vmem>>, vector<16xi32>,
      %gather3A_655 = tpu.vector_load_idx %arg14[%get3A_654] : memref<9216xf32, #tpu.memory_space<vmem>>[vector<16xi32>], vector<16xf32>,
      %add3A_656 = arith.addf %gather3A, %gather3A_655 : vector<16xf32>
      %add3A_657 = arith.constant 4096 : i32
      %add3A_658 = arith.addi %add3A_657, %mul3A_648 : i32
      %get3A_659 = arith.index_cast %add3A_658 : i32 to index
      %get3A_660 = tpu.vector_load %arg17[%get3A_659] {strides = array<i32>} : memref<16384xi32, #tpu.memory_space<vmem>>, vector<16xi32>,
      %gather3A_661 = tpu.vector_load_idx %arg14[%get3A_660] : memref<9216xf32, #tpu.memory_space<vmem>>[vector<16xi32>], vector<16xf32>,
      %add3A_662 = arith.addf %add3A_656, %gather3A_661 : vector<16xf32>
      %add3A_663 = arith.constant 6144 : i32
      %add3A_664 = arith.addi %add3A_663, %mul3A_648 : i32
      %get3A_665 = arith.index_cast %add3A_664 : i32 to index
      %get3A_666 = tpu.vector_load %arg17[%get3A_665] {strides = array<i32>} : memref<16384xi32, #tpu.memory_space<vmem>>, vector<16xi32>,
      %gather3A_667 = tpu.vector_load_idx %arg14[%get3A_666] : memref<9216xf32, #tpu.memory_space<vmem>>[vector<16xi32>], vector<16xf32>,
      %add3A_668 = arith.addf %add3A_662, %gather3A_667 : vector<16xf32>
      %add3A_669 = arith.constant 8192 : i32
      %add3A_670 = arith.addi %add3A_669, %mul3A_648 : i32
      %get3A_671 = arith.index_cast %add3A_670 : i32 to index
      %get3A_672 = tpu.vector_load %arg17[%get3A_671] {strides = array<i32>} : memref<16384xi32, #tpu.memory_space<vmem>>, vector<16xi32>,
      %gather3A_673 = tpu.vector_load_idx %arg14[%get3A_672] : memref<9216xf32, #tpu.memory_space<vmem>>[vector<16xi32>], vector<16xf32>,
      %add3A_674 = arith.addf %add3A_668, %gather3A_673 : vector<16xf32>
      %add3A_675 = arith.constant 10240 : i32
      %add3A_676 = arith.addi %add3A_675, %mul3A_648 : i32
      %get3A_677 = arith.index_cast %add3A_676 : i32 to index
      %get3A_678 = tpu.vector_load %arg17[%get3A_677] {strides = array<i32>} : memref<16384xi32, #tpu.memory_space<vmem>>, vector<16xi32>,
      %gather3A_679 = tpu.vector_load_idx %arg14[%get3A_678] : memref<9216xf32, #tpu.memory_space<vmem>>[vector<16xi32>], vector<16xf32>,
      %add3A_680 = arith.addf %add3A_674, %gather3A_679 : vector<16xf32>
      %add3A_681 = arith.constant 12288 : i32
      %add3A_682 = arith.addi %add3A_681, %mul3A_648 : i32
      %get3A_683 = arith.index_cast %add3A_682 : i32 to index
      %get3A_684 = tpu.vector_load %arg17[%get3A_683] {strides = array<i32>} : memref<16384xi32, #tpu.memory_space<vmem>>, vector<16xi32>,
      %gather3A_685 = tpu.vector_load_idx %arg14[%get3A_684] : memref<9216xf32, #tpu.memory_space<vmem>>[vector<16xi32>], vector<16xf32>,
      %add3A_686 = arith.addf %add3A_680, %gather3A_685 : vector<16xf32>
      %add3A_687 = arith.constant 14336 : i32
      %add3A_688 = arith.addi %add3A_687, %mul3A_648 : i32
      %get3A_689 = arith.index_cast %add3A_688 : i32 to index
      %get3A_690 = tpu.vector_load %arg17[%get3A_689] {strides = array<i32>} : memref<16384xi32, #tpu.memory_space<vmem>>, vector<16xi32>,
      %gather3A_691 = tpu.vector_load_idx %arg14[%get3A_690] : memref<9216xf32, #tpu.memory_space<vmem>>[vector<16xi32>], vector<16xf32>,
      %add3A_692 = arith.addf %add3A_686, %gather3A_691 : vector<16xf32>
      %get3A_693 = arith.index_cast %mul3A_648 : i32 to index
      %get3A_694 = tpu.vector_load %arg18[%get3A_693] {strides = array<i32>} : memref<2048xf32, #tpu.memory_space<vmem>>, vector<16xf32>,
      %mul3A_695 = arith.mulf %add3A_692, %get3A_694 : vector<16xf32>
      %swap3A = arith.index_cast %mul3A_648 : i32 to index
      %swap3A_696 = tpu.vector_load %arg19[%swap3A] {strides = array<i32>} : memref<2048xf32, #tpu.memory_space<vmem>>, vector<16xf32>,
      tpu.vector_store %arg19[%swap3A], %mul3A_695 {strides = array<i32>} : memref<2048xf32, #tpu.memory_space<vmem>>, vector<16xf32>,
    }
    %while3A_639 = arith.constant 1 : i32
    scf.for %while3A_646 = %while3A_637 to %while3A_633 step %while3A_639  : i32 {
      %mul3A_647 = arith.constant 16 : i32
      %mul3A_648 = arith.muli %mul3A_647, %while3A_646 : i32
      %get3A_649 = arith.index_cast %mul3A_648 : i32 to index
      %get3A_650 = tpu.vector_load %arg17[%get3A_649] {strides = array<i32>} : memref<16384xi32, #tpu.memory_space<vmem>>, vector<16xi32>,
      %gather3A = tpu.vector_load_idx %arg14[%get3A_650] : memref<9216xf32, #tpu.memory_space<vmem>>[vector<16xi32>], vector<16xf32>,
      %add3A_651 = arith.constant 2048 : i32
      %add3A_652 = arith.addi %add3A_651, %mul3A_648 : i32
      %get3A_653 = arith.index_cast %add3A_652 : i32 to index
      %get3A_654 = tpu.vector_load %arg17[%get3A_653] {strides = array<i32>} : memref<16384xi32, #tpu.memory_space<vmem>>, vector<16xi32>,
      %gather3A_655 = tpu.vector_load_idx %arg14[%get3A_654] : memref<9216xf32, #tpu.memory_space<vmem>>[vector<16xi32>], vector<16xf32>,
      %add3A_656 = arith.addf %gather3A, %gather3A_655 : vector<16xf32>
      %add3A_657 = arith.constant 4096 : i32
      %add3A_658 = arith.addi %add3A_657, %mul3A_648 : i32
      %get3A_659 = arith.index_cast %add3A_658 : i32 to index
      %get3A_660 = tpu.vector_load %arg17[%get3A_659] {strides = array<i32>} : memref<16384xi32, #tpu.memory_space<vmem>>, vector<16xi32>,
      %gather3A_661 = tpu.vector_load_idx %arg14[%get3A_660] : memref<9216xf32, #tpu.memory_space<vmem>>[vector<16xi32>], vector<16xf32>,
      %add3A_662 = arith.addf %add3A_656, %gather3A_661 : vector<16xf32>
      %add3A_663 = arith.constant 6144 : i32
      %add3A_664 = arith.addi %add3A_663, %mul3A_648 : i32
      %get3A_665 = arith.index_cast %add3A_664 : i32 to index
      %get3A_666 = tpu.vector_load %arg17[%get3A_665] {strides = array<i32>} : memref<16384xi32, #tpu.memory_space<vmem>>, vector<16xi32>,
      %gather3A_667 = tpu.vector_load_idx %arg14[%get3A_666] : memref<9216xf32, #tpu.memory_space<vmem>>[vector<16xi32>], vector<16xf32>,
      %add3A_668 = arith.addf %add3A_662, %gather3A_667 : vector<16xf32>
      %add3A_669 = arith.constant 8192 : i32
      %add3A_670 = arith.addi %add3A_669, %mul3A_648 : i32
      %get3A_671 = arith.index_cast %add3A_670 : i32 to index
      %get3A_672 = tpu.vector_load %arg17[%get3A_671] {strides = array<i32>} : memref<16384xi32, #tpu.memory_space<vmem>>, vector<16xi32>,
      %gather3A_673 = tpu.vector_load_idx %arg14[%get3A_672] : memref<9216xf32, #tpu.memory_space<vmem>>[vector<16xi32>], vector<16xf32>,
      %add3A_674 = arith.addf %add3A_668, %gather3A_673 : vector<16xf32>
      %add3A_675 = arith.constant 10240 : i32
      %add3A_676 = arith.addi %add3A_675, %mul3A_648 : i32
      %get3A_677 = arith.index_cast %add3A_676 : i32 to index
      %get3A_678 = tpu.vector_load %arg17[%get3A_677] {strides = array<i32>} : memref<16384xi32, #tpu.memory_space<vmem>>, vector<16xi32>,
      %gather3A_679 = tpu.vector_load_idx %arg14[%get3A_678] : memref<9216xf32, #tpu.memory_space<vmem>>[vector<16xi32>], vector<16xf32>,
      %add3A_680 = arith.addf %add3A_674, %gather3A_679 : vector<16xf32>
      %add3A_681 = arith.constant 12288 : i32
      %add3A_682 = arith.addi %add3A_681, %mul3A_648 : i32
      %get3A_683 = arith.index_cast %add3A_682 : i32 to index
      %get3A_684 = tpu.vector_load %arg17[%get3A_683] {strides = array<i32>} : memref<16384xi32, #tpu.memory_space<vmem>>, vector<16xi32>,
      %gather3A_685 = tpu.vector_load_idx %arg14[%get3A_684] : memref<9216xf32, #tpu.memory_space<vmem>>[vector<16xi32>], vector<16xf32>,
      %add3A_686 = arith.addf %add3A_680, %gather3A_685 : vector<16xf32>
      %add3A_687 = arith.constant 14336 : i32
      %add3A_688 = arith.addi %add3A_687, %mul3A_648 : i32
      %get3A_689 = arith.index_cast %add3A_688 : i32 to index
      %get3A_690 = tpu.vector_load %arg17[%get3A_689] {strides = array<i32>} : memref<16384xi32, #tpu.memory_space<vmem>>, vector<16xi32>,
      %gather3A_691 = tpu.vector_load_idx %arg14[%get3A_690] : memref<9216xf32, #tpu.memory_space<vmem>>[vector<16xi32>], vector<16xf32>,
      %add3A_692 = arith.addf %add3A_686, %gather3A_691 : vector<16xf32>
      %get3A_693 = arith.index_cast %mul3A_648 : i32 to index
      %get3A_694 = tpu.vector_load %arg18[%get3A_693] {strides = array<i32>} : memref<2048xf32, #tpu.memory_space<vmem>>, vector<16xf32>,
      %mul3A_695 = arith.mulf %add3A_692, %get3A_694 : vector<16xf32>
      %swap3A = arith.index_cast %mul3A_648 : i32 to index
      %swap3A_696 = tpu.vector_load %arg19[%swap3A] {strides = array<i32>} : memref<2048xf32, #tpu.memory_space<vmem>>, vector<16xf32>,
      tpu.vector_store %arg19[%swap3A], %mul3A_695 {strides = array<i32>} : memref<2048xf32, #tpu.memory_space<vmem>>, vector<16xf32>,
    }
    %mul3A_640 = arith.constant 2048 : i32
    %mul3A_641 = arith.muli %mul3A_640, %add3A : i32
    "tpu.region"() ({
      %run_scoped3A_646 = tpu.sem_alloc : memref<!tpu.dma_semaphore, #tpu.memory_space<semaphore_mem>>
      %dma_start3A_647 = tpu.memref_slice %arg9[%mul3A_641] : memref<65536xf32, #tpu.memory_space<hbm>> -> memref<2048xf32, #tpu.memory_space<hbm>>
      %dma_start3A_648 = tpu.memref_slice %arg9[%mul3A_641] : memref<65536xf32, #tpu.memory_space<hbm>> -> memref<2048xf32, #tpu.memory_space<hbm>>
      tpu.enqueue_dma source(%arg19 : memref<2048xf32, #tpu.memory_space<vmem>>) target(%dma_start3A_648 : memref<2048xf32, #tpu.memory_space<hbm>>) target_semaphore(%run_scoped3A_646 : memref<!tpu.dma_semaphore, #tpu.memory_space<semaphore_mem>>)
      %dma_wait3A_649 = tpu.memref_slice %arg9[%mul3A_641] : memref<65536xf32, #tpu.memory_space<hbm>> -> memref<2048xf32, #tpu.memory_space<hbm>>
      %dma_wait3A_650 = tpu.memref_slice %arg9[%mul3A_641] : memref<65536xf32, #tpu.memory_space<hbm>> -> memref<2048xf32, #tpu.memory_space<hbm>>
      tpu.wait_dma2 semaphore(%run_scoped3A_646 : memref<!tpu.dma_semaphore, #tpu.memory_space<semaphore_mem>>) src(%arg19 : memref<2048xf32, #tpu.memory_space<vmem>>) dst(%dma_wait3A_650 : memref<2048xf32, #tpu.memory_space<hbm>>)
      tpu.yield
    }) : () -> ()
    %mul3A_642 = arith.constant 8168 : i32
    %mul3A_643 = arith.muli %mul3A_642, %add3A : i32
    "tpu.region"() ({
      %run_scoped3A_646 = tpu.sem_alloc : memref<!tpu.dma_semaphore, #tpu.memory_space<semaphore_mem>>
      %dma_start3A_647 = tpu.memref_slice %arg10[%mul3A_643] : memref<261376xf32, #tpu.memory_space<hbm>> -> memref<8168xf32, #tpu.memory_space<hbm>>
      %dma_start3A_648 = tpu.memref_slice %arg10[%mul3A_643] : memref<261376xf32, #tpu.memory_space<hbm>> -> memref<8168xf32, #tpu.memory_space<hbm>>
      tpu.enqueue_dma source(%arg15 : memref<8168xf32, #tpu.memory_space<vmem>>) target(%dma_start3A_648 : memref<8168xf32, #tpu.memory_space<hbm>>) target_semaphore(%run_scoped3A_646 : memref<!tpu.dma_semaphore, #tpu.memory_space<semaphore_mem>>)
      %dma_wait3A_649 = tpu.memref_slice %arg10[%mul3A_643] : memref<261376xf32, #tpu.memory_space<hbm>> -> memref<8168xf32, #tpu.memory_space<hbm>>
      %dma_wait3A_650 = tpu.memref_slice %arg10[%mul3A_643] : memref<261376xf32, #tpu.memory_space<hbm>> -> memref<8168xf32, #tpu.memory_space<hbm>>
      tpu.wait_dma2 semaphore(%run_scoped3A_646 : memref<!tpu.dma_semaphore, #tpu.memory_space<semaphore_mem>>) src(%arg15 : memref<8168xf32, #tpu.memory_space<vmem>>) dst(%dma_wait3A_650 : memref<8168xf32, #tpu.memory_space<hbm>>)
      tpu.yield
    }) : () -> ()
    %mul3A_644 = arith.constant 4080 : i32
    %mul3A_645 = arith.muli %mul3A_644, %add3A : i32
    "tpu.region"() ({
      %run_scoped3A_646 = tpu.sem_alloc : memref<!tpu.dma_semaphore, #tpu.memory_space<semaphore_mem>>
      %dma_start3A_647 = tpu.memref_slice %arg11[%mul3A_645] : memref<130560xf32, #tpu.memory_space<hbm>> -> memref<4080xf32, #tpu.memory_space<hbm>>
      %dma_start3A_648 = tpu.memref_slice %arg11[%mul3A_645] : memref<130560xf32, #tpu.memory_space<hbm>> -> memref<4080xf32, #tpu.memory_space<hbm>>
      tpu.enqueue_dma source(%arg16 : memref<4080xf32, #tpu.memory_space<vmem>>) target(%dma_start3A_648 : memref<4080xf32, #tpu.memory_space<hbm>>) target_semaphore(%run_scoped3A_646 : memref<!tpu.dma_semaphore, #tpu.memory_space<semaphore_mem>>)
      %dma_wait3A_649 = tpu.memref_slice %arg11[%mul3A_645] : memref<130560xf32, #tpu.memory_space<hbm>> -> memref<4080xf32, #tpu.memory_space<hbm>>
      %dma_wait3A_650 = tpu.memref_slice %arg11[%mul3A_645] : memref<130560xf32, #tpu.memory_space<hbm>> -> memref<4080xf32, #tpu.memory_space<hbm>>
      tpu.wait_dma2 semaphore(%run_scoped3A_646 : memref<!tpu.dma_semaphore, #tpu.memory_space<semaphore_mem>>) src(%arg16 : memref<4080xf32, #tpu.memory_space<vmem>>) dst(%dma_wait3A_650 : memref<4080xf32, #tpu.memory_space<hbm>>)
      tpu.yield
    }) : () -> ()
    return
  }
}

</mosaic_0001>

<sc_bundles>
// kernel: kernel.3.cloned.1.call-start
scs
__scs_entry_jumppad:
0x0: {  	(pc) =	sbr.rel $0x88, $3  }
0x1: {  	(tag) =	ssettag $0x0;
	lr =	simm.s32 $0x1  }
0x2: {  	[smem:$0x3F9E] =	sst lr;
	_ =	strace $0xD0000000  }
0x3: {  	_ = 	snop  }
0x4: {  	_ = 	snop  }
0x5: {  	_ = 	snop  }
0x6: {  	_ = 	snop  }
0x7: {  	_ = 	snop  }
__scs_overlays_trampoline_lowered:
0x8: {  	[smem:$0x3FAD] =	sst s0  }
0x9: {  	[smem:$0x3FAE] =	sst s1  }
0xa: {  	[smem:$0x3FAF] =	sst s2  }
0xb: {  	[smem:$0x3FB0] =	sst s3  }
0xc: {  	[smem:$0x3FB1] =	sst s4  }
0xd: {  	[smem:$0x3FB2] =	sst s5  }
0xe: {  	[smem:$0x3FB3] =	sst s6  }
0xf: {  	[smem:$0x3FB4] =	sst s7  }
0x10: {  	[smem:$0x3FB5] =	sst s8  }
0x11: {  	[smem:$0x3FB6] =	sst s9;
	s0 =	simm.s32 @!p0 $0x0  }
0x12: {  	s1 =	sld [smem:$0x3F9C];
	s0 =	simm.s32 @p0 $0x1  }
0x13: {  	[smem:$0x3FB7] =	sst s0;
	s0 =	simm.s32 @!p1 $0x0  }
0x14: {  	s2 =	sld [smem:$0x3F9B];
	s0 =	simm.s32 @p1 $0x1  }
0x15: {  	[smem:$0x3FB8] =	sst s0;
	s0 =	simm.s32 @!p2 $0x0  }
0x16: {  	s3 =	sld [smem:$0x3FDB];
	s0 =	simm.s32 @p2 $0x1  }
0x17: {  	s4 =	simm.s32 $0x1BF5;
	[smem:$0x3FBA] =	sst s0  }
0x18: {  	s0 =	sld [smem:$0x3F9D];
	_ =	swait.ge [sflag:s4], $0x0  }
0x19: {  	s7 =	sld [smem:$0x3F9E]  }
0x1a: {  	s8 =	sadd.s32 $0xFFFFE003, lr  }
0x1b: {  	s9 =	sadd.s32 $0xFFFFFEF7, lr;
	s5 =	simm.s32 $0xFFFFFFFF;
	p2 =	slt.u32 s8, $0xFFFFF086  }
0x1c: {  	p1 =	slt.u32 s9, $0xF7A;
	s5 =	simm.s32 @!p2 $0x0  }
0x1d: {  	s5 =	simm.s32 @p1 $0x1;
	p0 =	seq.s32 s7, s2  }
0x1e: {  	s7 =	smul.u32 @!p0 $0xF7A, s2;
	p2 =	seq.s32 @!p0 s5, $0x0  }
0x1f: {  	s9 =	smul.u32 $0xF7A, s1;
	s8 =	simm.s32 @!p0 $0x1BF5;
	p2 =	por !p2, p0  }
0x20: {  	[sflag:s8] =	ssyncset.s32 @!p0 $0xFFFFF086;
	s6 =	sadd.s32 @!p0 s3, s7;
	s7 =	simm.s32 @!p0 $0x108  }
0x21: {  	s3 =	sadd.s32 s3, s9;
	s6 =	sadd.s32 @!p0 $0x88, s6;
	s7 =	simm.s32 @p2 $0x1082  }
0x22: {  	[simem:s7], [sflag:s8] =	dma.local @!p0 [hbm:s6], $0xF7A  }
0x23: {  	s9 =	sor.u32 $0xD0000000, s2;
	s6 =	simm.s32 $0x108;
	_ =	swait.ge @!p0 [sflag:s8], $0x0  }
0x24: {  	s3 =	sadd.s32 $0x88, s3;
	s6 =	simm.s32 @!p1 $0x1082;
	[sflag:s4] =	ssyncset.s32 $0xFFFFF086  }
0x25: {  	[simem:s6], [sflag:s4] =	dma.local [hbm:s3], $0xF7A  }
0x26: {  	[smem:$0x3F9E] =	sst s1;
	(tag) =	ssettag s2;
	_ =	strace s9  }
0x27: {  	s1 =	sld [smem:$0x3FAE]  }
0x28: {  	s2 =	sld [smem:$0x3FAF]  }
0x29: {  	s4 =	sld [smem:$0x3FB1]  }
0x2a: {  	p0 =	seq.s32 s5, $0x0;
	s5 =	sld [smem:$0x3FB2]  }
0x2b: {  	s6 =	sld [smem:$0x3FB3]  }
0x2c: {  	s7 =	sld [smem:$0x3FB4]  }
0x2d: {  	s3 =	simm.s32 $0x108;
	s8 =	sld [smem:$0x3FB5]  }
0x2e: {  	s3 =	simm.s32 @!p0 $0x1082;
	s9 =	sld [smem:$0x3FB6]  }
0x2f: {  	lr =	sadd.s32 s0, s3;
	s0 =	sld [smem:$0x3FAD]  }
0x30: {  	s3 =	sld [smem:$0x3FB0]  }
0x31: {  	[smem:$0x3FB9] =	sst s10  }
0x32: {  	s10 =	sld [smem:$0x3FB7];
	_ =	sdelay $0x3  }
0x33: {  	p0 =	seq.s32 s10, $0x1;
	s10 =	sld [smem:$0x3FB9];
	_ =	sdelay $0x3  }
0x34: {  	[smem:$0x3FB9] =	sst s10  }
0x35: {  	s10 =	sld [smem:$0x3FB8];
	_ =	sdelay $0x3  }
0x36: {  	p1 =	seq.s32 s10, $0x1;
	s10 =	sld [smem:$0x3FB9];
	_ =	sdelay $0x3  }
0x37: {  	[smem:$0x3FB9] =	sst s10  }
0x38: {  	s10 =	sld [smem:$0x3FBA]  }
0x39: {  	_ = 	snop;
	(pc) =	sbr.ind lr, $3  }
0x3a: {  	_ = 	snop  }
0x3b: {  	_ = 	snop  }
0x3c: {  	p2 =	seq.s32 s10, $0x1;
	s10 =	sld [smem:$0x3FB9]  }
0x3d: {  	_ =	shalt  }
0x3e: {  	_ =	shalt  }
0x3f: {  	_ =	shalt  }
0x40: {  	_ =	shalt  }
0x41: {  	_ =	shalt  }
0x42: {  	_ =	shalt  }
0x43: {  	_ =	shalt  }
0x44: {  	_ =	shalt  }
0x45: {  	_ =	shalt  }
0x46: {  	_ =	shalt  }
0x47: {  	_ =	shalt  }
0x48: {  	_ =	shalt  }
0x49: {  	_ =	shalt  }
0x4a: {  	_ =	shalt  }
0x4b: {  	_ =	shalt  }
0x4c: {  	_ =	shalt  }
0x4d: {  	_ =	shalt  }
0x4e: {  	_ =	shalt  }
0x4f: {  	_ =	shalt  }
0x50: {  	_ =	shalt  }
0x51: {  	_ =	shalt  }
0x52: {  	_ =	shalt  }
0x53: {  	_ =	shalt  }
0x54: {  	_ =	shalt  }
0x55: {  	_ =	shalt  }
0x56: {  	_ =	shalt  }
0x57: {  	_ =	shalt  }
0x58: {  	_ =	shalt  }
0x59: {  	_ =	shalt  }
0x5a: {  	_ =	shalt  }
0x5b: {  	_ =	shalt  }
0x5c: {  	_ =	shalt  }
0x5d: {  	_ =	shalt  }
0x5e: {  	_ =	shalt  }
0x5f: {  	_ =	shalt  }
0x60: {  	_ =	shalt  }
0x61: {  	_ =	shalt  }
0x62: {  	_ =	shalt  }
0x63: {  	_ =	shalt  }
0x64: {  	_ =	shalt  }
0x65: {  	_ =	shalt  }
0x66: {  	_ =	shalt  }
0x67: {  	_ =	shalt  }
0x68: {  	_ =	shalt  }
0x69: {  	_ =	shalt  }
0x6a: {  	_ =	shalt  }
0x6b: {  	_ =	shalt  }
0x6c: {  	_ =	shalt  }
0x6d: {  	_ =	shalt  }
0x6e: {  	_ =	shalt  }
0x6f: {  	_ =	shalt  }
0x70: {  	_ =	shalt  }
0x71: {  	_ =	shalt  }
0x72: {  	_ =	shalt  }
0x73: {  	_ =	shalt  }
0x74: {  	_ =	shalt  }
0x75: {  	_ =	shalt  }
0x76: {  	_ =	shalt  }
0x77: {  	_ =	shalt  }
0x78: {  	_ =	shalt  }
0x79: {  	_ =	shalt  }
0x7a: {  	_ =	shalt  }
0x7b: {  	_ =	shalt  }
0x7c: {  	_ =	shalt  }
0x7d: {  	_ =	shalt  }
0x7e: {  	_ =	shalt  }
0x7f: {  	_ =	shalt  }
0x80: {  	_ =	shalt  }
0x81: {  	_ =	shalt  }
0x82: {  	_ =	shalt  }
0x83: {  	_ =	shalt  }
0x84: {  	_ =	shalt  }
0x85: {  	_ =	shalt  }
0x86: {  	_ =	shalt  }
0x87: {  	_ =	shalt  }
.Lfunc_end0:
.L_simem_size_0:
called_computation_lowered:
.L_overlay_start_0:
0x88: {  	s2 =	sld [smem:$0x3FD9]  }
0x89: {  	s3 =	sld [smem:$0x3FFE];
	_ =	sdelay $0x1  }
0x8a: {  	s1 =	srdreg.scid  }
0x8b: {  	s0 =	sand.u32 $0x1, s1  }
0x8c: {  	s14 =	sshll.u32 s0, $0xA;
	s2 =	sadd.s32 s3, s2  }
0x8d: {  	s2 =	sadd.s32 s2, s14  }
0x8e: {  	[smem:$0x3FC5] =	sst s2  }
0x8f: {  	_ = 	snop  }
0x90: {  	s2 =	sld [smem:$0x3FD0];
	_ =	sdelay $0x2  }
0x91: {  	s15 =	simm.s32 $0xA;
	s4 =	simm.s32 $0x10  }
0x92: {  	[smem:s4], [sflag:s15] =	dma.local [hbm:s2], $0x1  }
0x93: {  	_ =	swait.eq [sflag:s15], $0x1  }
0x94: {  	s16 =	sld [smem:$0x10]  }
0x95: {  	s17 =	sld [smem:$0x11]  }
0x96: {  	s5 =	sld [smem:$0x12];
	[sflag:s15] =	ssyncset.done $0x0  }
0x97: {  	s6 =	sld [smem:$0x14];
	[sflag:s15] =	ssyncadd.s32 $0xFFFFFFFF  }
0x98: {  	s18 =	sld [smem:$0x16];
	(tm) =	ssettm $0x1  }
0x99: {  	s7 =	sld [smem:$0x3FFB];
	_ =	sdelay $0x3  }
0x9a: {  	_ =	strace s7  }
0x9b: {  	s7 =	sld [smem:$0x3FFC];
	_ =	sdelay $0x3  }
0x9c: {  	_ =	strace s7  }
0x9d: {  	s7 =	sld [smem:$0x3FFD];
	_ =	sdelay $0x3  }
0x9e: {  	_ =	strace s7  }
0x9f: {  	_ =	strace $0x8FFFFFFF  }
0xa0: {  	s19 =	sld [smem:$0x3FDB];
	_ =	sdelay $0x1  }
0xa1: {  	s8 =	simm.s32 $_scs_section_size  }
0xa2: {  	s9 =	simm.s32 $_size__tile_overlayer_lowered;
	s10 =	simm.s32 $_tile_overlayer_lowered  }
0xa3: {  	s22 =	simm.s32 $0x1BFF;
	s21 =	sshll.u32 s10, $0x1;
	s7 =	sadd.s32 s8, s19  }
0xa4: {  	s11 =	simm.s32 $0x0;
	s20 =	sshll.u32 s9, $0x1;
	s9 =	sadd.s32 s21, s7  }
0xa5: {  	[timem:s11], [sflag:s22] =	dma.local [hbm:s9], s20  }
0xa6: {  	_ =	swait.ge [sflag:s22], s20  }
0xa7: {  	s8 =	ssub.s32 $0x0, s20;
	[sflag:s22] =	ssyncset.done $0x0  }
0xa8: {  	[sflag:s22] =	ssyncadd.s32 s8;
	_ =	sdelay $0x1  }
0xa9: {  	s23 =	simm.s32 $0x1B8B  }
0xaa: {  	_ =	swait.ge [sflag:s23], $0x1  }
0xab: {  	[sflag:s23] =	ssyncset.done $0x0  }
0xac: {  	s25 =	simm.s32 $0x1B8E;
	s24 =	sld [smem:$0x3FFE];
	[sflag:s23] =	ssyncadd.s32 $0xFFFFFFFF  }
0xad: {  	s26 =	simm.s32 $execute0_lowered;
	[smem:$0x3FD2] =	sst s25  }
0xae: {  	s9 =	sshll.u32 s26, $0x1;
	_ =	strace $0x80000046;
	[dreg:$0x1] =	wrdreg $0xFFFFFFFF  }
0xaf: {  	s28 =	simm.s32 $_size_execute0_lowered;
	s7 =	sadd.s32 s7, s9;
	[dreg:$0x0] =	wrdreg $0x0  }
0xb0: {  	s9 =	sshll.u32 s28, $0x1;
	[dreg:$0x2] =	wrdreg s7  }
0xb1: {  	[dreg:$0x3] =	wrdreg s9  }
0xb2: {  	[dreg:$0x4] =	wrdreg $0xC0  }
0xb3: {  	_ =	task [dreg:s11], $0x5FFFF  }
0xb4: {  	[dreg:$0x1] =	wrdreg $0xFFFFFFFF  }
0xb5: {  	[dreg:$0x0] =	wrdreg $0x60  }
0xb6: {  	[dreg:$0x2] =	wrdreg s24  }
0xb7: {  	[dreg:$0x3] =	wrdreg s16  }
0xb8: {  	[dreg:$0x4] =	wrdreg s6  }
0xb9: {  	[dreg:$0x5] =	wrdreg s17  }
0xba: {  	[dreg:$0x6] =	wrdreg s5  }
0xbb: {  	[dreg:$0x7] =	wrdreg s18  }
0xbc: {  	[dreg:$0x8] =	wrdreg $0x9  }
0xbd: {  	_ =	task.clear_ibuf [dreg:s11], $0x9FFFF;
	_ =	strace $0x90000046  }
0xbe: {  	s29 =	simm.s32 $0x9;
	_ =	strace $0x80000048  }
0xbf: {  	_ =	swait.ge [sflag:s29], $0x1  }
0xc0: {  	[sflag:s29] =	ssyncadd.s32 $0xFFFFFFFF  }
0xc1: {  	_ =	strace $0x90000048  }
0xc2: {  	_ =	sfence  }
0xc3: {  	s30 =	sld [smem:$0x0];
	_ =	sdelay $0x2  }
0xc4: {  	s31 =	sshll.u32 s1, $0xD;
	s1 =	sshrl.u32 s1, $0x2  }
0xc5: {  	s3 =	sand.u32 $0x4000, s31;
	s1 =	sadd.s32 s1, s30  }
0xc6: {  	s0 =	sor.u32 s3, s0;
	s1 =	sshll.u32 s1, $0x11  }
0xc7: {  	s0 =	sor.u32 s1, s0  }
0xc8: {  	s0 =	sadd.s32 $0x8F2B, s0  }
0xc9: {  	[sflag:s0] =	ssyncadd.remote.s32 $0x1  }
0xca: {  	_ =	sfence.sel $0xFFFF  }
0xcb: {  	[dreg:$0x0] =	wrdreg $0xFFFFFFFF;
	(pc) =	sbr.abs _section_cstart, $3  }
0xcc: {  	[dreg:$0x1] =	wrdreg $0xFFFFFFFF  }
0xcd: {  	_ =	task.clear_ibuf [dreg:s11], $0x2FFFF;
	_ =	strace $0x9FFFFFFF  }
0xce: {  	(tm) =	ssettm $0x7FFFFFFF  }
0xcf: {  	_ =	shalt  }
tec
execute0_lowered:
.L_overlay_start_1:
0x0: {  	(tag) =	ssettag $0x1  }
0x1: {  	s0 =	rddreg [dreg:$0x0]  }
0x2: {  	s1 =	rddreg [dreg:$0x1]  }
0x3: {  	s5 =	rddreg [dreg:$0x2]  }
0x4: {  	s6 =	rddreg [dreg:$0x3]  }
0x5: {  	s7 =	rddreg [dreg:$0x4]  }
0x6: {  	s8 =	rddreg [dreg:$0x5];
	s2 =	simm.s32 $0x0;
	s3 =	srdreg.scid  }
0x7: {  	s4 =	stileid.u32;
	s28 =	simm.s32 $0x3A00;
	s29 =	simm.s32 $0x4600  }
0x8: {  	s30 =	simm.s32 $0x5200;
	s31 =	simm.s32 $0x5E00;
	[smem:$0x7FF] =	sst s2  }
0x9: {  	s9 =	sand.u32 $0x1, s3;
	s16 =	sshll.u32 s4, $0x1;
	s3 =	sadd.s32 $0x1001200, s0  }
0xa: {  	s4 =	sadd.s32 $0x1061200, s0;
	_ =	strace $0x80000047;
	s10 =	sor.u32 s9, s16  }
0xb: {  	s9 =	ssub.s32 $0x2, s9;
	s11 =	smul.u32 $0x3FD, s10;
	s12 =	sshll.u32 s10, $0x8  }
0xc: {  	s17 =	sshrl.u32 s9, $0x1;
	s24 =	smul.u32 $0x300, s10;
	s26 =	sshll.u32 s10, $0x3  }
0xd: {  	s10 =	smul.u32 $0x1FE, s10;
	s14 =	sadd.s32 s12, s0;
	s9 =	ssub.s32 s9, s17  }
0xe: {  	s1 =	sadd.s32 s1, s12;
	s16 =	sadd.s32 $0xFFFFFFFF, s26;
	s26 =	simm.s32 $0x1600  }
0xf: {  	s0 =	sadd.s32 s11, s0;
	[dreg:$0x7] =	wrdreg s1;
	s18 =	sadd.s32 $0x1200, s14  }
0x10: {  	s19 =	sadd.s32 $0x3200, s14;
	s20 =	sadd.s32 $0x5200, s14;
	[dreg:$0x8] =	wrdreg s18  }
0x11: {  	s21 =	sadd.s32 $0x7200, s14;
	s22 =	sadd.s32 $0x9200, s14;
	[dreg:$0x9] =	wrdreg s19  }
0x12: {  	s23 =	sadd.s32 $0xB200, s14;
	s25 =	sadd.s32 $0xD200, s14;
	[dreg:$0xa] =	wrdreg s20  }
0x13: {  	s13 =	sadd.s32 $0xF200, s14;
	s14 =	sadd.s32 $0x11200, s14;
	[dreg:$0xb] =	wrdreg s21  }
0x14: {  	s15 =	sadd.s32 s5, s24;
	s17 =	sadd.s32 s6, s24;
	[dreg:$0xc] =	wrdreg s22  }
0x15: {  	s1 =	simm.s32 $0x1;
	s5 =	simm.s32 $0x12600;
	[dreg:$0xd] =	wrdreg s23  }
0x16: {  	v0 =	vlaneseq.u32;
	s6 =	simm.s32 $0x8200;
	[dreg:$0xe] =	wrdreg s25;
	s18 =	sadd.s32 s7, s12  }
0x17: {  	v1 =	vmul.u32 $0x3, v0;
	v4 =	vmul.u32 $0xFFFFFFFF, v0;
	s19 =	sadd.s32 $0x13200, s0;
	s20 =	sadd.s32 s8, s10;
	s21 =	smax.u32 s9, $0x1  }
0x18: {  	vm0 =	vmmov $0x1;
	vm1 =	vmxor vm1, vm1;
	s22 =	simm.s32 $0x2;
	s23 =	simm.s32 $0xA00;
	s0 =	simm.s32 $0x6A00  }
0x19: {  	v2 =	vadd.s32 $0x1, v1;
	v3 =	vadd.s32 $0x2, v1;
	v4 =	vadd.s32 $0xFF, v4;
	s7 =	simm.s32 $0xA600;
	s8 =	simm.s32 $0xC600;
	s9 =	simm.s32 $0x0  }
.LBB2_1:
0x1a: {  	s10 =	rddreg [dreg:$0x7]  }
0x1b: {  	[tilespmem:s2], [sflag:$0x2] =	stream.linear.gather [hbm4b:s10+s2], $0xA00, $0x38;
	[tilespmem:$0x13E00] =	vst v63  }
0x1c: {  	_ =	swait.ge [sflag:s22], $0xA00  }
0x1d: {  	[sflag:s22] =	ssyncset.done $0x0  }
0x1e: {  	[sflag:s22] =	ssyncadd.s32 $0xFFFFF600  }
0x1f: {  	v5 =	vld [tilespmem:$0x0];
	_ =	sdelay $0x4  }
0x20: {  	v5 =	vnsel vm0, $0x40000000, v5  }
0x21: {  	v5 =	vxor.u32 $0x80000000, v5  }
0x22: {  	(xrf0) =	vmin.scan.msk.u32 $0xffff, v5;
	_ =	sdelay $0x5  }
0x23: {  	v5, _, _ =	vpop (xrf0)  }
0x24: {  	(v2sf) =	vpush v5, $0xF;
	_ =	sdelay $0xe  }
0x25: {  	s24 =	spop (v2sf)  }
0x26: {  	s10 =	sshrl.u32 s24, $0xA  }
0x27: {  	s10 =	sxor.u32 $0x200000, s10  }
0x28: {  	s10 =	smul.u32 $0xC00, s10;
	_ =	sdelay $0x1  }
0x29: {  	s10 =	sshrl.u32 s10, $0x3  }
0x2a: {  	s10 =	sadd.s32 s3, s10  }
0x2b: {  	[tilespmem:s23], [sflag:$0x1] =	stream.linear.gather [hbm4b:s10+s2], $0xC00, $0x38;
	[tilespmem:$0x13E00] =	vst v63  }
0x2c: {  	v5 =	vld [tilespmem:$0x100];
	_ =	sdelay $0x4  }
0x2d: {  	v5 =	vnsel vm0, $0x40000000, v5  }
0x2e: {  	v5 =	vxor.u32 $0x80000000, v5  }
0x2f: {  	(xrf0) =	vmin.scan.msk.u32 $0xffff, v5;
	_ =	sdelay $0x5  }
0x30: {  	v5, _, _ =	vpop (xrf0)  }
0x31: {  	(v2sf) =	vpush v5, $0xF;
	_ =	sdelay $0xe  }
0x32: {  	s25 =	spop (v2sf)  }
0x33: {  	s10 =	sshrl.u32 s25, $0xA  }
0x34: {  	s10 =	sxor.u32 $0x200000, s10  }
0x35: {  	s10 =	smul.u32 $0xC00, s10;
	_ =	sdelay $0x1  }
0x36: {  	s10 =	sshrl.u32 s10, $0x3  }
0x37: {  	s10 =	sadd.s32 s3, s10  }
0x38: {  	[tilespmem:s26], [sflag:$0x1] =	stream.linear.gather [hbm4b:s10+s2], $0xC00, $0x38;
	[tilespmem:$0x13E00] =	vst v63  }
0x39: {  	v5 =	vld [tilespmem:$0x200];
	_ =	sdelay $0x4  }
0x3a: {  	v5 =	vnsel vm0, $0x40000000, v5  }
0x3b: {  	v5 =	vxor.u32 $0x80000000, v5  }
0x3c: {  	(xrf0) =	vmin.scan.msk.u32 $0xffff, v5;
	_ =	sdelay $0x5  }
0x3d: {  	v5, _, _ =	vpop (xrf0)  }
0x3e: {  	(v2sf) =	vpush v5, $0xF;
	_ =	sdelay $0xe  }
0x3f: {  	s11 =	spop (v2sf)  }
0x40: {  	s10 =	sshrl.u32 s11, $0xA  }
0x41: {  	s10 =	sxor.u32 $0x200000, s10  }
0x42: {  	s10 =	smul.u32 $0xC00, s10;
	_ =	sdelay $0x1  }
0x43: {  	s10 =	sshrl.u32 s10, $0x3  }
0x44: {  	s11 =	simm.s32 $0x2200;
	s10 =	sadd.s32 s3, s10  }
0x45: {  	[tilespmem:s11], [sflag:$0x1] =	stream.linear.gather [hbm4b:s10+s2], $0xC00, $0x38;
	[tilespmem:$0x13E00] =	vst v63  }
0x46: {  	v5 =	vld [tilespmem:$0x300];
	_ =	sdelay $0x4  }
0x47: {  	v5 =	vnsel vm0, $0x40000000, v5  }
0x48: {  	v5 =	vxor.u32 $0x80000000, v5  }
0x49: {  	(xrf0) =	vmin.scan.msk.u32 $0xffff, v5;
	_ =	sdelay $0x5  }
0x4a: {  	v5, _, _ =	vpop (xrf0)  }
0x4b: {  	(v2sf) =	vpush v5, $0xF;
	_ =	sdelay $0xe  }
0x4c: {  	s12 =	spop (v2sf)  }
0x4d: {  	s10 =	sshrl.u32 s12, $0xA  }
0x4e: {  	s10 =	sxor.u32 $0x200000, s10  }
0x4f: {  	s10 =	smul.u32 $0xC00, s10;
	_ =	sdelay $0x1  }
0x50: {  	s10 =	sshrl.u32 s10, $0x3  }
0x51: {  	s24 =	simm.s32 $0x2E00;
	s10 =	sadd.s32 s3, s10  }
0x52: {  	[tilespmem:s24], [sflag:$0x1] =	stream.linear.gather [hbm4b:s10+s2], $0xC00, $0x38;
	[tilespmem:$0x13E00] =	vst v63  }
0x53: {  	v5 =	vld [tilespmem:$0x400];
	_ =	sdelay $0x4  }
0x54: {  	v5 =	vnsel vm0, $0x40000000, v5  }
0x55: {  	v5 =	vxor.u32 $0x80000000, v5  }
0x56: {  	(xrf0) =	vmin.scan.msk.u32 $0xffff, v5;
	_ =	sdelay $0x5  }
0x57: {  	v5, _, _ =	vpop (xrf0)  }
0x58: {  	(v2sf) =	vpush v5, $0xF;
	_ =	sdelay $0xe  }
0x59: {  	s25 =	spop (v2sf)  }
0x5a: {  	s10 =	sshrl.u32 s25, $0xA  }
0x5b: {  	s10 =	sxor.u32 $0x200000, s10  }
0x5c: {  	s10 =	smul.u32 $0xC00, s10;
	_ =	sdelay $0x1  }
0x5d: {  	s10 =	sshrl.u32 s10, $0x3  }
0x5e: {  	s10 =	sadd.s32 s3, s10  }
0x5f: {  	[tilespmem:s28], [sflag:$0x1] =	stream.linear.gather [hbm4b:s10+s2], $0xC00, $0x38;
	[tilespmem:$0x13E00] =	vst v63  }
0x60: {  	v5 =	vld [tilespmem:$0x500];
	_ =	sdelay $0x4  }
0x61: {  	v5 =	vnsel vm0, $0x40000000, v5  }
0x62: {  	v5 =	vxor.u32 $0x80000000, v5  }
0x63: {  	(xrf0) =	vmin.scan.msk.u32 $0xffff, v5;
	_ =	sdelay $0x5  }
0x64: {  	v5, _, _ =	vpop (xrf0)  }
0x65: {  	(v2sf) =	vpush v5, $0xF;
	_ =	sdelay $0xe  }
0x66: {  	s26 =	spop (v2sf)  }
0x67: {  	s10 =	sshrl.u32 s26, $0xA  }
0x68: {  	s10 =	sxor.u32 $0x200000, s10  }
0x69: {  	s10 =	smul.u32 $0xC00, s10;
	_ =	sdelay $0x1  }
0x6a: {  	s10 =	sshrl.u32 s10, $0x3  }
0x6b: {  	s10 =	sadd.s32 s3, s10  }
0x6c: {  	[tilespmem:s29], [sflag:$0x1] =	stream.linear.gather [hbm4b:s10+s2], $0xC00, $0x38;
	[tilespmem:$0x13E00] =	vst v63  }
0x6d: {  	v5 =	vld [tilespmem:$0x600];
	_ =	sdelay $0x4  }
0x6e: {  	v5 =	vnsel vm0, $0x40000000, v5  }
0x6f: {  	v5 =	vxor.u32 $0x80000000, v5  }
0x70: {  	(xrf0) =	vmin.scan.msk.u32 $0xffff, v5;
	_ =	sdelay $0x5  }
0x71: {  	v5, _, _ =	vpop (xrf0)  }
0x72: {  	(v2sf) =	vpush v5, $0xF;
	_ =	sdelay $0xe  }
0x73: {  	s11 =	spop (v2sf)  }
0x74: {  	s10 =	sshrl.u32 s11, $0xA  }
0x75: {  	s10 =	sxor.u32 $0x200000, s10  }
0x76: {  	s10 =	smul.u32 $0xC00, s10;
	_ =	sdelay $0x1  }
0x77: {  	s10 =	sshrl.u32 s10, $0x3  }
0x78: {  	s10 =	sadd.s32 s3, s10  }
0x79: {  	[tilespmem:s30], [sflag:$0x1] =	stream.linear.gather [hbm4b:s10+s2], $0xC00, $0x38;
	[tilespmem:$0x13E00] =	vst v63  }
0x7a: {  	v5 =	vld [tilespmem:$0x700];
	_ =	sdelay $0x4  }
0x7b: {  	v5 =	vnsel vm0, $0x40000000, v5  }
0x7c: {  	v5 =	vxor.u32 $0x80000000, v5  }
0x7d: {  	(xrf0) =	vmin.scan.msk.u32 $0xffff, v5;
	_ =	sdelay $0x5  }
0x7e: {  	v5, _, _ =	vpop (xrf0)  }
0x7f: {  	(v2sf) =	vpush v5, $0xF;
	_ =	sdelay $0xe  }
0x80: {  	s12 =	spop (v2sf)  }
0x81: {  	s10 =	sshrl.u32 s12, $0xA  }
0x82: {  	s10 =	sxor.u32 $0x200000, s10  }
0x83: {  	s10 =	smul.u32 $0xC00, s10;
	_ =	sdelay $0x1  }
0x84: {  	s10 =	sshrl.u32 s10, $0x3  }
0x85: {  	s10 =	sadd.s32 s3, s10  }
0x86: {  	[tilespmem:s31], [sflag:$0x1] =	stream.linear.gather [hbm4b:s10+s2], $0xC00, $0x38;
	[tilespmem:$0x13E00] =	vst v63  }
0x87: {  	v5 =	vld [tilespmem:$0x800];
	_ =	sdelay $0x4  }
0x88: {  	v5 =	vnsel vm0, $0x40000000, v5  }
0x89: {  	v5 =	vxor.u32 $0x80000000, v5  }
0x8a: {  	(xrf0) =	vmin.scan.msk.u32 $0xffff, v5;
	_ =	sdelay $0x5  }
0x8b: {  	v5, _, _ =	vpop (xrf0)  }
0x8c: {  	(v2sf) =	vpush v5, $0xF;
	_ =	sdelay $0xe  }
0x8d: {  	s24 =	spop (v2sf)  }
0x8e: {  	s10 =	sshrl.u32 s24, $0xA  }
0x8f: {  	s10 =	sxor.u32 $0x200000, s10  }
0x90: {  	s10 =	smul.u32 $0xC00, s10;
	_ =	sdelay $0x1  }
0x91: {  	s10 =	sshrl.u32 s10, $0x3  }
0x92: {  	s10 =	sadd.s32 s3, s10  }
0x93: {  	[tilespmem:s0], [sflag:$0x1] =	stream.linear.gather [hbm4b:s10+s2], $0xC00, $0x38;
	[tilespmem:$0x13E00] =	vst v63  }
0x94: {  	v5 =	vld [tilespmem:$0x900];
	_ =	sdelay $0x4  }
0x95: {  	v5 =	vnsel vm0, $0x40000000, v5  }
0x96: {  	v5 =	vxor.u32 $0x80000000, v5  }
0x97: {  	(xrf0) =	vmin.scan.msk.u32 $0xffff, v5;
	_ =	sdelay $0x5  }
0x98: {  	v5, _, _ =	vpop (xrf0)  }
0x99: {  	(v2sf) =	vpush v5, $0xF;
	_ =	sdelay $0xe  }
0x9a: {  	s25 =	spop (v2sf)  }
0x9b: {  	s10 =	sshrl.u32 s25, $0xA  }
0x9c: {  	s10 =	sxor.u32 $0x200000, s10  }
0x9d: {  	s10 =	smul.u32 $0xC00, s10;
	_ =	sdelay $0x1  }
0x9e: {  	s10 =	sshrl.u32 s10, $0x3  }
0x9f: {  	s26 =	simm.s32 $0x7600;
	s10 =	sadd.s32 s3, s10  }
0xa0: {  	[tilespmem:s26], [sflag:$0x1] =	stream.linear.gather [hbm4b:s10+s2], $0xC00, $0x38;
	[tilespmem:$0x13E00] =	vst v63  }
0xa1: {  	_ =	swait.ge [sflag:s1], $0xC00  }
0xa2: {  	[sflag:s1] =	ssyncset.done $0x0  }
0xa3: {  	[sflag:s1] =	ssyncadd.s32 $0xFFFFF400  }
0xa4: {  	_ =	swait.ge [sflag:s1], $0xC00  }
0xa5: {  	[sflag:s1] =	ssyncset.done $0x0  }
0xa6: {  	[sflag:s1] =	ssyncadd.s32 $0xFFFFF400  }
0xa7: {  	_ =	swait.ge [sflag:s1], $0xC00  }
0xa8: {  	[sflag:s1] =	ssyncset.done $0x0  }
0xa9: {  	[sflag:s1] =	ssyncadd.s32 $0xFFFFF400  }
0xaa: {  	_ =	swait.ge [sflag:s1], $0xC00  }
0xab: {  	[sflag:s1] =	ssyncset.done $0x0  }
0xac: {  	[sflag:s1] =	ssyncadd.s32 $0xFFFFF400  }
0xad: {  	_ =	swait.ge [sflag:s1], $0xC00  }
0xae: {  	[sflag:s1] =	ssyncset.done $0x0  }
0xaf: {  	[sflag:s1] =	ssyncadd.s32 $0xFFFFF400  }
0xb0: {  	_ =	swait.ge [sflag:s1], $0xC00  }
0xb1: {  	[sflag:s1] =	ssyncset.done $0x0  }
0xb2: {  	[sflag:s1] =	ssyncadd.s32 $0xFFFFF400  }
0xb3: {  	_ =	swait.ge [sflag:s1], $0xC00  }
0xb4: {  	[sflag:s1] =	ssyncset.done $0x0  }
0xb5: {  	[sflag:s1] =	ssyncadd.s32 $0xFFFFF400  }
0xb6: {  	_ =	swait.ge [sflag:s1], $0xC00  }
0xb7: {  	[sflag:s1] =	ssyncset.done $0x0  }
0xb8: {  	[sflag:s1] =	ssyncadd.s32 $0xFFFFF400  }
0xb9: {  	_ =	swait.ge [sflag:s1], $0xC00  }
0xba: {  	[sflag:s1] =	ssyncset.done $0x0  }
0xbb: {  	[sflag:s1] =	ssyncadd.s32 $0xFFFFF400  }
0xbc: {  	_ =	swait.ge [sflag:s1], $0xC00  }
0xbd: {  	[sflag:s1] =	ssyncset.done $0x0  }
0xbe: {  	s24 =	simm.s32 $0xD600;
	s12 =	rddreg [dreg:$0x8];
	[sflag:s1] =	ssyncadd.s32 $0xFFFFF400  }
0xbf: {  	[tilespmem:s24], [sflag:$0x2] =	stream.linear.gather [hbm4b:s12+s2], $0x800, $0x38;
	[tilespmem:$0x13E00] =	vst v63  }
0xc0: {  	_ =	swait.ge [sflag:s22], $0x800  }
0xc1: {  	[sflag:s22] =	ssyncset.done $0x0  }
0xc2: {  	s26 =	simm.s32 $0xDE00;
	s25 =	rddreg [dreg:$0x9];
	[sflag:s22] =	ssyncadd.s32 $0xFFFFF800  }
0xc3: {  	[tilespmem:s26], [sflag:$0x2] =	stream.linear.gather [hbm4b:s25+s2], $0x800, $0x38;
	[tilespmem:$0x13E00] =	vst v63  }
0xc4: {  	_ =	swait.ge [sflag:s22], $0x800  }
0xc5: {  	[sflag:s22] =	ssyncset.done $0x0  }
0xc6: {  	s24 =	simm.s32 $0xE600;
	s12 =	rddreg [dreg:$0xa];
	[sflag:s22] =	ssyncadd.s32 $0xFFFFF800  }
0xc7: {  	[tilespmem:s24], [sflag:$0x2] =	stream.linear.gather [hbm4b:s12+s2], $0x800, $0x38;
	[tilespmem:$0x13E00] =	vst v63  }
0xc8: {  	_ =	swait.ge [sflag:s22], $0x800  }
0xc9: {  	[sflag:s22] =	ssyncset.done $0x0  }
0xca: {  	s26 =	simm.s32 $0xEE00;
	s25 =	rddreg [dreg:$0xb];
	[sflag:s22] =	ssyncadd.s32 $0xFFFFF800  }
0xcb: {  	[tilespmem:s26], [sflag:$0x2] =	stream.linear.gather [hbm4b:s25+s2], $0x800, $0x38;
	[tilespmem:$0x13E00] =	vst v63  }
0xcc: {  	_ =	swait.ge [sflag:s22], $0x800  }
0xcd: {  	[sflag:s22] =	ssyncset.done $0x0  }
0xce: {  	s24 =	simm.s32 $0xF600;
	s12 =	rddreg [dreg:$0xc];
	[sflag:s22] =	ssyncadd.s32 $0xFFFFF800  }
0xcf: {  	[tilespmem:s24], [sflag:$0x2] =	stream.linear.gather [hbm4b:s12+s2], $0x800, $0x38;
	[tilespmem:$0x13E00] =	vst v63  }
0xd0: {  	_ =	swait.ge [sflag:s22], $0x800  }
0xd1: {  	[sflag:s22] =	ssyncset.done $0x0  }
0xd2: {  	s26 =	simm.s32 $0xFE00;
	s25 =	rddreg [dreg:$0xd];
	[sflag:s22] =	ssyncadd.s32 $0xFFFFF800  }
0xd3: {  	[tilespmem:s26], [sflag:$0x2] =	stream.linear.gather [hbm4b:s25+s2], $0x800, $0x38;
	[tilespmem:$0x13E00] =	vst v63  }
0xd4: {  	_ =	swait.ge [sflag:s22], $0x800  }
0xd5: {  	[sflag:s22] =	ssyncset.done $0x0  }
0xd6: {  	s12 =	simm.s32 $0x10600;
	s11 =	rddreg [dreg:$0xe];
	[sflag:s22] =	ssyncadd.s32 $0xFFFFF800  }
0xd7: {  	[tilespmem:s12], [sflag:$0x2] =	stream.linear.gather [hbm4b:s11+s2], $0x800, $0x38;
	[tilespmem:$0x13E00] =	vst v63  }
0xd8: {  	_ =	swait.ge [sflag:s22], $0x800  }
0xd9: {  	[sflag:s22] =	ssyncset.done $0x0  }
0xda: {  	s24 =	simm.s32 $0x10E00;
	[sflag:s22] =	ssyncadd.s32 $0xFFFFF800  }
0xdb: {  	[tilespmem:s24], [sflag:$0x2] =	stream.linear.gather [hbm4b:s13+s2], $0x800, $0x38;
	[tilespmem:$0x13E00] =	vst v63  }
0xdc: {  	_ =	swait.ge [sflag:s22], $0x800  }
0xdd: {  	s25 =	simm.s32 $0x100;
	[sflag:s22] =	ssyncset.done $0x0  }
0xde: {  	s26 =	simm.s32 $0x11600;
	v5 =	vor.u32 s25, v0;
	[sflag:s22] =	ssyncadd.s32 $0xFFFFF800  }
0xdf: {  	[tilespmem:s26], [sflag:$0x2] =	stream.linear.gather [hbm4b:s14+s2], $0x800, $0x38;
	[tilespmem:$0x13E00] =	vst v63  }
0xe0: {  	_ =	swait.ge [sflag:s22], $0x800  }
0xe1: {  	[sflag:s22] =	ssyncset.done $0x0  }
0xe2: {  	[sflag:s22] =	ssyncadd.s32 $0xFFFFF800  }
0xe3: {  	v5 =	vld.idx.msk [tilespmem:v5+s2+$0x0], $0xffff;
	_ =	sdelay $0x3  }
0xe4: {  	v6 =	vmov s25  }
0xe5: {  	v6 =	vshrl.u32 v6, $0x8;
	v5 =	vand.u32 $0x3FF, v5  }
0xe6: {  	v6 =	vmul.u32 $0xC00, v6;
	v5 =	vmul.u32 $0x3, v5;
	_ =	sdelay $0x1  }
0xe7: {  	v5 =	vadd.s32 v6, v5  }
0xe8: {  	v7 =	vmov s2;
	v6 =	vadd.s32 $0x1, v5  }
0xe9: {  	v7 =	vmul.u32 $0x3, v7;
	v9 =	vadd.s32 $0x2, v5;
	_ =	sdelay $0x1  }
0xea: {  	v10 =	vbroadcast v7, $0x0  }
0xeb: {  	v5 =	vld.idx.msk [tilespmem:v5+s23+$0x0], $0xffff  }
0xec: {  	v8 =	vadd.s32 v1, v10;
	v6 =	vld.idx.msk [tilespmem:v6+s23+$0x0], $0xffff  }
0xed: {  	v7 =	vld.idx.msk [tilespmem:v9+s23+$0x0], $0xffff;
	v9 =	vadd.s32 v2, v10  }
0xee: {  	s12 =	simm.s32 $0x110;
	v10 =	vadd.s32 v3, v10  }
0xef: {  	s10 =	simm.s32 $0x10;
	s11 =	simm.s32 $0x20;
	v11 =	vor.u32 s12, v0  }
.LBB2_2:
0xf0: {  	p0 =	sne.s32 s11, $0x7F0  }
0xf1: {  	[tilespmem:v8+s5+$0x0] =	vst.idx.msk $0xffff, v5  }
0xf2: {  	[tilespmem:v9+s5+$0x0] =	vst.idx.msk $0xffff, v6  }
0xf3: {  	[tilespmem:v10+s5+$0x0] =	vst.idx.msk $0xffff, v7  }
0xf4: {  	v5 =	vld.idx.msk [tilespmem:v11+s2+$0x0], $0xffff;
	_ =	sdelay $0x4  }
0xf5: {  	v6 =	vmov s12  }
0xf6: {  	v6 =	vshrl.u32 v6, $0x8;
	v5 =	vand.u32 $0x3FF, v5  }
0xf7: {  	v6 =	vmul.u32 $0xC00, v6;
	v5 =	vmul.u32 $0x3, v5;
	_ =	sdelay $0x1  }
0xf8: {  	v5 =	vadd.s32 v6, v5  }
0xf9: {  	v7 =	vmov s10;
	s10 =	smov.u32 s11;
	v6 =	vadd.s32 $0x1, v5  }
0xfa: {  	v7 =	vmul.u32 $0x3, v7;
	v9 =	vadd.s32 $0x2, v5;
	_ =	sdelay $0x1  }
0xfb: {  	v10 =	vbroadcast v7, $0x0  }
.Ltmp0:
0xfc: {  	v5 =	vld.idx.msk [tilespmem:v5+s23+$0x0], $0xffff;
	(pc) =	sbr.rel @p0 .LBB2_2-.Ltmp0, $4  }
0xfd: {  	v8 =	vadd.s32 v1, v10;
	v6 =	vld.idx.msk [tilespmem:v6+s23+$0x0], $0xffff  }
0xfe: {  	v7 =	vld.idx.msk [tilespmem:v9+s23+$0x0], $0xffff;
	v9 =	vadd.s32 v2, v10  }
0xff: {  	s12 =	sadd.s32 $0x100, s11;
	v10 =	vadd.s32 v3, v10  }
0x100: {  	s11 =	sadd.s32 $0x10, s11;
	v11 =	vor.u32 s12, v0  }
0x101: {  	_ =	sdelay $0x3  }
0x102: {  	[tilespmem:v8+s5+$0x0] =	vst.idx.msk $0xffff, v5  }
0x103: {  	[tilespmem:v9+s5+$0x0] =	vst.idx.msk $0xffff, v6  }
0x104: {  	[tilespmem:v10+s5+$0x0] =	vst.idx.msk $0xffff, v7  }
0x105: {  	v5 =	vld.idx.msk [tilespmem:v11+s2+$0x0], $0xffff;
	_ =	sdelay $0x3  }
0x106: {  	v6 =	vmov s12  }
0x107: {  	v6 =	vshrl.u32 v6, $0x8;
	v5 =	vand.u32 $0x3FF, v5  }
0x108: {  	v6 =	vmul.u32 $0xC00, v6;
	v5 =	vmul.u32 $0x3, v5;
	_ =	sdelay $0x1  }
0x109: {  	v5 =	vadd.s32 v6, v5;
	v6 =	vmov s10  }
0x10a: {  	v7 =	vadd.s32 $0x1, v5;
	v6 =	vmul.u32 $0x3, v6  }
0x10b: {  	v61 =	vadd.s32 $0x2, v5  }
0x10c: {  	v6 =	vbroadcast v6, $0x0;
	_ =	sdelay $0x1  }
0x10d: {  	v5 =	vld.idx.msk [tilespmem:v5+s23+$0x0], $0xffff;
	v62 =	vadd.s32 v1, v6  }
0x10e: {  	v63 =	vadd.s32 v2, v6;
	v7 =	vld.idx.msk [tilespmem:v7+s23+$0x0], $0xffff  }
0x10f: {  	v6 =	vadd.s32 v3, v6;
	v8 =	vld.idx.msk [tilespmem:v61+s23+$0x0], $0xffff;
	_ =	sdelay $0x2  }
0x110: {  	[tilespmem:v62+s5+$0x0] =	vst.idx.msk $0xffff, v5  }
0x111: {  	[tilespmem:v63+s5+$0x0] =	vst.idx.msk $0xffff, v7  }
0x112: {  	s10 =	simm.s32 $0x0;
	[tilespmem:v6+s5+$0x0] =	vst.idx.msk $0xffff, v8  }
0x113: {  	[hbm4b:s15+s10] =	stream.linear.scatter [tilespmem:s5], [sflag:$0x2], $0x1800, $0x38;
	[tilespmem:$0x13E00] =	vst v63  }
0x114: {  	_ =	swait.ge [sflag:s22], $0x1800  }
0x115: {  	[sflag:s22] =	ssyncset.done $0x0  }
0x116: {  	s11 =	simm.s32 $0x0;
	[sflag:s22] =	ssyncadd.s32 $0xFFFFE800  }
.LBB2_4:
0x117: {  	s24 =	sshrl.u32 s11, $0x4  }
0x118: {  	s25 =	sand.u32 $0xF0, s10;
	s12 =	sshll.u32 s24, $0x8  }
0x119: {  	s12 =	sor.u32 s25, s12  }
0x11a: {  	v5 =	vor.u32 s12, v0  }
0x11b: {  	s26 =	sor.u32 $0x1, s12  }
0x11c: {  	v6 =	vadd.s32 s26, v0;
	_ =	sdelay $0x1  }
0x11d: {  	s26 =	sadd.s32 $0x101, s12  }
0x11e: {  	v7 =	vadd.s32 s26, v0;
	v5 =	vld.idx.msk [tilespmem:v5+s2+$0x0], $0xffff  }
0x11f: {  	v7 =	vmin.u32 v7, $0x9FF  }
0x120: {  	v8 =	vld.idx.msk [tilespmem:v6+s2+$0x0], $0xffff  }
0x121: {  	v9 =	vmov s12;
	s12 =	sadd.s32 $0x100, s12  }
0x122: {  	v10 =	vor.u32 s12, v0  }
0x123: {  	v9 =	vshrl.u32 v9, $0x8;
	v5 =	vand.u32 $0x3FF, v5  }
0x124: {  	v9 =	vmul.u32 $0xC00, v9;
	v11 =	vld.idx.msk [tilespmem:v7+s2+$0x0], $0xffff;
	v5 =	vmul.u32 $0x3, v5  }
0x125: {  	v6 =	vshrl.u32 v6, $0x8;
	v8 =	vand.u32 $0x3FF, v8  }
0x126: {  	v6 =	vmul.u32 $0xC00, v6;
	v8 =	vmul.u32 $0x3, v8;
	v5 =	vadd.s32 v9, v5  }
0x127: {  	v39 =	vld.idx.msk [tilespmem:v10+s2+$0x0], $0xffff;
	v9 =	vadd.s32 $0x1, v5  }
0x128: {  	v6 =	vadd.s32 v6, v8  }
0x129: {  	v7 =	vshrl.u32 v7, $0x8;
	v11 =	vand.u32 $0x3FF, v11;
	v12 =	vadd.s32 $0x2, v5  }
0x12a: {  	v7 =	vmul.u32 $0xC00, v7;
	v11 =	vmul.u32 $0x3, v11;
	v40 =	vadd.s32 $0x1, v6  }
0x12b: {  	v14 =	vmov s12;
	v13 =	vadd.s32 $0x2, v6;
	v5 =	vld.idx.msk [tilespmem:v5+s23+$0x0], $0xffff  }
0x12c: {  	v41 =	vshrl.u32 v14, $0x8;
	v8 =	vand.u32 $0x3FF, v39;
	v7 =	vadd.s32 v7, v11;
	v9 =	vld.idx.msk [tilespmem:v9+s23+$0x0], $0xffff  }
0x12d: {  	v8 =	vmul.u32 $0x3, v8;
	v11 =	vmul.u32 $0xC00, v41;
	v42 =	vadd.s32 $0x1, v7;
	v6 =	vld.idx.msk [tilespmem:v6+s23+$0x0], $0xffff  }
0x12e: {  	v15 =	vadd.s32 $0x2, v7;
	v12 =	vld.idx.msk [tilespmem:v12+s23+$0x0], $0xffff  }
0x12f: {  	v8 =	vadd.s32 v11, v8;
	v10 =	vld.idx.msk [tilespmem:v40+s23+$0x0], $0xffff  }
0x130: {  	v13 =	vld.idx.msk [tilespmem:v13+s23+$0x0], $0xffff  }
0x131: {  	v11 =	vadd.s32 $0x1, v8;
	v7 =	vld.idx.msk [tilespmem:v7+s23+$0x0], $0xffff  }
0x132: {  	p1 =	sgt.u32 s11, $0xF;
	vm4 =	vmmov vm1;
	s12 =	sadd.s32 s16, s24;
	v16 =	vadd.s32 $0x2, v8;
	v14 =	vld.idx.msk [tilespmem:v42+s23+$0x0], $0xffff  }
0x133: {  	vm3 =	vmmov vm1;
	v30 =	vor.u32 s25, v0;
	vm4 =	vmneg @p1 vm4;
	s26 =	sshll.u32 s24, $0xA;
	p0 =	slt.s32 s12, $0xFF;
	v15 =	vld.idx.msk [tilespmem:v15+s23+$0x0], $0xffff  }
0x134: {  	v32 =	vshll.u32 v30, $0x2;
	v35 =	vmov s26;
	vm3 =	vmneg @p0 vm3;
	v8 =	vld.idx.msk [tilespmem:v8+s23+$0x0], $0xffff  }
0x135: {  	p6 =	seq.s32 s12, $0xFF;
	vm13 =	vmand vm3, vm4;
	v17 =	vsub.f32 v6, v5;
	v18 =	vsub.f32 v10, v9  }
0x136: {  	v39 =	vor.u32 s26, v32;
	v41 =	vpsel p6, v30, v32;
	v11 =	vld.idx.msk [tilespmem:v11+s23+$0x0], $0xffff;
	v19 =	vsub.f32 v13, v12  }
0x137: {  	v16 =	vld.idx.msk [tilespmem:v16+s23+$0x0], $0xffff;
	v20 =	vmul.f32 v17, v17;
	v7 =	vsub.f32 v7, v5;
	v21 =	vmul.f32 v18, v18  }
0x138: {  	v43 =	vmul.f32 v19, v19;
	v14 =	vsub.f32 v14, v9;
	v15 =	vsub.f32 v15, v12  }
0x139: {  	v5 =	vsub.f32 v8, v5;
	v44 =	vmul.f32 v7, v7;
	v6 =	vsub.f32 v8, v6  }
0x13a: {  	v20 =	vadd.f32 v21, v20;
	v22 =	vmul.f32 v14, v14;
	v47 =	vmul.f32 v15, v15  }
0x13b: {  	v9 =	vsub.f32 v11, v9;
	v33 =	vmul.f32 v15, v18;
	v34 =	vmul.f32 v14, v19  }
0x13c: {  	v12 =	vsub.f32 v16, v12;
	v19 =	vmul.f32 v7, v19;
	v36 =	vmul.f32 v15, v17  }
0x13d: {  	v45 =	vsub.f32 v11, v10;
	v17 =	vmul.f32 v14, v17;
	v18 =	vmul.f32 v7, v18  }
0x13e: {  	v50 =	vsub.f32 v16, v13;
	v23 =	vmul.f32 v5, v5;
	v6 =	vmul.f32 v6, v6  }
0x13f: {  	v13 =	vor.u32 $0x3, v32;
	v24 =	vmul.f32 v9, v9;
	v48 =	vmul.f32 v12, v12  }
0x140: {  	v46 =	vadd.f32 v22, v44;
	v8 =	vmul.f32 v45, v45;
	v52 =	vmul.f32 v50, v50  }
0x141: {  	v20 =	vadd.f32 v43, v20;
	v37 =	vmul.f32 v12, v14;
	v38 =	vmul.f32 v9, v15  }
0x142: {  	v19 =	vsub.f32 v19, v36;
	v15 =	vmul.f32 v5, v15;
	v10 =	vadd.f32 v47, v46  }
0x143: {  	v12 =	vmul.f32 v12, v7;
	v53 =	vshra.s32 v20, $0x1;
	v54 =	vmul.f32 $5.000000000e-01, v20  }
0x144: {  	v11 =	vsub.s32 $0x5F3759DF, v53;
	v55 =	vshra.s32 v10, $0x1;
	v56 =	vmul.f32 $5.000000000e-01, v10  }
0x145: {  	v7 =	vmul.f32 v9, v7;
	v57 =	vmul.f32 v11, v54;
	v21 =	vsub.s32 $0x5F3759DF, v55  }
0x146: {  	v5 =	vmul.f32 v5, v14;
	v42 =	vsub.f32 v17, v18;
	v58 =	vmul.f32 v21, v56  }
0x147: {  	s26 =	sadd.s32 $0xFFFFFFFF, s24;
	v50 =	vor.u32 $0x2, v32;
	v6 =	vadd.f32 v8, v6;
	v8 =	vmul.f32 v11, v57  }
0x148: {  	s24 =	smul.u32 $0x3FD, s26;
	v49 =	vadd.f32 v24, v23;
	v12 =	vsub.f32 v15, v12;
	v23 =	vmul.f32 v21, v58  }
0x149: {  	v44 =	vmul.f32 v19, v19;
	v5 =	vsub.f32 v7, v5;
	v8 =	vsub.f32 $1.500000000e+00, v8  }
0x14a: {  	v15 =	vadd.s32 s24, v41;
	v51 =	vadd.f32 v48, v49;
	v23 =	vsub.f32 $1.500000000e+00, v23  }
0x14b: {  	v9 =	vmul.f32 v42, v42;
	v6 =	vadd.f32 v52, v6;
	v8 =	vmul.f32 v11, v8  }
0x14c: {  	v46 =	vand.u32 $0x3F80, v35;
	v59 =	vshra.s32 v51, $0x1;
	v21 =	vmul.f32 v21, v23  }
0x14d: {  	v25 =	vmul.f32 $5.000000000e-01, v51;
	v26 =	vshra.s32 v6, $0x1;
	v16 =	vmul.f32 v8, v54  }
0x14e: {  	v27 =	vmul.f32 $5.000000000e-01, v6;
	v24 =	vsub.s32 $0x5F3759DF, v59;
	v22 =	vmul.f32 v21, v56  }
0x14f: {  	v26 =	vsub.s32 $0x5F3759DF, v26;
	v28 =	vmul.f32 v24, v25;
	v16 =	vmul.f32 v16, v8  }
0x150: {  	v47 =	vor.u32 $0x1, v32;
	v29 =	vmul.f32 v26, v27;
	v22 =	vmul.f32 v22, v21  }
0x151: {  	vm6 =	vgt.s32 v15, $0x0;
	v12 =	vmul.f32 v12, v12;
	v16 =	vsub.f32 $1.500000000e+00, v16  }
0x152: {  	v28 =	vmul.f32 v24, v28;
	v29 =	vmul.f32 v26, v29;
	v22 =	vsub.f32 $1.500000000e+00, v22  }
0x153: {  	v5 =	vmul.f32 v5, v5;
	v45 =	vnsel vm6, $0x0, v15;
	v8 =	vmul.f32 v16, v8  }
0x154: {  	v60 =	vsub.f32 $1.500000000e+00, v28;
	v61 =	vsub.f32 $1.500000000e+00, v29;
	v21 =	vmul.f32 v22, v21  }
0x155: {  	v29 =	vmov s25;
	v8 =	vmul.f32 v8, v20;
	v20 =	vsub.f32 v33, v34  }
0x156: {  	vm5 =	vne.s32 v29, v4;
	v10 =	vmul.f32 v21, v10;
	v21 =	vsub.f32 v37, v38  }
0x157: {  	vm7 =	veq.s32 v29, v4;
	v11 =	vmul.f32 v24, v60;
	v43 =	vmul.f32 v20, v20  }
0x158: {  	v23 =	vmul.f32 v26, v61;
	vm2 =	vmand vm3, vm5;
	v7 =	vmul.f32 v21, v21  }
0x159: {  	v15 =	vsel vm7, $0x3FC, v47;
	v24 =	vmul.f32 v11, v25;
	v14 =	vadd.f32 v44, v43  }
0x15a: {  	v19 =	vsel vm7, $0x3FC, v50;
	v13 =	vsel vm7, $0x3FC, v13;
	v7 =	vadd.f32 v12, v7  }
0x15b: {  	v15 =	vadd.s32 s24, v15;
	v24 =	vmul.f32 v24, v11;
	v9 =	vadd.f32 v14, v9  }
0x15c: {  	v19 =	vadd.s32 s24, v19;
	vm3 =	vmand vm4, vm2;
	v5 =	vadd.f32 v7, v5  }
0x15d: {  	v13 =	vadd.s32 s24, v13;
	v63 =	vsub.f32 $1.500000000e+00, v24;
	v9 =	vadd.f32 $9.999999820e-14, v9  }
0x15e: {  	v62 =	vmul.f32 v23, v27;
	vm11 =	vgt.s32 v15, $0x0;
	v5 =	vadd.f32 $9.999999820e-14, v5  }
0x15f: {  	v11 =	vmul.f32 v63, v11;
	v48 =	vmul.f32 $5.000000000e-01, v9;
	v9 =	vshra.s32 v9, $0x1  }
0x160: {  	v9 =	vsub.s32 $0x5F3759DF, v9;
	v49 =	vmul.f32 $5.000000000e-01, v5;
	v5 =	vshra.s32 v5, $0x1  }
0x161: {  	v11 =	vmul.f32 v11, v51;
	v51 =	vmul.f32 v9, v48;
	v5 =	vsub.s32 $0x5F3759DF, v5  }
0x162: {  	vm12 =	vgt.s32 v19, $0x0;
	vm14 =	vgt.s32 v13, $0x0;
	v52 =	vmul.f32 v5, v49  }
0x163: {  	v15 =	vnsel vm11, $0x0, v15;
	v19 =	vnsel vm12, $0x0, v19;
	v20 =	vmul.f32 v9, v51  }
0x164: {  	v57 =	vnsel vm14, $0x0, v13;
	v25 =	vmul.f32 v62, v23;
	v21 =	vmul.f32 v5, v52  }
0x165: {  	v15 =	vmin.u32 v15, $0x1FE7;
	v19 =	vmin.u32 v19, $0x1FE7;
	v20 =	vsub.f32 $1.500000000e+00, v20  }
0x166: {  	v40 =	vnsel vm5, $0x0, v8;
	vm5 =	vmand vm4, vm5;
	v21 =	vsub.f32 $1.500000000e+00, v21  }
0x167: {  	s12 =	smul.u32 $0x1FE, s26;
	v12 =	vmin.u32 v45, $0x1FE7;
	v14 =	vor.u32 v46, v32;
	v9 =	vmul.f32 v9, v20  }
0x168: {  	v16 =	vshll.u32 v30, $0x1;
	v53 =	vor.u32 $0x1, v14;
	v5 =	vmul.f32 v5, v21  }
0x169: {  	v16 =	vadd.s32 s12, v16;
	v28 =	vsub.f32 $1.500000000e+00, v25;
	v55 =	vmul.f32 v9, v48  }
0x16a: {  	vm15 =	vgt.s32 v16, $0x0;
	v54 =	vor.u32 $0x2, v14;
	v56 =	vmul.f32 v5, v49  }
0x16b: {  	v60 =	vnsel vm15, $0x0, v16;
	v31 =	vmul.f32 v28, v23;
	[tilespmem:v39+s6+$0x0] =	vst.idx.msk $0xffff, v40;
	v21 =	vmul.f32 v55, v9  }
0x16c: {  	v14 =	vor.u32 $0x3, v14;
	v7 =	vnsel vm2, $0x0, v10;
	[tilespmem:v12+s7+$0x0] =	vst.idx.msk vm5, v8;
	v58 =	vmul.f32 v56, v5  }
0x16d: {  	v13 =	vmin.u32 v60, $0xFEE;
	[tilespmem:v53+s6+$0x0] =	vst.idx.msk $0xffff, v7;
	v7 =	vmin.u32 v57, $0x1FE7;
	v59 =	vsub.f32 $1.500000000e+00, v21  }
0x16e: {  	v6 =	vmul.f32 v31, v6;
	v61 =	vpsel !p0, $0x0, v11;
	[tilespmem:v15+s7+$0x0] =	vst.idx.msk vm3, v10;
	v12 =	vsub.f32 $1.500000000e+00, v58  }
0x16f: {  	v62 =	vor.u32 $0x1, v13;
	p0 =	sne.s32 s11, $0x8F;
	[tilespmem:v54+s6+$0x0] =	vst.idx.msk $0xffff, v61;
	v8 =	vmul.f32 v59, v9  }
.Ltmp1:
0x170: {  	v63 =	vnsel vm2, $0x0, v6;
	[tilespmem:v19+s7+$0x0] =	vst.idx.msk vm13, v11;
	v5 =	vmul.f32 v12, v5;
	(pc) =	sbr.rel @p0 .LBB2_4-.Ltmp1, $4  }
0x171: {  	[tilespmem:v14+s6+$0x0] =	vst.idx.msk $0xffff, v63;
	v8 =	vmul.f32 v8, v48  }
0x172: {  	[tilespmem:v7+s7+$0x0] =	vst.idx.msk vm3, v6;
	v5 =	vmul.f32 v5, v49  }
0x173: {  	[tilespmem:v13+s8+$0x0] =	vst.idx.msk vm3, v8  }
0x174: {  	s10 =	sadd.s32 $0x10, s10;
	s11 =	sadd.s32 $0x1, s11;
	[tilespmem:v62+s8+$0x0] =	vst.idx.msk vm3, v5  }
0x175: {  	v5 =	vld [tilespmem:$0x100];
	_ =	sdelay $0x4  }
0x176: {  	v5 =	vnsel vm0, $0x40000000, v5  }
0x177: {  	v5 =	vxor.u32 $0x80000000, v5  }
0x178: {  	(xrf0) =	vmin.scan.msk.u32 $0xffff, v5;
	_ =	sdelay $0x5  }
0x179: {  	v5, _, _ =	vpop (xrf0)  }
0x17a: {  	(v2sf) =	vpush v5, $0xF;
	_ =	sdelay $0xe  }
0x17b: {  	s10 =	spop (v2sf)  }
0x17c: {  	s10 =	sshrl.u32 s10, $0xA  }
0x17d: {  	s10 =	sxor.u32 $0x200000, s10  }
0x17e: {  	s10 =	smul.u32 $0xC00, s10;
	_ =	sdelay $0x1  }
0x17f: {  	s10 =	sshrl.u32 s10, $0x3  }
0x180: {  	s26 =	simm.s32 $0x1600;
	s11 =	sadd.s32 s4, s10;
	s10 =	simm.s32 $0x0  }
0x181: {  	[tilespmem:s26], [sflag:$0x1] =	stream.linear.gather [hbm4b:s11+s10], $0xC00, $0x38;
	[tilespmem:$0x13E00] =	vst v63  }
0x182: {  	v5 =	vld [tilespmem:$0x200];
	_ =	sdelay $0x4  }
0x183: {  	v5 =	vnsel vm0, $0x40000000, v5  }
0x184: {  	v5 =	vxor.u32 $0x80000000, v5  }
0x185: {  	(xrf0) =	vmin.scan.msk.u32 $0xffff, v5;
	_ =	sdelay $0x5  }
0x186: {  	v5, _, _ =	vpop (xrf0)  }
0x187: {  	(v2sf) =	vpush v5, $0xF;
	_ =	sdelay $0xe  }
0x188: {  	s12 =	spop (v2sf)  }
0x189: {  	s11 =	sshrl.u32 s12, $0xA  }
0x18a: {  	s11 =	sxor.u32 $0x200000, s11  }
0x18b: {  	s11 =	smul.u32 $0xC00, s11;
	_ =	sdelay $0x1  }
0x18c: {  	s11 =	sshrl.u32 s11, $0x3  }
0x18d: {  	s12 =	simm.s32 $0x2200;
	s11 =	sadd.s32 s4, s11  }
0x18e: {  	[tilespmem:s12], [sflag:$0x1] =	stream.linear.gather [hbm4b:s11+s10], $0xC00, $0x38;
	[tilespmem:$0x13E00] =	vst v63  }
0x18f: {  	v5 =	vld [tilespmem:$0x300];
	_ =	sdelay $0x4  }
0x190: {  	v5 =	vnsel vm0, $0x40000000, v5  }
0x191: {  	v5 =	vxor.u32 $0x80000000, v5  }
0x192: {  	(xrf0) =	vmin.scan.msk.u32 $0xffff, v5;
	_ =	sdelay $0x5  }
0x193: {  	v5, _, _ =	vpop (xrf0)  }
0x194: {  	(v2sf) =	vpush v5, $0xF;
	_ =	sdelay $0xe  }
0x195: {  	s24 =	spop (v2sf)  }
0x196: {  	s11 =	sshrl.u32 s24, $0xA  }
0x197: {  	s11 =	sxor.u32 $0x200000, s11  }
0x198: {  	s11 =	smul.u32 $0xC00, s11;
	_ =	sdelay $0x1  }
0x199: {  	s11 =	sshrl.u32 s11, $0x3  }
0x19a: {  	s25 =	simm.s32 $0x2E00;
	s11 =	sadd.s32 s4, s11  }
0x19b: {  	[tilespmem:s25], [sflag:$0x1] =	stream.linear.gather [hbm4b:s11+s10], $0xC00, $0x38;
	[tilespmem:$0x13E00] =	vst v63  }
0x19c: {  	v5 =	vld [tilespmem:$0x400];
	_ =	sdelay $0x4  }
0x19d: {  	v5 =	vnsel vm0, $0x40000000, v5  }
0x19e: {  	v5 =	vxor.u32 $0x80000000, v5  }
0x19f: {  	(xrf0) =	vmin.scan.msk.u32 $0xffff, v5;
	_ =	sdelay $0x5  }
0x1a0: {  	v5, _, _ =	vpop (xrf0)  }
0x1a1: {  	(v2sf) =	vpush v5, $0xF;
	_ =	sdelay $0xe  }
0x1a2: {  	s12 =	spop (v2sf)  }
0x1a3: {  	s11 =	sshrl.u32 s12, $0xA  }
0x1a4: {  	s11 =	sxor.u32 $0x200000, s11  }
0x1a5: {  	s11 =	smul.u32 $0xC00, s11;
	_ =	sdelay $0x1  }
0x1a6: {  	s11 =	sshrl.u32 s11, $0x3  }
0x1a7: {  	s11 =	sadd.s32 s4, s11  }
0x1a8: {  	[tilespmem:s28], [sflag:$0x1] =	stream.linear.gather [hbm4b:s11+s10], $0xC00, $0x38;
	[tilespmem:$0x13E00] =	vst v63  }
0x1a9: {  	v5 =	vld [tilespmem:$0x500];
	_ =	sdelay $0x4  }
0x1aa: {  	v5 =	vnsel vm0, $0x40000000, v5  }
0x1ab: {  	v5 =	vxor.u32 $0x80000000, v5  }
0x1ac: {  	(xrf0) =	vmin.scan.msk.u32 $0xffff, v5;
	_ =	sdelay $0x5  }
0x1ad: {  	v5, _, _ =	vpop (xrf0)  }
0x1ae: {  	(v2sf) =	vpush v5, $0xF;
	_ =	sdelay $0xe  }
0x1af: {  	s24 =	spop (v2sf)  }
0x1b0: {  	s11 =	sshrl.u32 s24, $0xA  }
0x1b1: {  	s11 =	sxor.u32 $0x200000, s11  }
0x1b2: {  	s11 =	smul.u32 $0xC00, s11;
	_ =	sdelay $0x1  }
0x1b3: {  	s11 =	sshrl.u32 s11, $0x3  }
0x1b4: {  	s11 =	sadd.s32 s4, s11  }
0x1b5: {  	[tilespmem:s29], [sflag:$0x1] =	stream.linear.gather [hbm4b:s11+s10], $0xC00, $0x38;
	[tilespmem:$0x13E00] =	vst v63  }
0x1b6: {  	v5 =	vld [tilespmem:$0x600];
	_ =	sdelay $0x4  }
0x1b7: {  	v5 =	vnsel vm0, $0x40000000, v5  }
0x1b8: {  	v5 =	vxor.u32 $0x80000000, v5  }
0x1b9: {  	(xrf0) =	vmin.scan.msk.u32 $0xffff, v5;
	_ =	sdelay $0x5  }
0x1ba: {  	v5, _, _ =	vpop (xrf0)  }
0x1bb: {  	(v2sf) =	vpush v5, $0xF;
	_ =	sdelay $0xe  }
0x1bc: {  	s25 =	spop (v2sf)  }
0x1bd: {  	s11 =	sshrl.u32 s25, $0xA  }
0x1be: {  	s11 =	sxor.u32 $0x200000, s11  }
0x1bf: {  	s11 =	smul.u32 $0xC00, s11;
	_ =	sdelay $0x1  }
0x1c0: {  	s11 =	sshrl.u32 s11, $0x3  }
0x1c1: {  	s11 =	sadd.s32 s4, s11  }
0x1c2: {  	[tilespmem:s30], [sflag:$0x1] =	stream.linear.gather [hbm4b:s11+s10], $0xC00, $0x38;
	[tilespmem:$0x13E00] =	vst v63  }
0x1c3: {  	v5 =	vld [tilespmem:$0x700];
	_ =	sdelay $0x4  }
0x1c4: {  	v5 =	vnsel vm0, $0x40000000, v5  }
0x1c5: {  	v5 =	vxor.u32 $0x80000000, v5  }
0x1c6: {  	(xrf0) =	vmin.scan.msk.u32 $0xffff, v5;
	_ =	sdelay $0x5  }
0x1c7: {  	v5, _, _ =	vpop (xrf0)  }
0x1c8: {  	(v2sf) =	vpush v5, $0xF;
	_ =	sdelay $0xe  }
0x1c9: {  	s12 =	spop (v2sf)  }
0x1ca: {  	s11 =	sshrl.u32 s12, $0xA  }
0x1cb: {  	s11 =	sxor.u32 $0x200000, s11  }
0x1cc: {  	s11 =	smul.u32 $0xC00, s11;
	_ =	sdelay $0x1  }
0x1cd: {  	s11 =	sshrl.u32 s11, $0x3  }
0x1ce: {  	s11 =	sadd.s32 s4, s11  }
0x1cf: {  	[tilespmem:s31], [sflag:$0x1] =	stream.linear.gather [hbm4b:s11+s10], $0xC00, $0x38;
	[tilespmem:$0x13E00] =	vst v63  }
0x1d0: {  	v5 =	vld [tilespmem:$0x800];
	_ =	sdelay $0x4  }
0x1d1: {  	v5 =	vnsel vm0, $0x40000000, v5  }
0x1d2: {  	v5 =	vxor.u32 $0x80000000, v5  }
0x1d3: {  	(xrf0) =	vmin.scan.msk.u32 $0xffff, v5;
	_ =	sdelay $0x5  }
0x1d4: {  	v5, _, _ =	vpop (xrf0)  }
0x1d5: {  	(v2sf) =	vpush v5, $0xF;
	_ =	sdelay $0xe  }
0x1d6: {  	s24 =	spop (v2sf)  }
0x1d7: {  	s11 =	sshrl.u32 s24, $0xA  }
0x1d8: {  	s11 =	sxor.u32 $0x200000, s11  }
0x1d9: {  	s11 =	smul.u32 $0xC00, s11;
	_ =	sdelay $0x1  }
0x1da: {  	s11 =	sshrl.u32 s11, $0x3  }
0x1db: {  	s11 =	sadd.s32 s4, s11  }
0x1dc: {  	[tilespmem:s0], [sflag:$0x1] =	stream.linear.gather [hbm4b:s11+s10], $0xC00, $0x38;
	[tilespmem:$0x13E00] =	vst v63  }
0x1dd: {  	_ =	swait.ge [sflag:s1], $0xC00  }
0x1de: {  	[sflag:s1] =	ssyncset.done $0x0  }
0x1df: {  	[sflag:s1] =	ssyncadd.s32 $0xFFFFF400  }
0x1e0: {  	_ =	swait.ge [sflag:s1], $0xC00  }
0x1e1: {  	[sflag:s1] =	ssyncset.done $0x0  }
0x1e2: {  	[sflag:s1] =	ssyncadd.s32 $0xFFFFF400  }
0x1e3: {  	_ =	swait.ge [sflag:s1], $0xC00  }
0x1e4: {  	[sflag:s1] =	ssyncset.done $0x0  }
0x1e5: {  	[sflag:s1] =	ssyncadd.s32 $0xFFFFF400  }
0x1e6: {  	_ =	swait.ge [sflag:s1], $0xC00  }
0x1e7: {  	[sflag:s1] =	ssyncset.done $0x0  }
0x1e8: {  	[sflag:s1] =	ssyncadd.s32 $0xFFFFF400  }
0x1e9: {  	_ =	swait.ge [sflag:s1], $0xC00  }
0x1ea: {  	[sflag:s1] =	ssyncset.done $0x0  }
0x1eb: {  	[sflag:s1] =	ssyncadd.s32 $0xFFFFF400  }
0x1ec: {  	_ =	swait.ge [sflag:s1], $0xC00  }
0x1ed: {  	[sflag:s1] =	ssyncset.done $0x0  }
0x1ee: {  	[sflag:s1] =	ssyncadd.s32 $0xFFFFF400  }
0x1ef: {  	s25 =	simm.s32 $0x100;
	_ =	swait.ge [sflag:s1], $0xC00  }
0x1f0: {  	v5 =	vor.u32 s25, v0;
	[sflag:s1] =	ssyncset.done $0x0  }
0x1f1: {  	[sflag:s1] =	ssyncadd.s32 $0xFFFFF400  }
0x1f2: {  	_ =	swait.ge [sflag:s1], $0xC00  }
0x1f3: {  	[sflag:s1] =	ssyncset.done $0x0  }
0x1f4: {  	[sflag:s1] =	ssyncadd.s32 $0xFFFFF400  }
0x1f5: {  	v5 =	vld.idx.msk [tilespmem:v5+s2+$0x0], $0xffff;
	_ =	sdelay $0x3  }
0x1f6: {  	v6 =	vmov s25  }
0x1f7: {  	v6 =	vshrl.u32 v6, $0x8;
	v5 =	vand.u32 $0x3FF, v5  }
0x1f8: {  	v6 =	vmul.u32 $0xC00, v6;
	v5 =	vmul.u32 $0x3, v5;
	_ =	sdelay $0x1  }
0x1f9: {  	v5 =	vadd.s32 v6, v5  }
0x1fa: {  	v7 =	vmov s10;
	v6 =	vadd.s32 $0x1, v5  }
0x1fb: {  	v7 =	vmul.u32 $0x3, v7;
	v9 =	vadd.s32 $0x2, v5;
	_ =	sdelay $0x1  }
0x1fc: {  	v10 =	vbroadcast v7, $0x0  }
0x1fd: {  	v5 =	vld.idx.msk [tilespmem:v5+s23+$0x0], $0xffff  }
0x1fe: {  	v8 =	vadd.s32 v1, v10;
	v6 =	vld.idx.msk [tilespmem:v6+s23+$0x0], $0xffff  }
0x1ff: {  	v7 =	vld.idx.msk [tilespmem:v9+s23+$0x0], $0xffff;
	v9 =	vadd.s32 v2, v10  }
0x200: {  	s12 =	simm.s32 $0x110;
	v10 =	vadd.s32 v3, v10  }
0x201: {  	v11 =	vor.u32 s12, v0;
	s10 =	simm.s32 $0x10;
	s11 =	simm.s32 $0x20  }
.LBB2_6:
0x202: {  	p0 =	sne.s32 s11, $0x7F0  }
0x203: {  	[tilespmem:v8+s5+$0x0] =	vst.idx.msk $0xffff, v5  }
0x204: {  	[tilespmem:v9+s5+$0x0] =	vst.idx.msk $0xffff, v6  }
0x205: {  	[tilespmem:v10+s5+$0x0] =	vst.idx.msk $0xffff, v7  }
0x206: {  	v5 =	vld.idx.msk [tilespmem:v11+s2+$0x0], $0xffff;
	_ =	sdelay $0x4  }
0x207: {  	v6 =	vmov s12  }
0x208: {  	v6 =	vshrl.u32 v6, $0x8;
	v5 =	vand.u32 $0x3FF, v5  }
0x209: {  	v6 =	vmul.u32 $0xC00, v6;
	v5 =	vmul.u32 $0x3, v5;
	_ =	sdelay $0x1  }
0x20a: {  	v5 =	vadd.s32 v6, v5  }
0x20b: {  	v7 =	vmov s10;
	s10 =	smov.u32 s11;
	v6 =	vadd.s32 $0x1, v5  }
0x20c: {  	v7 =	vmul.u32 $0x3, v7;
	v9 =	vadd.s32 $0x2, v5;
	_ =	sdelay $0x1  }
0x20d: {  	v10 =	vbroadcast v7, $0x0  }
.Ltmp2:
0x20e: {  	v5 =	vld.idx.msk [tilespmem:v5+s23+$0x0], $0xffff;
	(pc) =	sbr.rel @p0 .LBB2_6-.Ltmp2, $4  }
0x20f: {  	v8 =	vadd.s32 v1, v10;
	v6 =	vld.idx.msk [tilespmem:v6+s23+$0x0], $0xffff  }
0x210: {  	v7 =	vld.idx.msk [tilespmem:v9+s23+$0x0], $0xffff;
	v9 =	vadd.s32 v2, v10  }
0x211: {  	s12 =	sadd.s32 $0x100, s11;
	v10 =	vadd.s32 v3, v10  }
0x212: {  	s11 =	sadd.s32 $0x10, s11;
	v11 =	vor.u32 s12, v0  }
0x213: {  	_ =	sdelay $0x3  }
0x214: {  	[tilespmem:v8+s5+$0x0] =	vst.idx.msk $0xffff, v5  }
0x215: {  	[tilespmem:v9+s5+$0x0] =	vst.idx.msk $0xffff, v6  }
0x216: {  	[tilespmem:v10+s5+$0x0] =	vst.idx.msk $0xffff, v7  }
0x217: {  	v5 =	vld.idx.msk [tilespmem:v11+s2+$0x0], $0xffff;
	_ =	sdelay $0x3  }
0x218: {  	v6 =	vmov s12  }
0x219: {  	v6 =	vshrl.u32 v6, $0x8;
	v5 =	vand.u32 $0x3FF, v5  }
0x21a: {  	v6 =	vmul.u32 $0xC00, v6;
	v5 =	vmul.u32 $0x3, v5;
	_ =	sdelay $0x1  }
0x21b: {  	v5 =	vadd.s32 v6, v5;
	v6 =	vmov s10  }
0x21c: {  	v7 =	vadd.s32 $0x1, v5;
	v6 =	vmul.u32 $0x3, v6  }
0x21d: {  	v56 =	vadd.s32 $0x2, v5  }
0x21e: {  	v6 =	vbroadcast v6, $0x0;
	_ =	sdelay $0x1  }
0x21f: {  	v5 =	vld.idx.msk [tilespmem:v5+s23+$0x0], $0xffff;
	v57 =	vadd.s32 v1, v6  }
0x220: {  	v58 =	vadd.s32 v2, v6;
	v7 =	vld.idx.msk [tilespmem:v7+s23+$0x0], $0xffff  }
0x221: {  	v6 =	vadd.s32 v3, v6;
	v8 =	vld.idx.msk [tilespmem:v56+s23+$0x0], $0xffff;
	_ =	sdelay $0x2  }
0x222: {  	[tilespmem:v57+s5+$0x0] =	vst.idx.msk $0xffff, v5  }
0x223: {  	[tilespmem:v58+s5+$0x0] =	vst.idx.msk $0xffff, v7  }
0x224: {  	s24 =	simm.s32 $0x0;
	[tilespmem:v6+s5+$0x0] =	vst.idx.msk $0xffff, v8  }
0x225: {  	[hbm4b:s17+s24] =	stream.linear.scatter [tilespmem:s5], [sflag:$0x2], $0x1800, $0x38;
	[tilespmem:$0x13E00] =	vst v63  }
0x226: {  	_ =	swait.ge [sflag:s22], $0x1800  }
0x227: {  	[sflag:s22] =	ssyncset.done $0x0  }
0x228: {  	s11 =	simm.s32 $0xD600;
	[sflag:s22] =	ssyncadd.s32 $0xFFFFE800  }
0x229: {  	s10 =	sand.u32 $0x7F0, s24;
	v5 =	vld [tilespmem:s11+$0x0]  }
0x22a: {  	v6 =	vld [tilespmem:s10+$0xDE00];
	_ =	sdelay $0x1  }
0x22b: {  	v7 =	vld [tilespmem:s10+$0xE600];
	_ =	sdelay $0x1  }
0x22c: {  	v59 =	vld [tilespmem:s10+$0xEE00]  }
0x22d: {  	v60 =	vld [tilespmem:s10+$0xFE00]  }
0x22e: {  	v61 =	vld [tilespmem:s10+$0xF600]  }
0x22f: {  	v5 =	vld.idx.msk [tilespmem:v5+s6+$0x0], $0xffff  }
0x230: {  	v6 =	vld.idx.msk [tilespmem:v6+s6+$0x0], $0xffff  }
0x231: {  	v62 =	vld [tilespmem:s10+$0x10600]  }
0x232: {  	v7 =	vld.idx.msk [tilespmem:v7+s6+$0x0], $0xffff  }
0x233: {  	v12 =	vld [tilespmem:s10+$0x10E00]  }
0x234: {  	v8 =	vld.idx.msk [tilespmem:v59+s6+$0x0], $0xffff  }
0x235: {  	v5 =	vadd.f32 v6, v5  }
0x236: {  	v6 =	vld.idx.msk [tilespmem:v61+s6+$0x0], $0xffff  }
0x237: {  	v5 =	vadd.f32 v7, v5  }
0x238: {  	v7 =	vld.idx.msk [tilespmem:v60+s6+$0x0], $0xffff  }
0x239: {  	v5 =	vadd.f32 v8, v5  }
0x23a: {  	v63 =	vld.idx.msk [tilespmem:v62+s6+$0x0], $0xffff  }
0x23b: {  	v5 =	vadd.f32 v6, v5  }
0x23c: {  	v6 =	vld.idx.msk [tilespmem:v12+s6+$0x0], $0xffff  }
0x23d: {  	s10 =	simm.s32 $0x11600;
	v5 =	vadd.f32 v7, v5  }
0x23e: {  	v7 =	vld [tilespmem:s10+$0x0]  }
0x23f: {  	v5 =	vadd.f32 v63, v5;
	_ =	sdelay $0x1  }
0x240: {  	v5 =	vadd.f32 v6, v5;
	_ =	sdelay $0x1  }
0x241: {  	v5 =	vmul.f32 v7, v5  }
0x242: {  	s11 =	simm.s32 $0x11E00  }
0x243: {  	s25 =	simm.s32 $0x10;
	s24 =	simm.s32 $0xD610;
	[tilespmem:s11+$0x0] =	vst v5  }
0x244: {  	s12 =	sand.u32 $0x7F0, s25;
	s25 =	simm.s32 $0x20;
	v5 =	vld [tilespmem:s24+$0x0]  }
.LBB2_8:
0x245: {  	p0 =	sne.s32 s25, $0x7F0;
	v6 =	vld [tilespmem:s12+$0xDE00];
	_ =	sdelay $0x1  }
0x246: {  	v7 =	vld [tilespmem:s12+$0xE600];
	_ =	sdelay $0x1  }
0x247: {  	v8 =	vld [tilespmem:s12+$0xEE00]  }
0x248: {  	v9 =	vld [tilespmem:s12+$0xFE00]  }
0x249: {  	v10 =	vld [tilespmem:s12+$0xF600]  }
0x24a: {  	v5 =	vld.idx.msk [tilespmem:v5+s6+$0x0], $0xffff  }
0x24b: {  	v6 =	vld.idx.msk [tilespmem:v6+s6+$0x0], $0xffff  }
0x24c: {  	v11 =	vld [tilespmem:s12+$0x10600]  }
0x24d: {  	v7 =	vld.idx.msk [tilespmem:v7+s6+$0x0], $0xffff  }
0x24e: {  	v12 =	vld [tilespmem:s12+$0x10E00]  }
0x24f: {  	v8 =	vld.idx.msk [tilespmem:v8+s6+$0x0], $0xffff;
	_ =	sdelay $0x1  }
0x250: {  	v5 =	vadd.f32 v6, v5;
	v6 =	vld.idx.msk [tilespmem:v10+s6+$0x0], $0xffff;
	_ =	sdelay $0x1  }
0x251: {  	v5 =	vadd.f32 v7, v5;
	v7 =	vld.idx.msk [tilespmem:v9+s6+$0x0], $0xffff;
	_ =	sdelay $0x1  }
0x252: {  	v5 =	vadd.f32 v8, v5;
	v8 =	vld.idx.msk [tilespmem:v11+s6+$0x0], $0xffff;
	_ =	sdelay $0x1  }
0x253: {  	v5 =	vadd.f32 v6, v5;
	v6 =	vld.idx.msk [tilespmem:v12+s6+$0x0], $0xffff;
	_ =	sdelay $0x1  }
0x254: {  	s10 =	sadd.s32 $0x10, s10;
	v5 =	vadd.f32 v7, v5  }
0x255: {  	v7 =	vld [tilespmem:s10+$0x0]  }
0x256: {  	v5 =	vadd.f32 v8, v5;
	_ =	sdelay $0x1  }
0x257: {  	v5 =	vadd.f32 v6, v5  }
.Ltmp3:
0x258: {  	(pc) =	sbr.rel @p0 .LBB2_8-.Ltmp3, $4  }
0x259: {  	v5 =	vmul.f32 v7, v5  }
0x25a: {  	s11 =	sadd.s32 $0x10, s11  }
0x25b: {  	s24 =	sadd.s32 $0x10, s24;
	[tilespmem:s11+$0x0] =	vst v5  }
0x25c: {  	s12 =	sand.u32 $0x7F0, s25;
	s25 =	sadd.s32 $0x10, s25;
	v5 =	vld [tilespmem:s24+$0x0]  }
0x25d: {  	_ = 	snop  }
0x25e: {  	v6 =	vld [tilespmem:s12+$0xDE00];
	_ =	sdelay $0x1  }
0x25f: {  	v7 =	vld [tilespmem:s12+$0xE600];
	_ =	sdelay $0x1  }
0x260: {  	v8 =	vld [tilespmem:s12+$0xEE00]  }
0x261: {  	v9 =	vld [tilespmem:s12+$0xFE00]  }
0x262: {  	v10 =	vld [tilespmem:s12+$0xF600]  }
0x263: {  	v5 =	vld.idx.msk [tilespmem:v5+s6+$0x0], $0xffff  }
0x264: {  	v6 =	vld.idx.msk [tilespmem:v6+s6+$0x0], $0xffff  }
0x265: {  	v11 =	vld [tilespmem:s12+$0x10600]  }
0x266: {  	v7 =	vld.idx.msk [tilespmem:v7+s6+$0x0], $0xffff  }
0x267: {  	v12 =	vld [tilespmem:s12+$0x10E00]  }
0x268: {  	v8 =	vld.idx.msk [tilespmem:v8+s6+$0x0], $0xffff  }
0x269: {  	v5 =	vadd.f32 v6, v5  }
0x26a: {  	v6 =	vld.idx.msk [tilespmem:v10+s6+$0x0], $0xffff  }
0x26b: {  	v5 =	vadd.f32 v7, v5  }
0x26c: {  	v7 =	vld.idx.msk [tilespmem:v9+s6+$0x0], $0xffff  }
0x26d: {  	v5 =	vadd.f32 v8, v5  }
0x26e: {  	v63 =	vld.idx.msk [tilespmem:v11+s6+$0x0], $0xffff  }
0x26f: {  	v5 =	vadd.f32 v6, v5  }
0x270: {  	v6 =	vld.idx.msk [tilespmem:v12+s6+$0x0], $0xffff  }
0x271: {  	s10 =	sadd.s32 $0x10, s10;
	v5 =	vadd.f32 v7, v5  }
0x272: {  	v7 =	vld [tilespmem:s10+$0x0]  }
0x273: {  	v5 =	vadd.f32 v63, v5;
	_ =	sdelay $0x1  }
0x274: {  	v5 =	vadd.f32 v6, v5;
	_ =	sdelay $0x1  }
0x275: {  	v5 =	vmul.f32 v7, v5  }
0x276: {  	s24 =	sadd.s32 $0x10, s11  }
0x277: {  	s25 =	simm.s32 $0x11E00;
	[tilespmem:s24+$0x0] =	vst v5  }
0x278: {  	[hbm4b:s18+s2] =	stream.linear.scatter [tilespmem:s25], [sflag:$0x2], $0x800, $0x38;
	[tilespmem:$0x13E00] =	vst v63  }
0x279: {  	_ =	swait.ge [sflag:s22], $0x800  }
0x27a: {  	[sflag:s22] =	ssyncset.done $0x0  }
0x27b: {  	[sflag:s22] =	ssyncadd.s32 $0xFFFFF800  }
0x27c: {  	[hbm4b:s19+s2] =	stream.linear.scatter [tilespmem:s7], [sflag:$0x2], $0x1FE8, $0x38;
	[tilespmem:$0x13E00] =	vst v63  }
0x27d: {  	s9 =	sadd.s32 $0x1, s9;
	_ =	swait.ge [sflag:s22], $0x1FE8  }
0x27e: {  	p0 =	sne.s32 s9, s21;
	[sflag:s22] =	ssyncset.done $0x0  }
.Ltmp4:
0x27f: {  	[sflag:s22] =	ssyncadd.s32 $0xFFFFE018;
	(pc) =	sbr.rel @p0 .LBB2_1-.Ltmp4, $4  }
0x280: {  	[hbm4b:s20+s2] =	stream.linear.scatter [tilespmem:s8], [sflag:$0x2], $0xFF0, $0x38;
	[tilespmem:$0x13E00] =	vst v63  }
0x281: {  	_ =	swait.ge [sflag:s22], $0xFF0  }
0x282: {  	[sflag:s22] =	ssyncset.done $0x0  }
0x283: {  	[sflag:s22] =	ssyncadd.s32 $0xFFFFF010  }
0x284: {  	_ =	sfence.sel $0x180000  }
0x285: {  	[bflag:$0x0] =	sbarrier.arrive $0xFFFF  }
0x286: {  	_ =	strace $0x90000047  }
0x287: {  	s0 =	stileid.u32;
	[bflag:$0x2] =	sbarrier.arrive $0xFFFF  }
0x288: {  	p0 =	sne.s32 s0, $0x0;
	s0 =	rddreg [dreg:$0x6]  }
0x289: {  	s0 =	sadd.s32 @!p0 $0x100000, s0  }
0x28a: {  	[sflag:s0] =	ssyncadd.tile.s32 @!p0 $0x1;
	_ =	shalt  }
.Lfunc_end2:
_tile_overlayer_lowered:
.L_overlay_start_2:
0x28b: {  	(tag) =	ssettag $0x2  }
0x28c: {  	s0 =	rddreg [dreg:$0x0];
	s2 =	stileid.u32  }
0x28d: {  	s1 =	rddreg [dreg:$0x1];
	p0 =	sne.s32 s2, $0x0  }
0x28e: {  	s3 =	rddreg [dreg:$0x2];
	[bflag:$0x3] =	sbarrier.arrive $0xFFFF;
	s2 =	simm.s32 @!p0 $0x1C02  }
0x28f: {  	[timem:s3], [sflag:s2] =	dma.local @!p0 [hbm:s0], s1  }
0x290: {  	s0 =	simm.s32 @!p0 $0x2  }
0x291: {  	_ =	swait.ge @!p0 [sflag:s0], s1  }
0x292: {  	s1 =	ssub.s32 @!p0 $0x0, s1;
	[sflag:s0] =	ssyncset.done @!p0 $0x0  }
0x293: {  	[sflag:s0] =	ssyncadd.s32 @!p0 s1  }
0x294: {  	[bflag:$0x3] =	sbarrier.arrive $0xFFFF  }
0x295: {  	_ =	shalt  }

</sc_bundles>
